<compile_context>
chip_gen: v7x
topology: tpu7x:2x2x1
jax: 0.10.2.dev20260603
libtpu: 0.0.44.dev20260713+nightly
codegen_flags: <defaults>
</compile_context>

<pallas_src>
import functools
import math

import jax
import jax.numpy as jnp
from jax.experimental import pallas as pl
from jax.experimental.pallas import tpu as pltpu
from jax.experimental.pallas import tpu_sc as plsc

B = 2; C = 256; H = 38; W = 50; A = 3; STRIDE = 16
PRE_NMS = 2000; POST_NMS = 1000; NMS_THRESH = 0.7
IMG_H = H * STRIDE; IMG_W = W * STRIDE
SCALE_CLAMP = math.log(1000.0 / 16)

Wp = W + 2
P = H * Wp
XCOLS = P + 128
NSEL = 2048
NANCH = A * P
NANCH_PAD = 6016
OUT_PAD = 5120
INT_MIN = -(2 ** 31)



def _k1_body(x_ref, cw_ref, cb_ref, lw_ref, lb_ref, dw_ref, db_ref,
             keys_ref, x1_ref, y1_ref, x2_ref, y2_ref, meta_ref):
    xb = x_ref[0].astype(jnp.bfloat16)
    acc = jnp.zeros((C, P), jnp.float32)
    for ky in range(3):
        for kx in range(3):
            off = ky * Wp + kx
            wt = cw_ref[ky, kx].astype(jnp.bfloat16)
            xs = xb[:, off:off + P]
            acc = acc + jax.lax.dot_general(
                wt, xs, (((1,), (0,)), ((), ())),
                preferred_element_type=jnp.float32)
    t = jax.nn.relu(acc + cb_ref[:, :1])
    tb = t.astype(jnp.bfloat16)
    logits = jax.lax.dot_general(
        lw_ref[...].astype(jnp.bfloat16), tb, (((1,), (0,)), ((), ())),
        preferred_element_type=jnp.float32) + lb_ref[:, :1]
    deltas = jax.lax.dot_general(
        dw_ref[...].astype(jnp.bfloat16), tb, (((1,), (0,)), ((), ())),
        preferred_element_type=jnp.float32) + db_ref[:, :1]

    lane = jax.lax.broadcasted_iota(jnp.int32, (1, P), 1)
    wpos = lane % Wp
    hpos = lane // Wp
    invalid = wpos >= W
    cxa = (wpos.astype(jnp.float32) + 0.5) * STRIDE
    cya = (hpos.astype(jnp.float32) + 0.5) * STRIDE

    keys_rows = []
    coords = {k: [] for k in ("x1", "y1", "x2", "y2")}
    for a in range(A):
        wa = float([64.0, 128.0, 256.0][a])
        dx = deltas[4 * a:4 * a + 1]
        dy = deltas[4 * a + 1:4 * a + 2]
        dw = jnp.minimum(deltas[4 * a + 2:4 * a + 3], SCALE_CLAMP)
        dh = jnp.minimum(deltas[4 * a + 3:4 * a + 4], SCALE_CLAMP)
        pcx = dx * wa + cxa
        pcy = dy * wa + cya
        pw = jnp.exp(dw) * wa
        ph = jnp.exp(dh) * wa
        x1 = jnp.clip(pcx - 0.5 * pw, 0.0, float(IMG_W))
        y1 = jnp.clip(pcy - 0.5 * ph, 0.0, float(IMG_H))
        x2 = jnp.clip(pcx + 0.5 * pw, 0.0, float(IMG_W))
        y2 = jnp.clip(pcy + 0.5 * ph, 0.0, float(IMG_H))
        coords["x1"].append(x1); coords["y1"].append(y1)
        coords["x2"].append(x2); coords["y2"].append(y2)
        sb = jax.lax.bitcast_convert_type(logits[a:a + 1], jnp.int32)
        key = jnp.where(sb >= 0, sb, sb ^ jnp.int32(0x7FFFFFFF))
        key = jnp.where(invalid, jnp.int32(INT_MIN), key)
        keys_rows.append(key)

    keys = jnp.concatenate(keys_rows, axis=0)
    bk = jax.lax.bitcast_convert_type(
        keys ^ jnp.int32(INT_MIN), jnp.uint32)

    prefix = jnp.zeros((1, 1), jnp.uint32)
    for b in range(31, -1, -1):
        test = prefix | jnp.uint32(1 << b)
        cnt = jnp.sum((bk >= test).astype(jnp.int32), axis=(0, 1),
                      keepdims=True)
        prefix = jnp.where(cnt >= PRE_NMS, test, prefix)
    g_cnt = jnp.sum((bk > prefix).astype(jnp.int32), axis=(0, 1),
                    keepdims=True)
    t_signed = jax.lax.bitcast_convert_type(
        prefix, jnp.int32) ^ jnp.int32(INT_MIN)

    keys_ref[0] = keys
    x1_ref[0] = jnp.concatenate(coords["x1"], axis=0)
    y1_ref[0] = jnp.concatenate(coords["y1"], axis=0)
    x2_ref[0] = jnp.concatenate(coords["x2"], axis=0)
    y2_ref[0] = jnp.concatenate(coords["y2"], axis=0)
    l2 = jax.lax.broadcasted_iota(jnp.int32, (8, 128), 1)
    s2 = jax.lax.broadcasted_iota(jnp.int32, (8, 128), 0)
    tb2 = jnp.broadcast_to(t_signed, (8, 128))
    gb2 = jnp.broadcast_to(g_cnt, (8, 128))
    meta = jnp.where((s2 == 0) & (l2 == 0), tb2,
                     jnp.where((s2 == 0) & (l2 == 1), gb2, 0))
    meta_ref[0] = meta


def _run_k1(xflat, conv_w, conv_b, logit_w, logit_b, delta_w, delta_b):
    out_shapes = [
        jax.ShapeDtypeStruct((B, A, P), jnp.int32),
        jax.ShapeDtypeStruct((B, A, P), jnp.float32),
        jax.ShapeDtypeStruct((B, A, P), jnp.float32),
        jax.ShapeDtypeStruct((B, A, P), jnp.float32),
        jax.ShapeDtypeStruct((B, A, P), jnp.float32),
        jax.ShapeDtypeStruct((B, 8, 128), jnp.int32),
    ]
    full = lambda *shape: pl.BlockSpec(shape, lambda b: (0,) * len(shape))
    per_img = lambda *shape: pl.BlockSpec((1,) + shape,
                                          lambda b: (b,) + (0,) * len(shape))
    return pl.pallas_call(
        _k1_body,
        grid=(B,),
        in_specs=[
            per_img(C, XCOLS),
            full(3, 3, C, C),
            full(C, 128),
            full(A, C),
            full(A, 128),
            full(4 * A, C),
            full(4 * A, 128),
        ],
        out_specs=[per_img(A, P)] * 5 + [per_img(8, 128)],
        out_shape=out_shapes,
    )(xflat, conv_w, conv_b, logit_w, logit_b, delta_w, delta_b)



def _k2_body(keys_h, x1_h, y1_h, x2_h, y2_h, meta_h,
             okeys_h, ox1_h, oy1_h, ox2_h, oy2_h,
             keys_v, x1_v, y1_v, x2_v, y2_v, meta_v,
             okeys_v, ox1_v, oy1_v, ox2_v, oy2_v):
    wid = jax.lax.axis_index("s") * 2 + jax.lax.axis_index("c")

    @pl.when(wid < B)
    def _():
        b = wid
        pltpu.sync_copy(keys_h.at[b], keys_v)
        pltpu.sync_copy(x1_h.at[b], x1_v)
        pltpu.sync_copy(y1_h.at[b], y1_v)
        pltpu.sync_copy(x2_h.at[b], x2_v)
        pltpu.sync_copy(y2_h.at[b], y2_v)
        pltpu.sync_copy(meta_h.at[b], meta_v)
        mv = meta_v[pl.ds(0, 16)]
        thr = mv[0]
        e_fill = PRE_NMS - mv[1]

        def init(i, _):
            sl = pl.ds(i * 16, 16)
            okeys_v[sl] = jnp.full((16,), INT_MIN, jnp.int32)
            ox1_v[sl] = jnp.zeros((16,), jnp.float32)
            oy1_v[sl] = jnp.zeros((16,), jnp.float32)
            ox2_v[sl] = jnp.zeros((16,), jnp.float32)
            oy2_v[sl] = jnp.zeros((16,), jnp.float32)
            return 0
        jax.lax.fori_loop(0, NSEL // 16, init, 0)

        def step(i, carry):
            cnt_eq, cnt_sel = carry
            s16 = i * 16 + jax.lax.iota(jnp.int32, 16)
            valid = s16 < H * W * A
            p = s16 // 3
            a = s16 - 3 * p
            h = p // W
            w = p - W * h
            idx = a * P + h * Wp + w
            idx = jnp.where(valid, idx, 0)
            key = plsc.load_gather(keys_v, [idx])
            gt = (key > thr) & valid
            eq = (key == thr) & valid
            eqc = plsc.cumsum(eq.astype(jnp.int32))
            eq_excl = eqc - eq.astype(jnp.int32) + cnt_eq
            sel = gt | (eq & (eq_excl < e_fill))
            sc = plsc.cumsum(sel.astype(jnp.int32))
            pos = sc - sel.astype(jnp.int32) + cnt_sel
            plsc.store_scatter(okeys_v, [pos], key, mask=sel)
            for src, dst in ((x1_v, ox1_v), (y1_v, oy1_v),
                             (x2_v, ox2_v), (y2_v, oy2_v)):
                v = plsc.load_gather(src, [idx])
                plsc.store_scatter(dst, [pos], v, mask=sel)
            cnt_eq = cnt_eq + jnp.sum(eq.astype(jnp.int32), axis=0)
            cnt_sel = cnt_sel + jnp.sum(sel.astype(jnp.int32), axis=0)
            return cnt_eq, cnt_sel

        nchunks = (H * W * A + 15) // 16
        jax.lax.fori_loop(0, nchunks, step,
                          (jnp.int32(0), jnp.int32(0)))

        pltpu.sync_copy(okeys_v, okeys_h.at[b])
        pltpu.sync_copy(ox1_v, ox1_h.at[b])
        pltpu.sync_copy(oy1_v, oy1_h.at[b])
        pltpu.sync_copy(ox2_v, ox2_h.at[b])
        pltpu.sync_copy(oy2_v, oy2_h.at[b])


def _run_k2(keys, x1, y1, x2, y2, meta):
    mesh = plsc.VectorSubcoreMesh(core_axis_name="c", subcore_axis_name="s")
    fn = pl.kernel(
        _k2_body,
        compiler_params=pltpu.CompilerParams(needs_layout_passes=False),
        out_type=[
            jax.ShapeDtypeStruct((B, NSEL), jnp.int32),
            jax.ShapeDtypeStruct((B, NSEL), jnp.float32),
            jax.ShapeDtypeStruct((B, NSEL), jnp.float32),
            jax.ShapeDtypeStruct((B, NSEL), jnp.float32),
            jax.ShapeDtypeStruct((B, NSEL), jnp.float32),
        ],
        mesh=mesh,
        scratch_types=[
            pltpu.VMEM((NANCH_PAD,), jnp.int32),
            pltpu.VMEM((NANCH_PAD,), jnp.float32),
            pltpu.VMEM((NANCH_PAD,), jnp.float32),
            pltpu.VMEM((NANCH_PAD,), jnp.float32),
            pltpu.VMEM((NANCH_PAD,), jnp.float32),
            pltpu.VMEM((1024,), jnp.int32),
            pltpu.VMEM((NSEL,), jnp.int32),
            pltpu.VMEM((NSEL,), jnp.float32),
            pltpu.VMEM((NSEL,), jnp.float32),
            pltpu.VMEM((NSEL,), jnp.float32),
            pltpu.VMEM((NSEL,), jnp.float32),
        ],
    )
    padr = lambda a: jnp.pad(a.reshape(B, NANCH),
                             ((0, 0), (0, NANCH_PAD - NANCH)))
    return fn(padr(keys), padr(x1), padr(y1), padr(x2), padr(y2),
              meta.reshape(B, 8 * 128))



def _k3_body(kr_ref, x1r_ref, y1r_ref, x2r_ref, y2r_ref,
             pos_ref, fsc_ref, s_ref, m_ref, keep_ref, ct_ref):
    kr = kr_ref[0]
    x1r = x1r_ref[0]; y1r = y1r_ref[0]
    x2r = x2r_ref[0]; y2r = y2r_ref[0]
    area_r = (x2r - x1r) * (y2r - y1r)
    RB = 16
    lane16 = jax.lax.broadcasted_iota(jnp.int32, (RB, NSEL), 1)
    lane = jax.lax.broadcasted_iota(jnp.int32, (8, NSEL), 1)

    rows8 = jnp.concatenate(
        [jax.lax.bitcast_convert_type(kr, jnp.float32),
         x1r, y1r, x2r, y2r, area_r,
         jnp.zeros((2, NSEL), jnp.float32)], axis=0)
    ct_ref[...] = jnp.transpose(rows8, (1, 0))

    def build(jb, _):
        base = pl.multiple_of(jb * RB, RB)
        sl = pl.ds(base, RB)
        blk = ct_ref[sl, :]
        kj = jax.lax.bitcast_convert_type(blk[:, 0:1], jnp.int32)
        x1j = blk[:, 1:2]; y1j = blk[:, 2:3]
        x2j = blk[:, 3:4]; y2j = blk[:, 4:5]
        area_j = blk[:, 5:6]
        jidx = jb * RB + jax.lax.broadcasted_iota(jnp.int32, (RB, NSEL), 0)
        kjb = jnp.broadcast_to(kj, (RB, NSEL))
        krb = jnp.broadcast_to(kr, (RB, NSEL))
        mm = (kjb > krb) | ((kjb == krb) & (jidx < lane16))
        xx1 = jnp.maximum(jnp.broadcast_to(x1j, (RB, NSEL)),
                          jnp.broadcast_to(x1r, (RB, NSEL)))
        yy1 = jnp.maximum(jnp.broadcast_to(y1j, (RB, NSEL)),
                          jnp.broadcast_to(y1r, (RB, NSEL)))
        xx2 = jnp.minimum(jnp.broadcast_to(x2j, (RB, NSEL)),
                          jnp.broadcast_to(x2r, (RB, NSEL)))
        yy2 = jnp.minimum(jnp.broadcast_to(y2j, (RB, NSEL)),
                          jnp.broadcast_to(y2r, (RB, NSEL)))
        ww = jnp.maximum(xx2 - xx1, 0.0)
        hh = jnp.maximum(yy2 - yy1, 0.0)
        inter = ww * hh
        iou = inter / (jnp.broadcast_to(area_j, (RB, NSEL)) +
                       jnp.broadcast_to(area_r, (RB, NSEL)) - inter + 1e-9)
        sup = (iou > NMS_THRESH) & mm
        s_ref[sl, :] = sup.astype(jnp.bfloat16)
        m_ref[sl, :] = mm.astype(jnp.bfloat16)
        return 0

    jax.lax.fori_loop(0, NSEL // RB, build, 0)

    keep_ref[...] = jnp.ones((8, NSEL), jnp.float32)

    def fstep(keep):
        supn = jax.lax.dot_general(
            keep.astype(jnp.bfloat16), s_ref[...],
            (((1,), (0,)), ((), ())), preferred_element_type=jnp.float32)
        return (supn == 0.0).astype(jnp.float32)

    def fix_body(_):
        mid = fstep(keep_ref[...])
        new = fstep(mid)
        keep_ref[...] = new
        return jnp.any(new != mid)

    jax.lax.while_loop(lambda c: c, lambda c: fix_body(c), jnp.bool_(True))

    keep = keep_ref[...]
    real = (lane < PRE_NMS).astype(jnp.float32)
    kept = keep * real
    unkept = (1.0 - keep) * real
    mfull = m_ref[...]
    pk = jax.lax.dot_general(kept.astype(jnp.bfloat16), mfull,
                             (((1,), (0,)), ((), ())),
                             preferred_element_type=jnp.float32)
    pu = jax.lax.dot_general(unkept.astype(jnp.bfloat16), mfull,
                             (((1,), (0,)), ((), ())),
                             preferred_element_type=jnp.float32)
    kcnt = jnp.sum(kept[:1], axis=(0, 1), keepdims=True)
    pos = jnp.where(kept[:1] > 0, pk[:1], kcnt + pu[:1])
    pos_ref[0, 0, :] = pos[0].astype(jnp.int32)
    sb = jnp.where(kr < 0, kr ^ jnp.int32(0x7FFFFFFF), kr)
    score = jax.lax.bitcast_convert_type(sb, jnp.float32)
    fsc_ref[0, 0, :] = jnp.where(kept[:1] > 0, score, jnp.float32(-1e9))[0]


def _run_k3(okeys, ox1, oy1, ox2, oy2):
    row = lambda: pl.BlockSpec((1, 1, NSEL), lambda b: (b, 0, 0))
    rs = lambda a: a.reshape(B, 1, NSEL)
    return pl.pallas_call(
        _k3_body,
        grid=(B,),
        in_specs=[row()] * 5,
        out_specs=[pl.BlockSpec((1, 1, NSEL), lambda b: (b, 0, 0))] * 2,
        out_shape=[
            jax.ShapeDtypeStruct((B, 1, NSEL), jnp.int32),
            jax.ShapeDtypeStruct((B, 1, NSEL), jnp.float32),
        ],
        scratch_shapes=[
            pltpu.VMEM((NSEL, NSEL), jnp.bfloat16),
            pltpu.VMEM((NSEL, NSEL), jnp.bfloat16),
            pltpu.VMEM((8, NSEL), jnp.float32),
            pltpu.VMEM((NSEL, 8), jnp.float32),
        ],
    )(rs(okeys), rs(ox1), rs(oy1), rs(ox2), rs(oy2))



def _k4_body(pos_h, fsc_h, ox1_h, oy1_h, ox2_h, oy2_h, out_h,
             pos_v, fsc_v, x1_v, y1_v, x2_v, y2_v, out_v):
    wid = jax.lax.axis_index("s") * 2 + jax.lax.axis_index("c")

    @pl.when(wid < B)
    def _():
        b = wid
        pltpu.sync_copy(pos_h.at[b], pos_v)
        pltpu.sync_copy(fsc_h.at[b], fsc_v)
        pltpu.sync_copy(ox1_h.at[b], x1_v)
        pltpu.sync_copy(oy1_h.at[b], y1_v)
        pltpu.sync_copy(ox2_h.at[b], x2_v)
        pltpu.sync_copy(oy2_h.at[b], y2_v)

        def step(i, _):
            sl = pl.ds(i * 16, 16)
            p16 = pos_v[sl]
            m = p16 < POST_NMS
            base = jnp.where(m, p16 * 5, 0)
            plsc.store_scatter(out_v, [base + 0], x1_v[sl], mask=m)
            plsc.store_scatter(out_v, [base + 1], y1_v[sl], mask=m)
            plsc.store_scatter(out_v, [base + 2], x2_v[sl], mask=m)
            plsc.store_scatter(out_v, [base + 3], y2_v[sl], mask=m)
            plsc.store_scatter(out_v, [base + 4], fsc_v[sl], mask=m)
            return 0
        jax.lax.fori_loop(0, NSEL // 16, step, 0)
        pltpu.sync_copy(out_v, out_h.at[b])


def _run_k4(pos, fsc, ox1, oy1, ox2, oy2):
    mesh = plsc.VectorSubcoreMesh(core_axis_name="c", subcore_axis_name="s")
    fn = pl.kernel(
        _k4_body,
        compiler_params=pltpu.CompilerParams(needs_layout_passes=False),
        out_type=[jax.ShapeDtypeStruct((B, OUT_PAD), jnp.float32)],
        mesh=mesh,
        scratch_types=[
            pltpu.VMEM((NSEL,), jnp.int32),
            pltpu.VMEM((NSEL,), jnp.float32),
            pltpu.VMEM((NSEL,), jnp.float32),
            pltpu.VMEM((NSEL,), jnp.float32),
            pltpu.VMEM((NSEL,), jnp.float32),
            pltpu.VMEM((NSEL,), jnp.float32),
            pltpu.VMEM((OUT_PAD,), jnp.float32),
        ],
    )
    return fn(pos, fsc, ox1, oy1, ox2, oy2)[0]



def kernel(features, conv_w, conv_b, logit_w, logit_b, delta_w, delta_b,
           anchors):
    del anchors
    xp = jnp.pad(features, ((0, 0), (0, 0), (1, 1), (1, 1)))
    xflat = jnp.pad(xp.reshape(B, C, (H + 2) * Wp),
                    ((0, 0), (0, 0), (0, XCOLS - (H + 2) * Wp)))
    cw = jnp.transpose(conv_w, (2, 3, 0, 1))
    cb = jnp.broadcast_to(conv_b[:, None], (C, 128))
    lw = logit_w[:, :, 0, 0]
    lb = jnp.broadcast_to(logit_b[:, None], (A, 128))
    dw = delta_w[:, :, 0, 0]
    db = jnp.broadcast_to(delta_b[:, None], (4 * A, 128))

    keys, x1, y1, x2, y2, meta = _run_k1(xflat, cw, cb, lw, lb, dw, db)
    okeys, ox1, oy1, ox2, oy2 = _run_k2(keys, x1, y1, x2, y2, meta)
    pos, fsc = _run_k3(okeys, ox1, oy1, ox2, oy2)
    flat = _run_k4(pos.reshape(B, NSEL), fsc.reshape(B, NSEL),
                   ox1, oy1, ox2, oy2)
    return flat[:, :POST_NMS * 5].reshape(B, POST_NMS, 5)

# --- scband reference (transcript-rebuilt; emitter-appended) ---
"""Pipeline reference for scband-rpn-23845658427978 (READ-ONLY COPY).

The authoritative reference and input builder live on the scoring server;
editing this copy changes nothing except your own understanding.
"""

import jax, jax.numpy as jnp
import numpy as np
import math

B = 2; C = 256; H = 38; W = 50; A = 3; STRIDE = 16
PRE_NMS = 2000; POST_NMS = 1000; NMS_THRESH = 0.7
IMG_H = H * STRIDE; IMG_W = W * STRIDE
SCALE_CLAMP = math.log(1000.0 / 16)


def _make_anchors():
    sizes = np.array([64.0, 128.0, 256.0])
    base = np.stack([-sizes / 2, -sizes / 2, sizes / 2, sizes / 2], axis=1)
    sx = (np.arange(W) + 0.5) * STRIDE
    sy = (np.arange(H) + 0.5) * STRIDE
    yy, xx = np.meshgrid(sy, sx, indexing='ij')
    shifts = np.stack([xx.ravel(), yy.ravel(), xx.ravel(), yy.ravel()], axis=1)
    return jnp.asarray((shifts[:, None, :] + base[None, :, :]).reshape(-1, 4), jnp.float32)


def _conv2d(x, w):
    return jax.lax.conv_general_dilated(x, w, (1, 1), 'SAME', dimension_numbers=('NCHW', 'OIHW', 'NCHW'))


def _apply_deltas(deltas, anchors):
    wa = anchors[:, 2] - anchors[:, 0]
    ha = anchors[:, 3] - anchors[:, 1]
    cxa = anchors[:, 0] + 0.5 * wa
    cya = anchors[:, 1] + 0.5 * ha
    dx = deltas[..., 0]; dy = deltas[..., 1]
    dw = jnp.minimum(deltas[..., 2], SCALE_CLAMP)
    dh = jnp.minimum(deltas[..., 3], SCALE_CLAMP)
    pcx = dx * wa + cxa
    pcy = dy * ha + cya
    pw = jnp.exp(dw) * wa
    ph = jnp.exp(dh) * ha
    return jnp.stack([pcx - 0.5 * pw, pcy - 0.5 * ph, pcx + 0.5 * pw, pcy + 0.5 * ph], axis=-1)


def _pairwise_iou(boxes):
    area = (boxes[:, 2] - boxes[:, 0]) * (boxes[:, 3] - boxes[:, 1])
    lt = jnp.maximum(boxes[:, None, :2], boxes[None, :, :2])
    rb = jnp.minimum(boxes[:, None, 2:], boxes[None, :, 2:])
    wh = jnp.maximum(rb - lt, 0.0)
    inter = wh[..., 0] * wh[..., 1]
    return inter / (area[:, None] + area[None, :] - inter + 1e-9)


def _nms_keep(boxes):
    ious = _pairwise_iou(boxes)
    idxs = jnp.arange(PRE_NMS)
    def body(i, keep):
        mask = (ious[i] > NMS_THRESH) & (idxs > i)
        return jnp.where(keep[i], keep & (~mask), keep)
    return jax.lax.fori_loop(0, PRE_NMS, body, jnp.ones((PRE_NMS,), bool))


def setup_inputs(seed: int = 0):
    key = jax.random.key(seed)
    ks = jax.random.split(key, 7)
    return {
        'features': jax.random.normal(ks[0], (B, C, H, W), jnp.float32),
        'conv_w': jax.random.normal(ks[1], (C, C, 3, 3), jnp.float32) * 0.02,
        'conv_b': jnp.zeros((C,), jnp.float32),
        'logit_w': jax.random.normal(ks[2], (A, C, 1, 1), jnp.float32) * 0.02,
        'logit_b': jnp.zeros((A,), jnp.float32),
        'delta_w': jax.random.normal(ks[3], (4 * A, C, 1, 1), jnp.float32) * 0.01,
        'delta_b': jnp.zeros((4 * A,), jnp.float32),
        'anchors': _make_anchors(),
    }


def reference(features, conv_w, conv_b, logit_w, logit_b, delta_w, delta_b, anchors):
    # RPN head: shared 3x3 conv + relu, then 1x1 objectness and 1x1 anchor deltas
    t = jax.nn.relu(_conv2d(features, conv_w) + conv_b[None, :, None, None])
    logits = _conv2d(t, logit_w) + logit_b[None, :, None, None]
    deltas = _conv2d(t, delta_w) + delta_b[None, :, None, None]
    scores = jnp.transpose(logits, (0, 2, 3, 1)).reshape(B, -1)
    deltas = jnp.transpose(deltas.reshape(B, A, 4, H, W), (0, 3, 4, 1, 2)).reshape(B, -1, 4)
    proposals = _apply_deltas(deltas, anchors)
    # pre-NMS top-k (sorted descending)
    top_scores, idx = jax.lax.top_k(scores, PRE_NMS)
    boxes = jnp.take_along_axis(proposals, idx[..., None], axis=1)
    x1 = jnp.clip(boxes[..., 0], 0.0, IMG_W); y1 = jnp.clip(boxes[..., 1], 0.0, IMG_H)
    x2 = jnp.clip(boxes[..., 2], 0.0, IMG_W); y2 = jnp.clip(boxes[..., 3], 0.0, IMG_H)
    boxes = jnp.stack([x1, y1, x2, y2], axis=-1)
    # greedy NMS per image (indices are non-differentiable selections)
    keep = jax.vmap(_nms_keep)(jax.lax.stop_gradient(boxes))
    masked = jnp.where(keep, top_scores, -1e9)
    final_scores, idx2 = jax.lax.top_k(masked, POST_NMS)
    final_boxes = jnp.take_along_axis(boxes, idx2[..., None], axis=1)
    return jnp.concatenate([final_boxes, final_scores[..., None]], axis=-1)

if __name__ == "__main__":
    import jax
    _d = setup_inputs()
    print(jax.jit(kernel)(*tuple(_d.values())))

</pallas_src>

<mosaic_0001>
#map = affine_map<(d0, d1) -> (0, 0)>
module attributes {stable_mosaic.version = 14 : i64} {
  func.func @_k4_body(%arg0: i32, %arg1: i32, %arg2: memref<2x2048xi32, #tpu.memory_space<hbm>>, %arg3: memref<2x2048xf32, #tpu.memory_space<hbm>>, %arg4: memref<2x2048xf32, #tpu.memory_space<hbm>>, %arg5: memref<2x2048xf32, #tpu.memory_space<hbm>>, %arg6: memref<2x2048xf32, #tpu.memory_space<hbm>>, %arg7: memref<2x2048xf32, #tpu.memory_space<hbm>>, %arg8: memref<2x5120xf32, #tpu.memory_space<hbm>>, %arg9: memref<2048xi32, #tpu.memory_space<vmem>>, %arg10: memref<2048xf32, #tpu.memory_space<vmem>>, %arg11: memref<2048xf32, #tpu.memory_space<vmem>>, %arg12: memref<2048xf32, #tpu.memory_space<vmem>>, %arg13: memref<2048xf32, #tpu.memory_space<vmem>>, %arg14: memref<2048xf32, #tpu.memory_space<vmem>>, %arg15: memref<5120xf32, #tpu.memory_space<vmem>>) attributes {dimension_semantics = [#tpu.dimension_semantics<core_parallel>, #tpu.dimension_semantics<subcore_parallel>], iteration_bounds = array<i64: 2, 16>, scalar_prefetch = 0 : i64, scratch_operands = 7 : i64, tpu.core_type = #tpu.core_type<sc_vector_subcore>, window_params = [{transform_indices = #map}, {transform_indices = #map}, {transform_indices = #map}, {transform_indices = #map}, {transform_indices = #map}, {transform_indices = #map}, {transform_indices = #map}]} {
    %mul3A = arith.constant 2 : i32
    %mul3A_0 = arith.muli %arg1, %mul3A : i32
    %add3A = arith.addi %mul3A_0, %arg0 : i32
    %lt3A = arith.constant 2 : i32
    %lt3A_1 = arith.cmpi slt, %add3A, %lt3A : i32
    %convert_element_type3A = arith.extui %lt3A_1 : i1 to i32
    %cond3A = arith.constant 0 : i32
    %cond3A_2 = arith.cmpi ne, %convert_element_type3A, %cond3A : i32
    scf.if %cond3A_2 {
      "tpu.region"() ({
        %run_scoped3A = tpu.sem_alloc : memref<!tpu.dma_semaphore, #tpu.memory_space<semaphore_mem>>
        %dma_start3A = arith.constant 0 : i32
        %dma_start3A_9 = tpu.memref_slice %arg2[%add3A, %dma_start3A] : memref<2x2048xi32, #tpu.memory_space<hbm>> -> memref<1x2048xi32, #tpu.memory_space<hbm>>
        %dma_start3A_10 = tpu.memref_squeeze %dma_start3A_9 : memref<1x2048xi32, #tpu.memory_space<hbm>> -> memref<2048xi32, #tpu.memory_space<hbm>>
        %dma_start3A_11 = arith.constant 0 : i32
        %dma_start3A_12 = tpu.memref_slice %arg2[%add3A, %dma_start3A_11] : memref<2x2048xi32, #tpu.memory_space<hbm>> -> memref<1x2048xi32, #tpu.memory_space<hbm>>
        %dma_start3A_13 = tpu.memref_squeeze %dma_start3A_12 : memref<1x2048xi32, #tpu.memory_space<hbm>> -> memref<2048xi32, #tpu.memory_space<hbm>>
        tpu.enqueue_dma source(%dma_start3A_13 : memref<2048xi32, #tpu.memory_space<hbm>>) target(%arg9 : memref<2048xi32, #tpu.memory_space<vmem>>) target_semaphore(%run_scoped3A : memref<!tpu.dma_semaphore, #tpu.memory_space<semaphore_mem>>)
        %dma_wait3A = arith.constant 0 : i32
        %dma_wait3A_14 = tpu.memref_slice %arg2[%add3A, %dma_wait3A] : memref<2x2048xi32, #tpu.memory_space<hbm>> -> memref<1x2048xi32, #tpu.memory_space<hbm>>
        %dma_wait3A_15 = tpu.memref_squeeze %dma_wait3A_14 : memref<1x2048xi32, #tpu.memory_space<hbm>> -> memref<2048xi32, #tpu.memory_space<hbm>>
        %dma_wait3A_16 = arith.constant 0 : i32
        %dma_wait3A_17 = tpu.memref_slice %arg2[%add3A, %dma_wait3A_16] : memref<2x2048xi32, #tpu.memory_space<hbm>> -> memref<1x2048xi32, #tpu.memory_space<hbm>>
        %dma_wait3A_18 = tpu.memref_squeeze %dma_wait3A_17 : memref<1x2048xi32, #tpu.memory_space<hbm>> -> memref<2048xi32, #tpu.memory_space<hbm>>
        tpu.wait_dma2 semaphore(%run_scoped3A : memref<!tpu.dma_semaphore, #tpu.memory_space<semaphore_mem>>) src(%dma_wait3A_18 : memref<2048xi32, #tpu.memory_space<hbm>>) dst(%arg9 : memref<2048xi32, #tpu.memory_space<vmem>>)
        tpu.yield
      }) : () -> ()
      "tpu.region"() ({
        %run_scoped3A = tpu.sem_alloc : memref<!tpu.dma_semaphore, #tpu.memory_space<semaphore_mem>>
        %dma_start3A = arith.constant 0 : i32
        %dma_start3A_9 = tpu.memref_slice %arg3[%add3A, %dma_start3A] : memref<2x2048xf32, #tpu.memory_space<hbm>> -> memref<1x2048xf32, #tpu.memory_space<hbm>>
        %dma_start3A_10 = tpu.memref_squeeze %dma_start3A_9 : memref<1x2048xf32, #tpu.memory_space<hbm>> -> memref<2048xf32, #tpu.memory_space<hbm>>
        %dma_start3A_11 = arith.constant 0 : i32
        %dma_start3A_12 = tpu.memref_slice %arg3[%add3A, %dma_start3A_11] : memref<2x2048xf32, #tpu.memory_space<hbm>> -> memref<1x2048xf32, #tpu.memory_space<hbm>>
        %dma_start3A_13 = tpu.memref_squeeze %dma_start3A_12 : memref<1x2048xf32, #tpu.memory_space<hbm>> -> memref<2048xf32, #tpu.memory_space<hbm>>
        tpu.enqueue_dma source(%dma_start3A_13 : memref<2048xf32, #tpu.memory_space<hbm>>) target(%arg10 : memref<2048xf32, #tpu.memory_space<vmem>>) target_semaphore(%run_scoped3A : memref<!tpu.dma_semaphore, #tpu.memory_space<semaphore_mem>>)
        %dma_wait3A = arith.constant 0 : i32
        %dma_wait3A_14 = tpu.memref_slice %arg3[%add3A, %dma_wait3A] : memref<2x2048xf32, #tpu.memory_space<hbm>> -> memref<1x2048xf32, #tpu.memory_space<hbm>>
        %dma_wait3A_15 = tpu.memref_squeeze %dma_wait3A_14 : memref<1x2048xf32, #tpu.memory_space<hbm>> -> memref<2048xf32, #tpu.memory_space<hbm>>
        %dma_wait3A_16 = arith.constant 0 : i32
        %dma_wait3A_17 = tpu.memref_slice %arg3[%add3A, %dma_wait3A_16] : memref<2x2048xf32, #tpu.memory_space<hbm>> -> memref<1x2048xf32, #tpu.memory_space<hbm>>
        %dma_wait3A_18 = tpu.memref_squeeze %dma_wait3A_17 : memref<1x2048xf32, #tpu.memory_space<hbm>> -> memref<2048xf32, #tpu.memory_space<hbm>>
        tpu.wait_dma2 semaphore(%run_scoped3A : memref<!tpu.dma_semaphore, #tpu.memory_space<semaphore_mem>>) src(%dma_wait3A_18 : memref<2048xf32, #tpu.memory_space<hbm>>) dst(%arg10 : memref<2048xf32, #tpu.memory_space<vmem>>)
        tpu.yield
      }) : () -> ()
      "tpu.region"() ({
        %run_scoped3A = tpu.sem_alloc : memref<!tpu.dma_semaphore, #tpu.memory_space<semaphore_mem>>
        %dma_start3A = arith.constant 0 : i32
        %dma_start3A_9 = tpu.memref_slice %arg4[%add3A, %dma_start3A] : memref<2x2048xf32, #tpu.memory_space<hbm>> -> memref<1x2048xf32, #tpu.memory_space<hbm>>
        %dma_start3A_10 = tpu.memref_squeeze %dma_start3A_9 : memref<1x2048xf32, #tpu.memory_space<hbm>> -> memref<2048xf32, #tpu.memory_space<hbm>>
        %dma_start3A_11 = arith.constant 0 : i32
        %dma_start3A_12 = tpu.memref_slice %arg4[%add3A, %dma_start3A_11] : memref<2x2048xf32, #tpu.memory_space<hbm>> -> memref<1x2048xf32, #tpu.memory_space<hbm>>
        %dma_start3A_13 = tpu.memref_squeeze %dma_start3A_12 : memref<1x2048xf32, #tpu.memory_space<hbm>> -> memref<2048xf32, #tpu.memory_space<hbm>>
        tpu.enqueue_dma source(%dma_start3A_13 : memref<2048xf32, #tpu.memory_space<hbm>>) target(%arg11 : memref<2048xf32, #tpu.memory_space<vmem>>) target_semaphore(%run_scoped3A : memref<!tpu.dma_semaphore, #tpu.memory_space<semaphore_mem>>)
        %dma_wait3A = arith.constant 0 : i32
        %dma_wait3A_14 = tpu.memref_slice %arg4[%add3A, %dma_wait3A] : memref<2x2048xf32, #tpu.memory_space<hbm>> -> memref<1x2048xf32, #tpu.memory_space<hbm>>
        %dma_wait3A_15 = tpu.memref_squeeze %dma_wait3A_14 : memref<1x2048xf32, #tpu.memory_space<hbm>> -> memref<2048xf32, #tpu.memory_space<hbm>>
        %dma_wait3A_16 = arith.constant 0 : i32
        %dma_wait3A_17 = tpu.memref_slice %arg4[%add3A, %dma_wait3A_16] : memref<2x2048xf32, #tpu.memory_space<hbm>> -> memref<1x2048xf32, #tpu.memory_space<hbm>>
        %dma_wait3A_18 = tpu.memref_squeeze %dma_wait3A_17 : memref<1x2048xf32, #tpu.memory_space<hbm>> -> memref<2048xf32, #tpu.memory_space<hbm>>
        tpu.wait_dma2 semaphore(%run_scoped3A : memref<!tpu.dma_semaphore, #tpu.memory_space<semaphore_mem>>) src(%dma_wait3A_18 : memref<2048xf32, #tpu.memory_space<hbm>>) dst(%arg11 : memref<2048xf32, #tpu.memory_space<vmem>>)
        tpu.yield
      }) : () -> ()
      "tpu.region"() ({
        %run_scoped3A = tpu.sem_alloc : memref<!tpu.dma_semaphore, #tpu.memory_space<semaphore_mem>>
        %dma_start3A = arith.constant 0 : i32
        %dma_start3A_9 = tpu.memref_slice %arg5[%add3A, %dma_start3A] : memref<2x2048xf32, #tpu.memory_space<hbm>> -> memref<1x2048xf32, #tpu.memory_space<hbm>>
        %dma_start3A_10 = tpu.memref_squeeze %dma_start3A_9 : memref<1x2048xf32, #tpu.memory_space<hbm>> -> memref<2048xf32, #tpu.memory_space<hbm>>
        %dma_start3A_11 = arith.constant 0 : i32
        %dma_start3A_12 = tpu.memref_slice %arg5[%add3A, %dma_start3A_11] : memref<2x2048xf32, #tpu.memory_space<hbm>> -> memref<1x2048xf32, #tpu.memory_space<hbm>>
        %dma_start3A_13 = tpu.memref_squeeze %dma_start3A_12 : memref<1x2048xf32, #tpu.memory_space<hbm>> -> memref<2048xf32, #tpu.memory_space<hbm>>
        tpu.enqueue_dma source(%dma_start3A_13 : memref<2048xf32, #tpu.memory_space<hbm>>) target(%arg12 : memref<2048xf32, #tpu.memory_space<vmem>>) target_semaphore(%run_scoped3A : memref<!tpu.dma_semaphore, #tpu.memory_space<semaphore_mem>>)
        %dma_wait3A = arith.constant 0 : i32
        %dma_wait3A_14 = tpu.memref_slice %arg5[%add3A, %dma_wait3A] : memref<2x2048xf32, #tpu.memory_space<hbm>> -> memref<1x2048xf32, #tpu.memory_space<hbm>>
        %dma_wait3A_15 = tpu.memref_squeeze %dma_wait3A_14 : memref<1x2048xf32, #tpu.memory_space<hbm>> -> memref<2048xf32, #tpu.memory_space<hbm>>
        %dma_wait3A_16 = arith.constant 0 : i32
        %dma_wait3A_17 = tpu.memref_slice %arg5[%add3A, %dma_wait3A_16] : memref<2x2048xf32, #tpu.memory_space<hbm>> -> memref<1x2048xf32, #tpu.memory_space<hbm>>
        %dma_wait3A_18 = tpu.memref_squeeze %dma_wait3A_17 : memref<1x2048xf32, #tpu.memory_space<hbm>> -> memref<2048xf32, #tpu.memory_space<hbm>>
        tpu.wait_dma2 semaphore(%run_scoped3A : memref<!tpu.dma_semaphore, #tpu.memory_space<semaphore_mem>>) src(%dma_wait3A_18 : memref<2048xf32, #tpu.memory_space<hbm>>) dst(%arg12 : memref<2048xf32, #tpu.memory_space<vmem>>)
        tpu.yield
      }) : () -> ()
      "tpu.region"() ({
        %run_scoped3A = tpu.sem_alloc : memref<!tpu.dma_semaphore, #tpu.memory_space<semaphore_mem>>
        %dma_start3A = arith.constant 0 : i32
        %dma_start3A_9 = tpu.memref_slice %arg6[%add3A, %dma_start3A] : memref<2x2048xf32, #tpu.memory_space<hbm>> -> memref<1x2048xf32, #tpu.memory_space<hbm>>
        %dma_start3A_10 = tpu.memref_squeeze %dma_start3A_9 : memref<1x2048xf32, #tpu.memory_space<hbm>> -> memref<2048xf32, #tpu.memory_space<hbm>>
        %dma_start3A_11 = arith.constant 0 : i32
        %dma_start3A_12 = tpu.memref_slice %arg6[%add3A, %dma_start3A_11] : memref<2x2048xf32, #tpu.memory_space<hbm>> -> memref<1x2048xf32, #tpu.memory_space<hbm>>
        %dma_start3A_13 = tpu.memref_squeeze %dma_start3A_12 : memref<1x2048xf32, #tpu.memory_space<hbm>> -> memref<2048xf32, #tpu.memory_space<hbm>>
        tpu.enqueue_dma source(%dma_start3A_13 : memref<2048xf32, #tpu.memory_space<hbm>>) target(%arg13 : memref<2048xf32, #tpu.memory_space<vmem>>) target_semaphore(%run_scoped3A : memref<!tpu.dma_semaphore, #tpu.memory_space<semaphore_mem>>)
        %dma_wait3A = arith.constant 0 : i32
        %dma_wait3A_14 = tpu.memref_slice %arg6[%add3A, %dma_wait3A] : memref<2x2048xf32, #tpu.memory_space<hbm>> -> memref<1x2048xf32, #tpu.memory_space<hbm>>
        %dma_wait3A_15 = tpu.memref_squeeze %dma_wait3A_14 : memref<1x2048xf32, #tpu.memory_space<hbm>> -> memref<2048xf32, #tpu.memory_space<hbm>>
        %dma_wait3A_16 = arith.constant 0 : i32
        %dma_wait3A_17 = tpu.memref_slice %arg6[%add3A, %dma_wait3A_16] : memref<2x2048xf32, #tpu.memory_space<hbm>> -> memref<1x2048xf32, #tpu.memory_space<hbm>>
        %dma_wait3A_18 = tpu.memref_squeeze %dma_wait3A_17 : memref<1x2048xf32, #tpu.memory_space<hbm>> -> memref<2048xf32, #tpu.memory_space<hbm>>
        tpu.wait_dma2 semaphore(%run_scoped3A : memref<!tpu.dma_semaphore, #tpu.memory_space<semaphore_mem>>) src(%dma_wait3A_18 : memref<2048xf32, #tpu.memory_space<hbm>>) dst(%arg13 : memref<2048xf32, #tpu.memory_space<vmem>>)
        tpu.yield
      }) : () -> ()
      "tpu.region"() ({
        %run_scoped3A = tpu.sem_alloc : memref<!tpu.dma_semaphore, #tpu.memory_space<semaphore_mem>>
        %dma_start3A = arith.constant 0 : i32
        %dma_start3A_9 = tpu.memref_slice %arg7[%add3A, %dma_start3A] : memref<2x2048xf32, #tpu.memory_space<hbm>> -> memref<1x2048xf32, #tpu.memory_space<hbm>>
        %dma_start3A_10 = tpu.memref_squeeze %dma_start3A_9 : memref<1x2048xf32, #tpu.memory_space<hbm>> -> memref<2048xf32, #tpu.memory_space<hbm>>
        %dma_start3A_11 = arith.constant 0 : i32
        %dma_start3A_12 = tpu.memref_slice %arg7[%add3A, %dma_start3A_11] : memref<2x2048xf32, #tpu.memory_space<hbm>> -> memref<1x2048xf32, #tpu.memory_space<hbm>>
        %dma_start3A_13 = tpu.memref_squeeze %dma_start3A_12 : memref<1x2048xf32, #tpu.memory_space<hbm>> -> memref<2048xf32, #tpu.memory_space<hbm>>
        tpu.enqueue_dma source(%dma_start3A_13 : memref<2048xf32, #tpu.memory_space<hbm>>) target(%arg14 : memref<2048xf32, #tpu.memory_space<vmem>>) target_semaphore(%run_scoped3A : memref<!tpu.dma_semaphore, #tpu.memory_space<semaphore_mem>>)
        %dma_wait3A = arith.constant 0 : i32
        %dma_wait3A_14 = tpu.memref_slice %arg7[%add3A, %dma_wait3A] : memref<2x2048xf32, #tpu.memory_space<hbm>> -> memref<1x2048xf32, #tpu.memory_space<hbm>>
        %dma_wait3A_15 = tpu.memref_squeeze %dma_wait3A_14 : memref<1x2048xf32, #tpu.memory_space<hbm>> -> memref<2048xf32, #tpu.memory_space<hbm>>
        %dma_wait3A_16 = arith.constant 0 : i32
        %dma_wait3A_17 = tpu.memref_slice %arg7[%add3A, %dma_wait3A_16] : memref<2x2048xf32, #tpu.memory_space<hbm>> -> memref<1x2048xf32, #tpu.memory_space<hbm>>
        %dma_wait3A_18 = tpu.memref_squeeze %dma_wait3A_17 : memref<1x2048xf32, #tpu.memory_space<hbm>> -> memref<2048xf32, #tpu.memory_space<hbm>>
        tpu.wait_dma2 semaphore(%run_scoped3A : memref<!tpu.dma_semaphore, #tpu.memory_space<semaphore_mem>>) src(%dma_wait3A_18 : memref<2048xf32, #tpu.memory_space<hbm>>) dst(%arg14 : memref<2048xf32, #tpu.memory_space<vmem>>)
        tpu.yield
      }) : () -> ()
      %scan3A = arith.constant 0 : i32
      %scan3A_3 = arith.constant 0 : i32
      %scan3A_4 = arith.constant 128 : i32
      %scan3A_5 = arith.addi %scan3A_3, %scan3A_4 : i32
      %scan3A_6 = arith.constant 1 : i32
      %scan3A_7 = scf.for %scan3A_9 = %scan3A_3 to %scan3A_5 step %scan3A_6 iter_args(%scan3A_10 = %scan3A) -> (i32)  : i32 {
        %mul3A_11 = arith.constant 16 : i32
        %mul3A_12 = arith.muli %scan3A_9, %mul3A_11 : i32
        %get3A = arith.index_cast %mul3A_12 : i32 to index
        %get3A_13 = tpu.vector_load %arg9[%get3A] {strides = array<i32>} : memref<2048xi32, #tpu.memory_space<vmem>>, vector<16xi32>,
        %lt3A_14 = arith.constant 1000 : i32
        %lt3A_15 = vector.broadcast %lt3A_14 : i32 to vector<16xi32>
        %lt3A_16 = arith.cmpi slt, %get3A_13, %lt3A_15 : vector<16xi32>
        %mul3A_17 = arith.constant 5 : i32
        %mul3A_18 = vector.broadcast %mul3A_17 : i32 to vector<16xi32>
        %mul3A_19 = arith.muli %get3A_13, %mul3A_18 : vector<16xi32>
        %jit3A = arith.constant 0 : i32
        %broadcast_in_dim3A = vector.broadcast %jit3A : i32 to vector<16xi32>
        %select_n3A = arith.select %lt3A_16, %mul3A_19, %broadcast_in_dim3A : vector<16xi1>, vector<16xi32>
        %add3A_20 = arith.constant 0 : i32
        %add3A_21 = vector.broadcast %add3A_20 : i32 to vector<16xi32>
        %add3A_22 = arith.addi %select_n3A, %add3A_21 : vector<16xi32>
        %get3A_23 = arith.index_cast %mul3A_12 : i32 to index
        %get3A_24 = tpu.vector_load %arg11[%get3A_23] {strides = array<i32>} : memref<2048xf32, #tpu.memory_space<vmem>>, vector<16xf32>,
        tpu.vector_store_idx %arg15[%add3A_22], %get3A_24 masked %lt3A_16 : memref<5120xf32, #tpu.memory_space<vmem>>[vector<16xi32>], vector<16xf32>, vector<16xi1>
        %add3A_25 = arith.constant 1 : i32
        %add3A_26 = vector.broadcast %add3A_25 : i32 to vector<16xi32>
        %add3A_27 = arith.addi %select_n3A, %add3A_26 : vector<16xi32>
        %get3A_28 = arith.index_cast %mul3A_12 : i32 to index
        %get3A_29 = tpu.vector_load %arg12[%get3A_28] {strides = array<i32>} : memref<2048xf32, #tpu.memory_space<vmem>>, vector<16xf32>,
        tpu.vector_store_idx %arg15[%add3A_27], %get3A_29 masked %lt3A_16 : memref<5120xf32, #tpu.memory_space<vmem>>[vector<16xi32>], vector<16xf32>, vector<16xi1>
        %add3A_30 = arith.constant 2 : i32
        %add3A_31 = vector.broadcast %add3A_30 : i32 to vector<16xi32>
        %add3A_32 = arith.addi %select_n3A, %add3A_31 : vector<16xi32>
        %get3A_33 = arith.index_cast %mul3A_12 : i32 to index
        %get3A_34 = tpu.vector_load %arg13[%get3A_33] {strides = array<i32>} : memref<2048xf32, #tpu.memory_space<vmem>>, vector<16xf32>,
        tpu.vector_store_idx %arg15[%add3A_32], %get3A_34 masked %lt3A_16 : memref<5120xf32, #tpu.memory_space<vmem>>[vector<16xi32>], vector<16xf32>, vector<16xi1>
        %add3A_35 = arith.constant 3 : i32
        %add3A_36 = vector.broadcast %add3A_35 : i32 to vector<16xi32>
        %add3A_37 = arith.addi %select_n3A, %add3A_36 : vector<16xi32>
        %get3A_38 = arith.index_cast %mul3A_12 : i32 to index
        %get3A_39 = tpu.vector_load %arg14[%get3A_38] {strides = array<i32>} : memref<2048xf32, #tpu.memory_space<vmem>>, vector<16xf32>,
        tpu.vector_store_idx %arg15[%add3A_37], %get3A_39 masked %lt3A_16 : memref<5120xf32, #tpu.memory_space<vmem>>[vector<16xi32>], vector<16xf32>, vector<16xi1>
        %add3A_40 = arith.constant 4 : i32
        %add3A_41 = vector.broadcast %add3A_40 : i32 to vector<16xi32>
        %add3A_42 = arith.addi %select_n3A, %add3A_41 : vector<16xi32>
        %get3A_43 = arith.index_cast %mul3A_12 : i32 to index
        %get3A_44 = tpu.vector_load %arg10[%get3A_43] {strides = array<i32>} : memref<2048xf32, #tpu.memory_space<vmem>>, vector<16xf32>,
        tpu.vector_store_idx %arg15[%add3A_42], %get3A_44 masked %lt3A_16 : memref<5120xf32, #tpu.memory_space<vmem>>[vector<16xi32>], vector<16xf32>, vector<16xi1>
        %scan3A_45 = arith.constant 0 : i32
        scf.yield %scan3A_45 : i32
      }
      %scan3A_8 = arith.constant 128 : i32
      "tpu.region"() ({
        %run_scoped3A = tpu.sem_alloc : memref<!tpu.dma_semaphore, #tpu.memory_space<semaphore_mem>>
        %dma_start3A = arith.constant 0 : i32
        %dma_start3A_9 = tpu.memref_slice %arg8[%add3A, %dma_start3A] : memref<2x5120xf32, #tpu.memory_space<hbm>> -> memref<1x5120xf32, #tpu.memory_space<hbm>>
        %dma_start3A_10 = tpu.memref_squeeze %dma_start3A_9 : memref<1x5120xf32, #tpu.memory_space<hbm>> -> memref<5120xf32, #tpu.memory_space<hbm>>
        %dma_start3A_11 = arith.constant 0 : i32
        %dma_start3A_12 = tpu.memref_slice %arg8[%add3A, %dma_start3A_11] : memref<2x5120xf32, #tpu.memory_space<hbm>> -> memref<1x5120xf32, #tpu.memory_space<hbm>>
        %dma_start3A_13 = tpu.memref_squeeze %dma_start3A_12 : memref<1x5120xf32, #tpu.memory_space<hbm>> -> memref<5120xf32, #tpu.memory_space<hbm>>
        tpu.enqueue_dma source(%arg15 : memref<5120xf32, #tpu.memory_space<vmem>>) target(%dma_start3A_13 : memref<5120xf32, #tpu.memory_space<hbm>>) target_semaphore(%run_scoped3A : memref<!tpu.dma_semaphore, #tpu.memory_space<semaphore_mem>>)
        %dma_wait3A = arith.constant 0 : i32
        %dma_wait3A_14 = tpu.memref_slice %arg8[%add3A, %dma_wait3A] : memref<2x5120xf32, #tpu.memory_space<hbm>> -> memref<1x5120xf32, #tpu.memory_space<hbm>>
        %dma_wait3A_15 = tpu.memref_squeeze %dma_wait3A_14 : memref<1x5120xf32, #tpu.memory_space<hbm>> -> memref<5120xf32, #tpu.memory_space<hbm>>
        %dma_wait3A_16 = arith.constant 0 : i32
        %dma_wait3A_17 = tpu.memref_slice %arg8[%add3A, %dma_wait3A_16] : memref<2x5120xf32, #tpu.memory_space<hbm>> -> memref<1x5120xf32, #tpu.memory_space<hbm>>
        %dma_wait3A_18 = tpu.memref_squeeze %dma_wait3A_17 : memref<1x5120xf32, #tpu.memory_space<hbm>> -> memref<5120xf32, #tpu.memory_space<hbm>>
        tpu.wait_dma2 semaphore(%run_scoped3A : memref<!tpu.dma_semaphore, #tpu.memory_space<semaphore_mem>>) src(%arg15 : memref<5120xf32, #tpu.memory_space<vmem>>) dst(%dma_wait3A_18 : memref<5120xf32, #tpu.memory_space<hbm>>)
        tpu.yield
      }) : () -> ()
    } else {
    }
    return
  }
}

#map = affine_map<(d0, d1) -> (0, 0)>
module attributes {stable_mosaic.version = 14 : i64} {
  func.func @_k2_body(%arg0: i32, %arg1: i32, %arg2: memref<2x6016xi32, #tpu.memory_space<hbm>>, %arg3: memref<2x6016xf32, #tpu.memory_space<hbm>>, %arg4: memref<2x6016xf32, #tpu.memory_space<hbm>>, %arg5: memref<2x6016xf32, #tpu.memory_space<hbm>>, %arg6: memref<2x6016xf32, #tpu.memory_space<hbm>>, %arg7: memref<2x1024xi32, #tpu.memory_space<hbm>>, %arg8: memref<2x2048xi32, #tpu.memory_space<hbm>>, %arg9: memref<2x2048xf32, #tpu.memory_space<hbm>>, %arg10: memref<2x2048xf32, #tpu.memory_space<hbm>>, %arg11: memref<2x2048xf32, #tpu.memory_space<hbm>>, %arg12: memref<2x2048xf32, #tpu.memory_space<hbm>>, %arg13: memref<6016xi32, #tpu.memory_space<vmem>>, %arg14: memref<6016xf32, #tpu.memory_space<vmem>>, %arg15: memref<6016xf32, #tpu.memory_space<vmem>>, %arg16: memref<6016xf32, #tpu.memory_space<vmem>>, %arg17: memref<6016xf32, #tpu.memory_space<vmem>>, %arg18: memref<1024xi32, #tpu.memory_space<vmem>>, %arg19: memref<2048xi32, #tpu.memory_space<vmem>>, %arg20: memref<2048xf32, #tpu.memory_space<vmem>>, %arg21: memref<2048xf32, #tpu.memory_space<vmem>>, %arg22: memref<2048xf32, #tpu.memory_space<vmem>>, %arg23: memref<2048xf32, #tpu.memory_space<vmem>>) attributes {dimension_semantics = [#tpu.dimension_semantics<core_parallel>, #tpu.dimension_semantics<subcore_parallel>], iteration_bounds = array<i64: 2, 16>, scalar_prefetch = 0 : i64, scratch_operands = 11 : i64, tpu.core_type = #tpu.core_type<sc_vector_subcore>, window_params = [{transform_indices = #map}, {transform_indices = #map}, {transform_indices = #map}, {transform_indices = #map}, {transform_indices = #map}, {transform_indices = #map}, {transform_indices = #map}, {transform_indices = #map}, {transform_indices = #map}, {transform_indices = #map}, {transform_indices = #map}]} {
    %mul3A = arith.constant 2 : i32
    %mul3A_0 = arith.muli %arg1, %mul3A : i32
    %add3A = arith.addi %mul3A_0, %arg0 : i32
    %lt3A = arith.constant 2 : i32
    %lt3A_1 = arith.cmpi slt, %add3A, %lt3A : i32
    %convert_element_type3A = arith.extui %lt3A_1 : i1 to i32
    %cond3A = arith.constant 0 : i32
    %cond3A_2 = arith.cmpi ne, %convert_element_type3A, %cond3A : i32
    scf.if %cond3A_2 {
      "tpu.region"() ({
        %run_scoped3A = tpu.sem_alloc : memref<!tpu.dma_semaphore, #tpu.memory_space<semaphore_mem>>
        %dma_start3A = arith.constant 0 : i32
        %dma_start3A_21 = tpu.memref_slice %arg2[%add3A, %dma_start3A] : memref<2x6016xi32, #tpu.memory_space<hbm>> -> memref<1x6016xi32, #tpu.memory_space<hbm>>
        %dma_start3A_22 = tpu.memref_squeeze %dma_start3A_21 : memref<1x6016xi32, #tpu.memory_space<hbm>> -> memref<6016xi32, #tpu.memory_space<hbm>>
        %dma_start3A_23 = arith.constant 0 : i32
        %dma_start3A_24 = tpu.memref_slice %arg2[%add3A, %dma_start3A_23] : memref<2x6016xi32, #tpu.memory_space<hbm>> -> memref<1x6016xi32, #tpu.memory_space<hbm>>
        %dma_start3A_25 = tpu.memref_squeeze %dma_start3A_24 : memref<1x6016xi32, #tpu.memory_space<hbm>> -> memref<6016xi32, #tpu.memory_space<hbm>>
        tpu.enqueue_dma source(%dma_start3A_25 : memref<6016xi32, #tpu.memory_space<hbm>>) target(%arg13 : memref<6016xi32, #tpu.memory_space<vmem>>) target_semaphore(%run_scoped3A : memref<!tpu.dma_semaphore, #tpu.memory_space<semaphore_mem>>)
        %dma_wait3A = arith.constant 0 : i32
        %dma_wait3A_26 = tpu.memref_slice %arg2[%add3A, %dma_wait3A] : memref<2x6016xi32, #tpu.memory_space<hbm>> -> memref<1x6016xi32, #tpu.memory_space<hbm>>
        %dma_wait3A_27 = tpu.memref_squeeze %dma_wait3A_26 : memref<1x6016xi32, #tpu.memory_space<hbm>> -> memref<6016xi32, #tpu.memory_space<hbm>>
        %dma_wait3A_28 = arith.constant 0 : i32
        %dma_wait3A_29 = tpu.memref_slice %arg2[%add3A, %dma_wait3A_28] : memref<2x6016xi32, #tpu.memory_space<hbm>> -> memref<1x6016xi32, #tpu.memory_space<hbm>>
        %dma_wait3A_30 = tpu.memref_squeeze %dma_wait3A_29 : memref<1x6016xi32, #tpu.memory_space<hbm>> -> memref<6016xi32, #tpu.memory_space<hbm>>
        tpu.wait_dma2 semaphore(%run_scoped3A : memref<!tpu.dma_semaphore, #tpu.memory_space<semaphore_mem>>) src(%dma_wait3A_30 : memref<6016xi32, #tpu.memory_space<hbm>>) dst(%arg13 : memref<6016xi32, #tpu.memory_space<vmem>>)
        tpu.yield
      }) : () -> ()
      "tpu.region"() ({
        %run_scoped3A = tpu.sem_alloc : memref<!tpu.dma_semaphore, #tpu.memory_space<semaphore_mem>>
        %dma_start3A = arith.constant 0 : i32
        %dma_start3A_21 = tpu.memref_slice %arg3[%add3A, %dma_start3A] : memref<2x6016xf32, #tpu.memory_space<hbm>> -> memref<1x6016xf32, #tpu.memory_space<hbm>>
        %dma_start3A_22 = tpu.memref_squeeze %dma_start3A_21 : memref<1x6016xf32, #tpu.memory_space<hbm>> -> memref<6016xf32, #tpu.memory_space<hbm>>
        %dma_start3A_23 = arith.constant 0 : i32
        %dma_start3A_24 = tpu.memref_slice %arg3[%add3A, %dma_start3A_23] : memref<2x6016xf32, #tpu.memory_space<hbm>> -> memref<1x6016xf32, #tpu.memory_space<hbm>>
        %dma_start3A_25 = tpu.memref_squeeze %dma_start3A_24 : memref<1x6016xf32, #tpu.memory_space<hbm>> -> memref<6016xf32, #tpu.memory_space<hbm>>
        tpu.enqueue_dma source(%dma_start3A_25 : memref<6016xf32, #tpu.memory_space<hbm>>) target(%arg14 : memref<6016xf32, #tpu.memory_space<vmem>>) target_semaphore(%run_scoped3A : memref<!tpu.dma_semaphore, #tpu.memory_space<semaphore_mem>>)
        %dma_wait3A = arith.constant 0 : i32
        %dma_wait3A_26 = tpu.memref_slice %arg3[%add3A, %dma_wait3A] : memref<2x6016xf32, #tpu.memory_space<hbm>> -> memref<1x6016xf32, #tpu.memory_space<hbm>>
        %dma_wait3A_27 = tpu.memref_squeeze %dma_wait3A_26 : memref<1x6016xf32, #tpu.memory_space<hbm>> -> memref<6016xf32, #tpu.memory_space<hbm>>
        %dma_wait3A_28 = arith.constant 0 : i32
        %dma_wait3A_29 = tpu.memref_slice %arg3[%add3A, %dma_wait3A_28] : memref<2x6016xf32, #tpu.memory_space<hbm>> -> memref<1x6016xf32, #tpu.memory_space<hbm>>
        %dma_wait3A_30 = tpu.memref_squeeze %dma_wait3A_29 : memref<1x6016xf32, #tpu.memory_space<hbm>> -> memref<6016xf32, #tpu.memory_space<hbm>>
        tpu.wait_dma2 semaphore(%run_scoped3A : memref<!tpu.dma_semaphore, #tpu.memory_space<semaphore_mem>>) src(%dma_wait3A_30 : memref<6016xf32, #tpu.memory_space<hbm>>) dst(%arg14 : memref<6016xf32, #tpu.memory_space<vmem>>)
        tpu.yield
      }) : () -> ()
      "tpu.region"() ({
        %run_scoped3A = tpu.sem_alloc : memref<!tpu.dma_semaphore, #tpu.memory_space<semaphore_mem>>
        %dma_start3A = arith.constant 0 : i32
        %dma_start3A_21 = tpu.memref_slice %arg4[%add3A, %dma_start3A] : memref<2x6016xf32, #tpu.memory_space<hbm>> -> memref<1x6016xf32, #tpu.memory_space<hbm>>
        %dma_start3A_22 = tpu.memref_squeeze %dma_start3A_21 : memref<1x6016xf32, #tpu.memory_space<hbm>> -> memref<6016xf32, #tpu.memory_space<hbm>>
        %dma_start3A_23 = arith.constant 0 : i32
        %dma_start3A_24 = tpu.memref_slice %arg4[%add3A, %dma_start3A_23] : memref<2x6016xf32, #tpu.memory_space<hbm>> -> memref<1x6016xf32, #tpu.memory_space<hbm>>
        %dma_start3A_25 = tpu.memref_squeeze %dma_start3A_24 : memref<1x6016xf32, #tpu.memory_space<hbm>> -> memref<6016xf32, #tpu.memory_space<hbm>>
        tpu.enqueue_dma source(%dma_start3A_25 : memref<6016xf32, #tpu.memory_space<hbm>>) target(%arg15 : memref<6016xf32, #tpu.memory_space<vmem>>) target_semaphore(%run_scoped3A : memref<!tpu.dma_semaphore, #tpu.memory_space<semaphore_mem>>)
        %dma_wait3A = arith.constant 0 : i32
        %dma_wait3A_26 = tpu.memref_slice %arg4[%add3A, %dma_wait3A] : memref<2x6016xf32, #tpu.memory_space<hbm>> -> memref<1x6016xf32, #tpu.memory_space<hbm>>
        %dma_wait3A_27 = tpu.memref_squeeze %dma_wait3A_26 : memref<1x6016xf32, #tpu.memory_space<hbm>> -> memref<6016xf32, #tpu.memory_space<hbm>>
        %dma_wait3A_28 = arith.constant 0 : i32
        %dma_wait3A_29 = tpu.memref_slice %arg4[%add3A, %dma_wait3A_28] : memref<2x6016xf32, #tpu.memory_space<hbm>> -> memref<1x6016xf32, #tpu.memory_space<hbm>>
        %dma_wait3A_30 = tpu.memref_squeeze %dma_wait3A_29 : memref<1x6016xf32, #tpu.memory_space<hbm>> -> memref<6016xf32, #tpu.memory_space<hbm>>
        tpu.wait_dma2 semaphore(%run_scoped3A : memref<!tpu.dma_semaphore, #tpu.memory_space<semaphore_mem>>) src(%dma_wait3A_30 : memref<6016xf32, #tpu.memory_space<hbm>>) dst(%arg15 : memref<6016xf32, #tpu.memory_space<vmem>>)
        tpu.yield
      }) : () -> ()
      "tpu.region"() ({
        %run_scoped3A = tpu.sem_alloc : memref<!tpu.dma_semaphore, #tpu.memory_space<semaphore_mem>>
        %dma_start3A = arith.constant 0 : i32
        %dma_start3A_21 = tpu.memref_slice %arg5[%add3A, %dma_start3A] : memref<2x6016xf32, #tpu.memory_space<hbm>> -> memref<1x6016xf32, #tpu.memory_space<hbm>>
        %dma_start3A_22 = tpu.memref_squeeze %dma_start3A_21 : memref<1x6016xf32, #tpu.memory_space<hbm>> -> memref<6016xf32, #tpu.memory_space<hbm>>
        %dma_start3A_23 = arith.constant 0 : i32
        %dma_start3A_24 = tpu.memref_slice %arg5[%add3A, %dma_start3A_23] : memref<2x6016xf32, #tpu.memory_space<hbm>> -> memref<1x6016xf32, #tpu.memory_space<hbm>>
        %dma_start3A_25 = tpu.memref_squeeze %dma_start3A_24 : memref<1x6016xf32, #tpu.memory_space<hbm>> -> memref<6016xf32, #tpu.memory_space<hbm>>
        tpu.enqueue_dma source(%dma_start3A_25 : memref<6016xf32, #tpu.memory_space<hbm>>) target(%arg16 : memref<6016xf32, #tpu.memory_space<vmem>>) target_semaphore(%run_scoped3A : memref<!tpu.dma_semaphore, #tpu.memory_space<semaphore_mem>>)
        %dma_wait3A = arith.constant 0 : i32
        %dma_wait3A_26 = tpu.memref_slice %arg5[%add3A, %dma_wait3A] : memref<2x6016xf32, #tpu.memory_space<hbm>> -> memref<1x6016xf32, #tpu.memory_space<hbm>>
        %dma_wait3A_27 = tpu.memref_squeeze %dma_wait3A_26 : memref<1x6016xf32, #tpu.memory_space<hbm>> -> memref<6016xf32, #tpu.memory_space<hbm>>
        %dma_wait3A_28 = arith.constant 0 : i32
        %dma_wait3A_29 = tpu.memref_slice %arg5[%add3A, %dma_wait3A_28] : memref<2x6016xf32, #tpu.memory_space<hbm>> -> memref<1x6016xf32, #tpu.memory_space<hbm>>
        %dma_wait3A_30 = tpu.memref_squeeze %dma_wait3A_29 : memref<1x6016xf32, #tpu.memory_space<hbm>> -> memref<6016xf32, #tpu.memory_space<hbm>>
        tpu.wait_dma2 semaphore(%run_scoped3A : memref<!tpu.dma_semaphore, #tpu.memory_space<semaphore_mem>>) src(%dma_wait3A_30 : memref<6016xf32, #tpu.memory_space<hbm>>) dst(%arg16 : memref<6016xf32, #tpu.memory_space<vmem>>)
        tpu.yield
      }) : () -> ()
      "tpu.region"() ({
        %run_scoped3A = tpu.sem_alloc : memref<!tpu.dma_semaphore, #tpu.memory_space<semaphore_mem>>
        %dma_start3A = arith.constant 0 : i32
        %dma_start3A_21 = tpu.memref_slice %arg6[%add3A, %dma_start3A] : memref<2x6016xf32, #tpu.memory_space<hbm>> -> memref<1x6016xf32, #tpu.memory_space<hbm>>
        %dma_start3A_22 = tpu.memref_squeeze %dma_start3A_21 : memref<1x6016xf32, #tpu.memory_space<hbm>> -> memref<6016xf32, #tpu.memory_space<hbm>>
        %dma_start3A_23 = arith.constant 0 : i32
        %dma_start3A_24 = tpu.memref_slice %arg6[%add3A, %dma_start3A_23] : memref<2x6016xf32, #tpu.memory_space<hbm>> -> memref<1x6016xf32, #tpu.memory_space<hbm>>
        %dma_start3A_25 = tpu.memref_squeeze %dma_start3A_24 : memref<1x6016xf32, #tpu.memory_space<hbm>> -> memref<6016xf32, #tpu.memory_space<hbm>>
        tpu.enqueue_dma source(%dma_start3A_25 : memref<6016xf32, #tpu.memory_space<hbm>>) target(%arg17 : memref<6016xf32, #tpu.memory_space<vmem>>) target_semaphore(%run_scoped3A : memref<!tpu.dma_semaphore, #tpu.memory_space<semaphore_mem>>)
        %dma_wait3A = arith.constant 0 : i32
        %dma_wait3A_26 = tpu.memref_slice %arg6[%add3A, %dma_wait3A] : memref<2x6016xf32, #tpu.memory_space<hbm>> -> memref<1x6016xf32, #tpu.memory_space<hbm>>
        %dma_wait3A_27 = tpu.memref_squeeze %dma_wait3A_26 : memref<1x6016xf32, #tpu.memory_space<hbm>> -> memref<6016xf32, #tpu.memory_space<hbm>>
        %dma_wait3A_28 = arith.constant 0 : i32
        %dma_wait3A_29 = tpu.memref_slice %arg6[%add3A, %dma_wait3A_28] : memref<2x6016xf32, #tpu.memory_space<hbm>> -> memref<1x6016xf32, #tpu.memory_space<hbm>>
        %dma_wait3A_30 = tpu.memref_squeeze %dma_wait3A_29 : memref<1x6016xf32, #tpu.memory_space<hbm>> -> memref<6016xf32, #tpu.memory_space<hbm>>
        tpu.wait_dma2 semaphore(%run_scoped3A : memref<!tpu.dma_semaphore, #tpu.memory_space<semaphore_mem>>) src(%dma_wait3A_30 : memref<6016xf32, #tpu.memory_space<hbm>>) dst(%arg17 : memref<6016xf32, #tpu.memory_space<vmem>>)
        tpu.yield
      }) : () -> ()
      "tpu.region"() ({
        %run_scoped3A = tpu.sem_alloc : memref<!tpu.dma_semaphore, #tpu.memory_space<semaphore_mem>>
        %dma_start3A = arith.constant 0 : i32
        %dma_start3A_21 = tpu.memref_slice %arg7[%add3A, %dma_start3A] : memref<2x1024xi32, #tpu.memory_space<hbm>> -> memref<1x1024xi32, #tpu.memory_space<hbm>>
        %dma_start3A_22 = tpu.memref_squeeze %dma_start3A_21 : memref<1x1024xi32, #tpu.memory_space<hbm>> -> memref<1024xi32, #tpu.memory_space<hbm>>
        %dma_start3A_23 = arith.constant 0 : i32
        %dma_start3A_24 = tpu.memref_slice %arg7[%add3A, %dma_start3A_23] : memref<2x1024xi32, #tpu.memory_space<hbm>> -> memref<1x1024xi32, #tpu.memory_space<hbm>>
        %dma_start3A_25 = tpu.memref_squeeze %dma_start3A_24 : memref<1x1024xi32, #tpu.memory_space<hbm>> -> memref<1024xi32, #tpu.memory_space<hbm>>
        tpu.enqueue_dma source(%dma_start3A_25 : memref<1024xi32, #tpu.memory_space<hbm>>) target(%arg18 : memref<1024xi32, #tpu.memory_space<vmem>>) target_semaphore(%run_scoped3A : memref<!tpu.dma_semaphore, #tpu.memory_space<semaphore_mem>>)
        %dma_wait3A = arith.constant 0 : i32
        %dma_wait3A_26 = tpu.memref_slice %arg7[%add3A, %dma_wait3A] : memref<2x1024xi32, #tpu.memory_space<hbm>> -> memref<1x1024xi32, #tpu.memory_space<hbm>>
        %dma_wait3A_27 = tpu.memref_squeeze %dma_wait3A_26 : memref<1x1024xi32, #tpu.memory_space<hbm>> -> memref<1024xi32, #tpu.memory_space<hbm>>
        %dma_wait3A_28 = arith.constant 0 : i32
        %dma_wait3A_29 = tpu.memref_slice %arg7[%add3A, %dma_wait3A_28] : memref<2x1024xi32, #tpu.memory_space<hbm>> -> memref<1x1024xi32, #tpu.memory_space<hbm>>
        %dma_wait3A_30 = tpu.memref_squeeze %dma_wait3A_29 : memref<1x1024xi32, #tpu.memory_space<hbm>> -> memref<1024xi32, #tpu.memory_space<hbm>>
        tpu.wait_dma2 semaphore(%run_scoped3A : memref<!tpu.dma_semaphore, #tpu.memory_space<semaphore_mem>>) src(%dma_wait3A_30 : memref<1024xi32, #tpu.memory_space<hbm>>) dst(%arg18 : memref<1024xi32, #tpu.memory_space<vmem>>)
        tpu.yield
      }) : () -> ()
      %get3A = arith.constant 0 : index
      %get3A_3 = tpu.vector_load %arg18[%get3A] {strides = array<i32>} : memref<1024xi32, #tpu.memory_space<vmem>>, vector<16xi32>,
      %slice3A = vector.extract_strided_slice %get3A_3 {offsets = [0], sizes = [1], strides = [1]} : vector<16xi32> to vector<1xi32>
      %squeeze3A = vector.extract %slice3A[0] : i32 from vector<1xi32>
      %slice3A_4 = vector.extract_strided_slice %get3A_3 {offsets = [1], sizes = [1], strides = [1]} : vector<16xi32> to vector<1xi32>
      %squeeze3A_5 = vector.extract %slice3A_4[0] : i32 from vector<1xi32>
      %sub3A = arith.constant 2000 : i32
      %sub3A_6 = arith.subi %sub3A, %squeeze3A_5 : i32
      %scan3A = arith.constant 0 : i32
      %scan3A_7 = arith.constant 0 : i32
      %scan3A_8 = arith.constant 128 : i32
      %scan3A_9 = arith.addi %scan3A_7, %scan3A_8 : i32
      %scan3A_10 = arith.constant 1 : i32
      %scan3A_11 = scf.for %scan3A_21 = %scan3A_7 to %scan3A_9 step %scan3A_10 iter_args(%scan3A_22 = %scan3A) -> (i32)  : i32 {
        %mul3A_23 = arith.constant 16 : i32
        %mul3A_24 = arith.muli %scan3A_21, %mul3A_23 : i32
        %broadcast_in_dim3A = arith.constant -2147483648 : i32
        %broadcast_in_dim3A_25 = vector.broadcast %broadcast_in_dim3A : i32 to vector<16xi32>
        %swap3A = arith.index_cast %mul3A_24 : i32 to index
        %swap3A_26 = tpu.vector_load %arg19[%swap3A] {strides = array<i32>} : memref<2048xi32, #tpu.memory_space<vmem>>, vector<16xi32>,
        tpu.vector_store %arg19[%swap3A], %broadcast_in_dim3A_25 {strides = array<i32>} : memref<2048xi32, #tpu.memory_space<vmem>>, vector<16xi32>,
        %broadcast_in_dim3A_27 = arith.constant 0.000000e+00 : f32
        %broadcast_in_dim3A_28 = vector.broadcast %broadcast_in_dim3A_27 : f32 to vector<16xf32>
        %swap3A_29 = arith.index_cast %mul3A_24 : i32 to index
        %swap3A_30 = tpu.vector_load %arg20[%swap3A_29] {strides = array<i32>} : memref<2048xf32, #tpu.memory_space<vmem>>, vector<16xf32>,
        tpu.vector_store %arg20[%swap3A_29], %broadcast_in_dim3A_28 {strides = array<i32>} : memref<2048xf32, #tpu.memory_space<vmem>>, vector<16xf32>,
        %broadcast_in_dim3A_31 = arith.constant 0.000000e+00 : f32
        %broadcast_in_dim3A_32 = vector.broadcast %broadcast_in_dim3A_31 : f32 to vector<16xf32>
        %swap3A_33 = arith.index_cast %mul3A_24 : i32 to index
        %swap3A_34 = tpu.vector_load %arg21[%swap3A_33] {strides = array<i32>} : memref<2048xf32, #tpu.memory_space<vmem>>, vector<16xf32>,
        tpu.vector_store %arg21[%swap3A_33], %broadcast_in_dim3A_32 {strides = array<i32>} : memref<2048xf32, #tpu.memory_space<vmem>>, vector<16xf32>,
        %broadcast_in_dim3A_35 = arith.constant 0.000000e+00 : f32
        %broadcast_in_dim3A_36 = vector.broadcast %broadcast_in_dim3A_35 : f32 to vector<16xf32>
        %swap3A_37 = arith.index_cast %mul3A_24 : i32 to index
        %swap3A_38 = tpu.vector_load %arg22[%swap3A_37] {strides = array<i32>} : memref<2048xf32, #tpu.memory_space<vmem>>, vector<16xf32>,
        tpu.vector_store %arg22[%swap3A_37], %broadcast_in_dim3A_36 {strides = array<i32>} : memref<2048xf32, #tpu.memory_space<vmem>>, vector<16xf32>,
        %broadcast_in_dim3A_39 = arith.constant 0.000000e+00 : f32
        %broadcast_in_dim3A_40 = vector.broadcast %broadcast_in_dim3A_39 : f32 to vector<16xf32>
        %swap3A_41 = arith.index_cast %mul3A_24 : i32 to index
        %swap3A_42 = tpu.vector_load %arg23[%swap3A_41] {strides = array<i32>} : memref<2048xf32, #tpu.memory_space<vmem>>, vector<16xf32>,
        tpu.vector_store %arg23[%swap3A_41], %broadcast_in_dim3A_40 {strides = array<i32>} : memref<2048xf32, #tpu.memory_space<vmem>>, vector<16xf32>,
        %scan3A_43 = arith.constant 0 : i32
        scf.yield %scan3A_43 : i32
      }
      %scan3A_12 = arith.constant 128 : i32
      %scan3A_13 = arith.constant 0 : i32
      %scan3A_14 = arith.constant 0 : i32
      %scan3A_15 = arith.constant 0 : i32
      %scan3A_16 = arith.constant 357 : i32
      %scan3A_17 = arith.addi %scan3A_15, %scan3A_16 : i32
      %scan3A_18 = arith.constant 1 : i32
      %scan3A_19:2 = scf.for %scan3A_21 = %scan3A_15 to %scan3A_17 step %scan3A_18 iter_args(%scan3A_22 = %scan3A_13, %scan3A_23 = %scan3A_14) -> (i32, i32)  : i32 {
        %mul3A_24 = arith.constant 16 : i32
        %mul3A_25 = arith.muli %scan3A_21, %mul3A_24 : i32
        %iota3A = tpu.iota {dimensions = array<i32: 0>} : vector<16xi32>
        %add3A_26 = vector.broadcast %mul3A_25 : i32 to vector<16xi32>
        %add3A_27 = arith.addi %add3A_26, %iota3A : vector<16xi32>
        %lt3A_28 = arith.constant 5700 : i32
        %lt3A_29 = vector.broadcast %lt3A_28 : i32 to vector<16xi32>
        %lt3A_30 = arith.cmpi slt, %add3A_27, %lt3A_29 : vector<16xi32>
        %jit3A = arith.constant 3 : i32
        %div3A = vector.broadcast %jit3A : i32 to vector<16xi32>
        %div3A_31 = arith.divsi %add3A_27, %div3A : vector<16xi32>
        %sign3A = arith.constant 0 : i32
        %sign3A_32 = vector.broadcast %sign3A : i32 to vector<16xi32>
        %sign3A_33 = arith.cmpi sgt, %add3A_27, %sign3A_32 : vector<16xi32>
        %sign3A_34 = arith.extui %sign3A_33 : vector<16xi1> to vector<16xi32>
        %sign3A_35 = arith.constant 0 : i32
        %sign3A_36 = vector.broadcast %sign3A_35 : i32 to vector<16xi32>
        %sign3A_37 = arith.cmpi slt, %add3A_27, %sign3A_36 : vector<16xi32>
        %sign3A_38 = arith.extui %sign3A_37 : vector<16xi1> to vector<16xi32>
        %sign3A_39 = arith.subi %sign3A_34, %sign3A_38 : vector<16xi32>
        %sign3A_40 = arith.constant 0 : i32
        %sign3A_41 = arith.cmpi sgt, %jit3A, %sign3A_40 : i32
        %sign3A_42 = arith.extui %sign3A_41 : i1 to i32
        %sign3A_43 = arith.constant 0 : i32
        %sign3A_44 = arith.cmpi slt, %jit3A, %sign3A_43 : i32
        %sign3A_45 = arith.extui %sign3A_44 : i1 to i32
        %sign3A_46 = arith.subi %sign3A_42, %sign3A_45 : i32
        %ne3A = vector.broadcast %sign3A_46 : i32 to vector<16xi32>
        %ne3A_47 = arith.cmpi ne, %sign3A_39, %ne3A : vector<16xi32>
        %rem3A = vector.broadcast %jit3A : i32 to vector<16xi32>
        %rem3A_48 = arith.remsi %add3A_27, %rem3A : vector<16xi32>
        %ne3A_49 = arith.constant 0 : i32
        %ne3A_50 = vector.broadcast %ne3A_49 : i32 to vector<16xi32>
        %ne3A_51 = arith.cmpi ne, %rem3A_48, %ne3A_50 : vector<16xi32>
        %and3A = arith.andi %ne3A_47, %ne3A_51 : vector<16xi1>
        %sub3A_52 = arith.constant 1 : i32
        %sub3A_53 = vector.broadcast %sub3A_52 : i32 to vector<16xi32>
        %sub3A_54 = arith.subi %div3A_31, %sub3A_53 : vector<16xi32>
        %select_n3A = arith.select %and3A, %sub3A_54, %div3A_31 : vector<16xi1>, vector<16xi32>
        %mul3A_55 = arith.constant 3 : i32
        %mul3A_56 = vector.broadcast %mul3A_55 : i32 to vector<16xi32>
        %mul3A_57 = arith.muli %mul3A_56, %select_n3A : vector<16xi32>
        %sub3A_58 = arith.subi %add3A_27, %mul3A_57 : vector<16xi32>
        %jit3A_59 = arith.constant 50 : i32
        %div3A_60 = vector.broadcast %jit3A_59 : i32 to vector<16xi32>
        %div3A_61 = arith.divsi %select_n3A, %div3A_60 : vector<16xi32>
        %sign3A_62 = arith.constant 0 : i32
        %sign3A_63 = vector.broadcast %sign3A_62 : i32 to vector<16xi32>
        %sign3A_64 = arith.cmpi sgt, %select_n3A, %sign3A_63 : vector<16xi32>
        %sign3A_65 = arith.extui %sign3A_64 : vector<16xi1> to vector<16xi32>
        %sign3A_66 = arith.constant 0 : i32
        %sign3A_67 = vector.broadcast %sign3A_66 : i32 to vector<16xi32>
        %sign3A_68 = arith.cmpi slt, %select_n3A, %sign3A_67 : vector<16xi32>
        %sign3A_69 = arith.extui %sign3A_68 : vector<16xi1> to vector<16xi32>
        %sign3A_70 = arith.subi %sign3A_65, %sign3A_69 : vector<16xi32>
        %sign3A_71 = arith.constant 0 : i32
        %sign3A_72 = arith.cmpi sgt, %jit3A_59, %sign3A_71 : i32
        %sign3A_73 = arith.extui %sign3A_72 : i1 to i32
        %sign3A_74 = arith.constant 0 : i32
        %sign3A_75 = arith.cmpi slt, %jit3A_59, %sign3A_74 : i32
        %sign3A_76 = arith.extui %sign3A_75 : i1 to i32
        %sign3A_77 = arith.subi %sign3A_73, %sign3A_76 : i32
        %ne3A_78 = vector.broadcast %sign3A_77 : i32 to vector<16xi32>
        %ne3A_79 = arith.cmpi ne, %sign3A_70, %ne3A_78 : vector<16xi32>
        %rem3A_80 = vector.broadcast %jit3A_59 : i32 to vector<16xi32>
        %rem3A_81 = arith.remsi %select_n3A, %rem3A_80 : vector<16xi32>
        %ne3A_82 = arith.constant 0 : i32
        %ne3A_83 = vector.broadcast %ne3A_82 : i32 to vector<16xi32>
        %ne3A_84 = arith.cmpi ne, %rem3A_81, %ne3A_83 : vector<16xi32>
        %and3A_85 = arith.andi %ne3A_79, %ne3A_84 : vector<16xi1>
        %sub3A_86 = arith.constant 1 : i32
        %sub3A_87 = vector.broadcast %sub3A_86 : i32 to vector<16xi32>
        %sub3A_88 = arith.subi %div3A_61, %sub3A_87 : vector<16xi32>
        %select_n3A_89 = arith.select %and3A_85, %sub3A_88, %div3A_61 : vector<16xi1>, vector<16xi32>
        %mul3A_90 = arith.constant 50 : i32
        %mul3A_91 = vector.broadcast %mul3A_90 : i32 to vector<16xi32>
        %mul3A_92 = arith.muli %mul3A_91, %select_n3A_89 : vector<16xi32>
        %sub3A_93 = arith.subi %select_n3A, %mul3A_92 : vector<16xi32>
        %mul3A_94 = arith.constant 1976 : i32
        %mul3A_95 = vector.broadcast %mul3A_94 : i32 to vector<16xi32>
        %mul3A_96 = arith.muli %sub3A_58, %mul3A_95 : vector<16xi32>
        %mul3A_97 = arith.constant 52 : i32
        %mul3A_98 = vector.broadcast %mul3A_97 : i32 to vector<16xi32>
        %mul3A_99 = arith.muli %select_n3A_89, %mul3A_98 : vector<16xi32>
        %add3A_100 = arith.addi %mul3A_96, %mul3A_99 : vector<16xi32>
        %add3A_101 = arith.addi %add3A_100, %sub3A_93 : vector<16xi32>
        %jit3A_102 = arith.constant 0 : i32
        %broadcast_in_dim3A = vector.broadcast %jit3A_102 : i32 to vector<16xi32>
        %select_n3A_103 = arith.select %lt3A_30, %add3A_101, %broadcast_in_dim3A : vector<16xi1>, vector<16xi32>
        %gather3A = tpu.vector_load_idx %arg13[%select_n3A_103] : memref<6016xi32, #tpu.memory_space<vmem>>[vector<16xi32>], vector<16xi32>,
        %gt3A = vector.broadcast %squeeze3A : i32 to vector<16xi32>
        %gt3A_104 = arith.cmpi sgt, %gather3A, %gt3A : vector<16xi32>
        %and3A_105 = arith.andi %gt3A_104, %lt3A_30 : vector<16xi1>
        %eq3A = vector.broadcast %squeeze3A : i32 to vector<16xi32>
        %eq3A_106 = arith.cmpi eq, %gather3A, %eq3A : vector<16xi32>
        %and3A_107 = arith.andi %eq3A_106, %lt3A_30 : vector<16xi1>
        %convert_element_type3A_108 = arith.extui %and3A_107 : vector<16xi1> to vector<16xi32>
        %broadcast_in_dim3A_109 = arith.constant true
        %broadcast_in_dim3A_110 = vector.broadcast %broadcast_in_dim3A_109 : i1 to vector<16xi1>
        %masked_cumsum3A = tpu.scan <sum>, %convert_element_type3A_108 masked %broadcast_in_dim3A_110 : vector<16xi32>, vector<16xi1> -> vector<16xi32>
        %convert_element_type3A_111 = arith.extui %and3A_107 : vector<16xi1> to vector<16xi32>
        %sub3A_112 = arith.subi %masked_cumsum3A, %convert_element_type3A_111 : vector<16xi32>
        %add3A_113 = vector.broadcast %scan3A_22 : i32 to vector<16xi32>
        %add3A_114 = arith.addi %sub3A_112, %add3A_113 : vector<16xi32>
        %lt3A_115 = vector.broadcast %sub3A_6 : i32 to vector<16xi32>
        %lt3A_116 = arith.cmpi slt, %add3A_114, %lt3A_115 : vector<16xi32>
        %and3A_117 = arith.andi %and3A_107, %lt3A_116 : vector<16xi1>
        %or3A = arith.ori %and3A_105, %and3A_117 : vector<16xi1>
        %convert_element_type3A_118 = arith.extui %or3A : vector<16xi1> to vector<16xi32>
        %broadcast_in_dim3A_119 = arith.constant true
        %broadcast_in_dim3A_120 = vector.broadcast %broadcast_in_dim3A_119 : i1 to vector<16xi1>
        %masked_cumsum3A_121 = tpu.scan <sum>, %convert_element_type3A_118 masked %broadcast_in_dim3A_120 : vector<16xi32>, vector<16xi1> -> vector<16xi32>
        %convert_element_type3A_122 = arith.extui %or3A : vector<16xi1> to vector<16xi32>
        %sub3A_123 = arith.subi %masked_cumsum3A_121, %convert_element_type3A_122 : vector<16xi32>
        %add3A_124 = vector.broadcast %scan3A_23 : i32 to vector<16xi32>
        %add3A_125 = arith.addi %sub3A_123, %add3A_124 : vector<16xi32>
        tpu.vector_store_idx %arg19[%add3A_125], %gather3A masked %or3A : memref<2048xi32, #tpu.memory_space<vmem>>[vector<16xi32>], vector<16xi32>, vector<16xi1>
        %gather3A_126 = tpu.vector_load_idx %arg14[%select_n3A_103] : memref<6016xf32, #tpu.memory_space<vmem>>[vector<16xi32>], vector<16xf32>,
        tpu.vector_store_idx %arg20[%add3A_125], %gather3A_126 masked %or3A : memref<2048xf32, #tpu.memory_space<vmem>>[vector<16xi32>], vector<16xf32>, vector<16xi1>
        %gather3A_127 = tpu.vector_load_idx %arg15[%select_n3A_103] : memref<6016xf32, #tpu.memory_space<vmem>>[vector<16xi32>], vector<16xf32>,
        tpu.vector_store_idx %arg21[%add3A_125], %gather3A_127 masked %or3A : memref<2048xf32, #tpu.memory_space<vmem>>[vector<16xi32>], vector<16xf32>, vector<16xi1>
        %gather3A_128 = tpu.vector_load_idx %arg16[%select_n3A_103] : memref<6016xf32, #tpu.memory_space<vmem>>[vector<16xi32>], vector<16xf32>,
        tpu.vector_store_idx %arg22[%add3A_125], %gather3A_128 masked %or3A : memref<2048xf32, #tpu.memory_space<vmem>>[vector<16xi32>], vector<16xf32>, vector<16xi1>
        %gather3A_129 = tpu.vector_load_idx %arg17[%select_n3A_103] : memref<6016xf32, #tpu.memory_space<vmem>>[vector<16xi32>], vector<16xf32>,
        tpu.vector_store_idx %arg23[%add3A_125], %gather3A_129 masked %or3A : memref<2048xf32, #tpu.memory_space<vmem>>[vector<16xi32>], vector<16xf32>, vector<16xi1>
        %convert_element_type3A_130 = arith.extui %and3A_107 : vector<16xi1> to vector<16xi32>
        %reduce_sum3A = arith.constant true
        %reduce_sum3A_131 = vector.broadcast %reduce_sum3A : i1 to vector<16xi1>
        %reduce_sum3A_132 = tpu.scan <sum>, %convert_element_type3A_130 masked %reduce_sum3A_131 : vector<16xi32>, vector<16xi1> -> vector<16xi32>
        %reduce_sum3A_133 = vector.extract %reduce_sum3A_132[15] : i32 from vector<16xi32>
        %add3A_134 = arith.addi %scan3A_22, %reduce_sum3A_133 : i32
        %convert_element_type3A_135 = arith.extui %or3A : vector<16xi1> to vector<16xi32>
        %reduce_sum3A_136 = arith.constant true
        %reduce_sum3A_137 = vector.broadcast %reduce_sum3A_136 : i1 to vector<16xi1>
        %reduce_sum3A_138 = tpu.scan <sum>, %convert_element_type3A_135 masked %reduce_sum3A_137 : vector<16xi32>, vector<16xi1> -> vector<16xi32>
        %reduce_sum3A_139 = vector.extract %reduce_sum3A_138[15] : i32 from vector<16xi32>
        %add3A_140 = arith.addi %scan3A_23, %reduce_sum3A_139 : i32
        scf.yield %add3A_134, %add3A_140 : i32, i32
      }
      %scan3A_20 = arith.constant 357 : i32
      "tpu.region"() ({
        %run_scoped3A = tpu.sem_alloc : memref<!tpu.dma_semaphore, #tpu.memory_space<semaphore_mem>>
        %dma_start3A = arith.constant 0 : i32
        %dma_start3A_21 = tpu.memref_slice %arg8[%add3A, %dma_start3A] : memref<2x2048xi32, #tpu.memory_space<hbm>> -> memref<1x2048xi32, #tpu.memory_space<hbm>>
        %dma_start3A_22 = tpu.memref_squeeze %dma_start3A_21 : memref<1x2048xi32, #tpu.memory_space<hbm>> -> memref<2048xi32, #tpu.memory_space<hbm>>
        %dma_start3A_23 = arith.constant 0 : i32
        %dma_start3A_24 = tpu.memref_slice %arg8[%add3A, %dma_start3A_23] : memref<2x2048xi32, #tpu.memory_space<hbm>> -> memref<1x2048xi32, #tpu.memory_space<hbm>>
        %dma_start3A_25 = tpu.memref_squeeze %dma_start3A_24 : memref<1x2048xi32, #tpu.memory_space<hbm>> -> memref<2048xi32, #tpu.memory_space<hbm>>
        tpu.enqueue_dma source(%arg19 : memref<2048xi32, #tpu.memory_space<vmem>>) target(%dma_start3A_25 : memref<2048xi32, #tpu.memory_space<hbm>>) target_semaphore(%run_scoped3A : memref<!tpu.dma_semaphore, #tpu.memory_space<semaphore_mem>>)
        %dma_wait3A = arith.constant 0 : i32
        %dma_wait3A_26 = tpu.memref_slice %arg8[%add3A, %dma_wait3A] : memref<2x2048xi32, #tpu.memory_space<hbm>> -> memref<1x2048xi32, #tpu.memory_space<hbm>>
        %dma_wait3A_27 = tpu.memref_squeeze %dma_wait3A_26 : memref<1x2048xi32, #tpu.memory_space<hbm>> -> memref<2048xi32, #tpu.memory_space<hbm>>
        %dma_wait3A_28 = arith.constant 0 : i32
        %dma_wait3A_29 = tpu.memref_slice %arg8[%add3A, %dma_wait3A_28] : memref<2x2048xi32, #tpu.memory_space<hbm>> -> memref<1x2048xi32, #tpu.memory_space<hbm>>
        %dma_wait3A_30 = tpu.memref_squeeze %dma_wait3A_29 : memref<1x2048xi32, #tpu.memory_space<hbm>> -> memref<2048xi32, #tpu.memory_space<hbm>>
        tpu.wait_dma2 semaphore(%run_scoped3A : memref<!tpu.dma_semaphore, #tpu.memory_space<semaphore_mem>>) src(%arg19 : memref<2048xi32, #tpu.memory_space<vmem>>) dst(%dma_wait3A_30 : memref<2048xi32, #tpu.memory_space<hbm>>)
        tpu.yield
      }) : () -> ()
      "tpu.region"() ({
        %run_scoped3A = tpu.sem_alloc : memref<!tpu.dma_semaphore, #tpu.memory_space<semaphore_mem>>
        %dma_start3A = arith.constant 0 : i32
        %dma_start3A_21 = tpu.memref_slice %arg9[%add3A, %dma_start3A] : memref<2x2048xf32, #tpu.memory_space<hbm>> -> memref<1x2048xf32, #tpu.memory_space<hbm>>
        %dma_start3A_22 = tpu.memref_squeeze %dma_start3A_21 : memref<1x2048xf32, #tpu.memory_space<hbm>> -> memref<2048xf32, #tpu.memory_space<hbm>>
        %dma_start3A_23 = arith.constant 0 : i32
        %dma_start3A_24 = tpu.memref_slice %arg9[%add3A, %dma_start3A_23] : memref<2x2048xf32, #tpu.memory_space<hbm>> -> memref<1x2048xf32, #tpu.memory_space<hbm>>
        %dma_start3A_25 = tpu.memref_squeeze %dma_start3A_24 : memref<1x2048xf32, #tpu.memory_space<hbm>> -> memref<2048xf32, #tpu.memory_space<hbm>>
        tpu.enqueue_dma source(%arg20 : memref<2048xf32, #tpu.memory_space<vmem>>) target(%dma_start3A_25 : memref<2048xf32, #tpu.memory_space<hbm>>) target_semaphore(%run_scoped3A : memref<!tpu.dma_semaphore, #tpu.memory_space<semaphore_mem>>)
        %dma_wait3A = arith.constant 0 : i32
        %dma_wait3A_26 = tpu.memref_slice %arg9[%add3A, %dma_wait3A] : memref<2x2048xf32, #tpu.memory_space<hbm>> -> memref<1x2048xf32, #tpu.memory_space<hbm>>
        %dma_wait3A_27 = tpu.memref_squeeze %dma_wait3A_26 : memref<1x2048xf32, #tpu.memory_space<hbm>> -> memref<2048xf32, #tpu.memory_space<hbm>>
        %dma_wait3A_28 = arith.constant 0 : i32
        %dma_wait3A_29 = tpu.memref_slice %arg9[%add3A, %dma_wait3A_28] : memref<2x2048xf32, #tpu.memory_space<hbm>> -> memref<1x2048xf32, #tpu.memory_space<hbm>>
        %dma_wait3A_30 = tpu.memref_squeeze %dma_wait3A_29 : memref<1x2048xf32, #tpu.memory_space<hbm>> -> memref<2048xf32, #tpu.memory_space<hbm>>
        tpu.wait_dma2 semaphore(%run_scoped3A : memref<!tpu.dma_semaphore, #tpu.memory_space<semaphore_mem>>) src(%arg20 : memref<2048xf32, #tpu.memory_space<vmem>>) dst(%dma_wait3A_30 : memref<2048xf32, #tpu.memory_space<hbm>>)
        tpu.yield
      }) : () -> ()
      "tpu.region"() ({
        %run_scoped3A = tpu.sem_alloc : memref<!tpu.dma_semaphore, #tpu.memory_space<semaphore_mem>>
        %dma_start3A = arith.constant 0 : i32
        %dma_start3A_21 = tpu.memref_slice %arg10[%add3A, %dma_start3A] : memref<2x2048xf32, #tpu.memory_space<hbm>> -> memref<1x2048xf32, #tpu.memory_space<hbm>>
        %dma_start3A_22 = tpu.memref_squeeze %dma_start3A_21 : memref<1x2048xf32, #tpu.memory_space<hbm>> -> memref<2048xf32, #tpu.memory_space<hbm>>
        %dma_start3A_23 = arith.constant 0 : i32
        %dma_start3A_24 = tpu.memref_slice %arg10[%add3A, %dma_start3A_23] : memref<2x2048xf32, #tpu.memory_space<hbm>> -> memref<1x2048xf32, #tpu.memory_space<hbm>>
        %dma_start3A_25 = tpu.memref_squeeze %dma_start3A_24 : memref<1x2048xf32, #tpu.memory_space<hbm>> -> memref<2048xf32, #tpu.memory_space<hbm>>
        tpu.enqueue_dma source(%arg21 : memref<2048xf32, #tpu.memory_space<vmem>>) target(%dma_start3A_25 : memref<2048xf32, #tpu.memory_space<hbm>>) target_semaphore(%run_scoped3A : memref<!tpu.dma_semaphore, #tpu.memory_space<semaphore_mem>>)
        %dma_wait3A = arith.constant 0 : i32
        %dma_wait3A_26 = tpu.memref_slice %arg10[%add3A, %dma_wait3A] : memref<2x2048xf32, #tpu.memory_space<hbm>> -> memref<1x2048xf32, #tpu.memory_space<hbm>>
        %dma_wait3A_27 = tpu.memref_squeeze %dma_wait3A_26 : memref<1x2048xf32, #tpu.memory_space<hbm>> -> memref<2048xf32, #tpu.memory_space<hbm>>
        %dma_wait3A_28 = arith.constant 0 : i32
        %dma_wait3A_29 = tpu.memref_slice %arg10[%add3A, %dma_wait3A_28] : memref<2x2048xf32, #tpu.memory_space<hbm>> -> memref<1x2048xf32, #tpu.memory_space<hbm>>
        %dma_wait3A_30 = tpu.memref_squeeze %dma_wait3A_29 : memref<1x2048xf32, #tpu.memory_space<hbm>> -> memref<2048xf32, #tpu.memory_space<hbm>>
        tpu.wait_dma2 semaphore(%run_scoped3A : memref<!tpu.dma_semaphore, #tpu.memory_space<semaphore_mem>>) src(%arg21 : memref<2048xf32, #tpu.memory_space<vmem>>) dst(%dma_wait3A_30 : memref<2048xf32, #tpu.memory_space<hbm>>)
        tpu.yield
      }) : () -> ()
      "tpu.region"() ({
        %run_scoped3A = tpu.sem_alloc : memref<!tpu.dma_semaphore, #tpu.memory_space<semaphore_mem>>
        %dma_start3A = arith.constant 0 : i32
        %dma_start3A_21 = tpu.memref_slice %arg11[%add3A, %dma_start3A] : memref<2x2048xf32, #tpu.memory_space<hbm>> -> memref<1x2048xf32, #tpu.memory_space<hbm>>
        %dma_start3A_22 = tpu.memref_squeeze %dma_start3A_21 : memref<1x2048xf32, #tpu.memory_space<hbm>> -> memref<2048xf32, #tpu.memory_space<hbm>>
        %dma_start3A_23 = arith.constant 0 : i32
        %dma_start3A_24 = tpu.memref_slice %arg11[%add3A, %dma_start3A_23] : memref<2x2048xf32, #tpu.memory_space<hbm>> -> memref<1x2048xf32, #tpu.memory_space<hbm>>
        %dma_start3A_25 = tpu.memref_squeeze %dma_start3A_24 : memref<1x2048xf32, #tpu.memory_space<hbm>> -> memref<2048xf32, #tpu.memory_space<hbm>>
        tpu.enqueue_dma source(%arg22 : memref<2048xf32, #tpu.memory_space<vmem>>) target(%dma_start3A_25 : memref<2048xf32, #tpu.memory_space<hbm>>) target_semaphore(%run_scoped3A : memref<!tpu.dma_semaphore, #tpu.memory_space<semaphore_mem>>)
        %dma_wait3A = arith.constant 0 : i32
        %dma_wait3A_26 = tpu.memref_slice %arg11[%add3A, %dma_wait3A] : memref<2x2048xf32, #tpu.memory_space<hbm>> -> memref<1x2048xf32, #tpu.memory_space<hbm>>
        %dma_wait3A_27 = tpu.memref_squeeze %dma_wait3A_26 : memref<1x2048xf32, #tpu.memory_space<hbm>> -> memref<2048xf32, #tpu.memory_space<hbm>>
        %dma_wait3A_28 = arith.constant 0 : i32
        %dma_wait3A_29 = tpu.memref_slice %arg11[%add3A, %dma_wait3A_28] : memref<2x2048xf32, #tpu.memory_space<hbm>> -> memref<1x2048xf32, #tpu.memory_space<hbm>>
        %dma_wait3A_30 = tpu.memref_squeeze %dma_wait3A_29 : memref<1x2048xf32, #tpu.memory_space<hbm>> -> memref<2048xf32, #tpu.memory_space<hbm>>
        tpu.wait_dma2 semaphore(%run_scoped3A : memref<!tpu.dma_semaphore, #tpu.memory_space<semaphore_mem>>) src(%arg22 : memref<2048xf32, #tpu.memory_space<vmem>>) dst(%dma_wait3A_30 : memref<2048xf32, #tpu.memory_space<hbm>>)
        tpu.yield
      }) : () -> ()
      "tpu.region"() ({
        %run_scoped3A = tpu.sem_alloc : memref<!tpu.dma_semaphore, #tpu.memory_space<semaphore_mem>>
        %dma_start3A = arith.constant 0 : i32
        %dma_start3A_21 = tpu.memref_slice %arg12[%add3A, %dma_start3A] : memref<2x2048xf32, #tpu.memory_space<hbm>> -> memref<1x2048xf32, #tpu.memory_space<hbm>>
        %dma_start3A_22 = tpu.memref_squeeze %dma_start3A_21 : memref<1x2048xf32, #tpu.memory_space<hbm>> -> memref<2048xf32, #tpu.memory_space<hbm>>
        %dma_start3A_23 = arith.constant 0 : i32
        %dma_start3A_24 = tpu.memref_slice %arg12[%add3A, %dma_start3A_23] : memref<2x2048xf32, #tpu.memory_space<hbm>> -> memref<1x2048xf32, #tpu.memory_space<hbm>>
        %dma_start3A_25 = tpu.memref_squeeze %dma_start3A_24 : memref<1x2048xf32, #tpu.memory_space<hbm>> -> memref<2048xf32, #tpu.memory_space<hbm>>
        tpu.enqueue_dma source(%arg23 : memref<2048xf32, #tpu.memory_space<vmem>>) target(%dma_start3A_25 : memref<2048xf32, #tpu.memory_space<hbm>>) target_semaphore(%run_scoped3A : memref<!tpu.dma_semaphore, #tpu.memory_space<semaphore_mem>>)
        %dma_wait3A = arith.constant 0 : i32
        %dma_wait3A_26 = tpu.memref_slice %arg12[%add3A, %dma_wait3A] : memref<2x2048xf32, #tpu.memory_space<hbm>> -> memref<1x2048xf32, #tpu.memory_space<hbm>>
        %dma_wait3A_27 = tpu.memref_squeeze %dma_wait3A_26 : memref<1x2048xf32, #tpu.memory_space<hbm>> -> memref<2048xf32, #tpu.memory_space<hbm>>
        %dma_wait3A_28 = arith.constant 0 : i32
        %dma_wait3A_29 = tpu.memref_slice %arg12[%add3A, %dma_wait3A_28] : memref<2x2048xf32, #tpu.memory_space<hbm>> -> memref<1x2048xf32, #tpu.memory_space<hbm>>
        %dma_wait3A_30 = tpu.memref_squeeze %dma_wait3A_29 : memref<1x2048xf32, #tpu.memory_space<hbm>> -> memref<2048xf32, #tpu.memory_space<hbm>>
        tpu.wait_dma2 semaphore(%run_scoped3A : memref<!tpu.dma_semaphore, #tpu.memory_space<semaphore_mem>>) src(%arg23 : memref<2048xf32, #tpu.memory_space<vmem>>) dst(%dma_wait3A_30 : memref<2048xf32, #tpu.memory_space<hbm>>)
        tpu.yield
      }) : () -> ()
    } else {
    }
    return
  }
}

module attributes {stable_mosaic.version = 14 : i64} {
  func.func @_k1_body(%arg0: i32, %arg1: memref<1x256x2104xf32, #tpu.memory_space<vmem>>, %arg2: memref<3x3x256x256xf32, #tpu.memory_space<vmem>>, %arg3: memref<256x128xf32, #tpu.memory_space<vmem>>, %arg4: memref<3x256xf32, #tpu.memory_space<vmem>>, %arg5: memref<3x128xf32, #tpu.memory_space<vmem>>, %arg6: memref<12x256xf32, #tpu.memory_space<vmem>>, %arg7: memref<12x128xf32, #tpu.memory_space<vmem>>, %arg8: memref<1x3x1976xi32, #tpu.memory_space<vmem>>, %arg9: memref<1x3x1976xf32, #tpu.memory_space<vmem>>, %arg10: memref<1x3x1976xf32, #tpu.memory_space<vmem>>, %arg11: memref<1x3x1976xf32, #tpu.memory_space<vmem>>, %arg12: memref<1x3x1976xf32, #tpu.memory_space<vmem>>, %arg13: memref<1x8x128xi32, #tpu.memory_space<vmem>>) attributes {dimension_semantics = [#tpu.dimension_semantics<arbitrary>], iteration_bounds = array<i64: 2>, scalar_prefetch = 0 : i64, scratch_operands = 0 : i64, tpu.core_type = #tpu.core_type<tc>, window_params = [{transform_indices = @transform_0, window_bounds = array<i64: 1, 256, 2104>}, {pipeline_mode = #tpu.pipeline_mode<synchronous>, transform_indices = @transform_1, window_bounds = array<i64: 3, 3, 256, 256>}, {pipeline_mode = #tpu.pipeline_mode<synchronous>, transform_indices = @transform_2, window_bounds = array<i64: 256, 128>}, {pipeline_mode = #tpu.pipeline_mode<synchronous>, transform_indices = @transform_3, window_bounds = array<i64: 3, 256>}, {pipeline_mode = #tpu.pipeline_mode<synchronous>, transform_indices = @transform_4, window_bounds = array<i64: 3, 128>}, {pipeline_mode = #tpu.pipeline_mode<synchronous>, transform_indices = @transform_5, window_bounds = array<i64: 12, 256>}, {pipeline_mode = #tpu.pipeline_mode<synchronous>, transform_indices = @transform_6, window_bounds = array<i64: 12, 128>}, {transform_indices = @transform_7, window_bounds = array<i64: 1, 3, 1976>}, {transform_indices = @transform_8, window_bounds = array<i64: 1, 3, 1976>}, {transform_indices = @transform_9, window_bounds = array<i64: 1, 3, 1976>}, {transform_indices = @transform_10, window_bounds = array<i64: 1, 3, 1976>}, {transform_indices = @transform_11, window_bounds = array<i64: 1, 3, 1976>}, {transform_indices = @transform_12, window_bounds = array<i64: 1, 8, 128>}]} {
    %get3A = arith.constant 0 : index
    %get3A_0 = arith.constant 0 : index
    %get3A_1 = arith.constant 0 : index
    %get3A_2 = vector.load %arg1[%get3A, %get3A_0, %get3A_1] : memref<1x256x2104xf32, #tpu.memory_space<vmem>>, vector<1x256x2104xf32>
    %get3A_3 = vector.shape_cast %get3A_2 : vector<1x256x2104xf32> to vector<256x2104xf32>
    %convert_element_type3A = arith.truncf %get3A_3 : vector<256x2104xf32> to vector<256x2104xbf16>
    %broadcast_in_dim3A = arith.constant 0.000000e+00 : f32
    %broadcast_in_dim3A_4 = vector.broadcast %broadcast_in_dim3A : f32 to vector<256x1976xf32>
    %get3A_5 = arith.constant 0 : index
    %get3A_6 = arith.constant 0 : index
    %get3A_7 = arith.constant 0 : index
    %get3A_8 = arith.constant 0 : index
    %get3A_9 = vector.load %arg2[%get3A_5, %get3A_6, %get3A_7, %get3A_8] : memref<3x3x256x256xf32, #tpu.memory_space<vmem>>, vector<1x1x256x256xf32>
    %get3A_10 = vector.shape_cast %get3A_9 : vector<1x1x256x256xf32> to vector<256x256xf32>
    %convert_element_type3A_11 = arith.truncf %get3A_10 : vector<256x256xf32> to vector<256x256xbf16>
    %slice3A = vector.extract_strided_slice %convert_element_type3A {offsets = [0, 0], sizes = [256, 1976], strides = [1, 1]} : vector<256x2104xbf16> to vector<256x1976xbf16>
    %dot_general3A = arith.constant dense<0.000000e+00> : vector<256x1976xf32>
    %dot_general3A_12 = tpu.matmul %convert_element_type3A_11, %slice3A, %dot_general3A {dimension_numbers = #tpu.dot_dimension_numbers<[1], [0], [0], [1], [0, 0, 1, 1], [], []>, transpose_lhs_hint = false} : vector<256x256xbf16>, vector<256x1976xbf16>, vector<256x1976xf32> -> vector<256x1976xf32>
    %add3A = arith.addf %broadcast_in_dim3A_4, %dot_general3A_12 : vector<256x1976xf32>
    %get3A_13 = arith.constant 0 : index
    %get3A_14 = arith.constant 1 : index
    %get3A_15 = arith.constant 0 : index
    %get3A_16 = arith.constant 0 : index
    %get3A_17 = vector.load %arg2[%get3A_13, %get3A_14, %get3A_15, %get3A_16] : memref<3x3x256x256xf32, #tpu.memory_space<vmem>>, vector<1x1x256x256xf32>
    %get3A_18 = vector.shape_cast %get3A_17 : vector<1x1x256x256xf32> to vector<256x256xf32>
    %convert_element_type3A_19 = arith.truncf %get3A_18 : vector<256x256xf32> to vector<256x256xbf16>
    %slice3A_20 = vector.extract_strided_slice %convert_element_type3A {offsets = [0, 1], sizes = [256, 1976], strides = [1, 1]} : vector<256x2104xbf16> to vector<256x1976xbf16>
    %dot_general3A_21 = arith.constant dense<0.000000e+00> : vector<256x1976xf32>
    %dot_general3A_22 = tpu.matmul %convert_element_type3A_19, %slice3A_20, %dot_general3A_21 {dimension_numbers = #tpu.dot_dimension_numbers<[1], [0], [0], [1], [0, 0, 1, 1], [], []>, transpose_lhs_hint = false} : vector<256x256xbf16>, vector<256x1976xbf16>, vector<256x1976xf32> -> vector<256x1976xf32>
    %add3A_23 = arith.addf %add3A, %dot_general3A_22 : vector<256x1976xf32>
    %get3A_24 = arith.constant 0 : index
    %get3A_25 = arith.constant 2 : index
    %get3A_26 = arith.constant 0 : index
    %get3A_27 = arith.constant 0 : index
    %get3A_28 = vector.load %arg2[%get3A_24, %get3A_25, %get3A_26, %get3A_27] : memref<3x3x256x256xf32, #tpu.memory_space<vmem>>, vector<1x1x256x256xf32>
    %get3A_29 = vector.shape_cast %get3A_28 : vector<1x1x256x256xf32> to vector<256x256xf32>
    %convert_element_type3A_30 = arith.truncf %get3A_29 : vector<256x256xf32> to vector<256x256xbf16>
    %slice3A_31 = vector.extract_strided_slice %convert_element_type3A {offsets = [0, 2], sizes = [256, 1976], strides = [1, 1]} : vector<256x2104xbf16> to vector<256x1976xbf16>
    %dot_general3A_32 = arith.constant dense<0.000000e+00> : vector<256x1976xf32>
    %dot_general3A_33 = tpu.matmul %convert_element_type3A_30, %slice3A_31, %dot_general3A_32 {dimension_numbers = #tpu.dot_dimension_numbers<[1], [0], [0], [1], [0, 0, 1, 1], [], []>, transpose_lhs_hint = false} : vector<256x256xbf16>, vector<256x1976xbf16>, vector<256x1976xf32> -> vector<256x1976xf32>
    %add3A_34 = arith.addf %add3A_23, %dot_general3A_33 : vector<256x1976xf32>
    %get3A_35 = arith.constant 1 : index
    %get3A_36 = arith.constant 0 : index
    %get3A_37 = arith.constant 0 : index
    %get3A_38 = arith.constant 0 : index
    %get3A_39 = vector.load %arg2[%get3A_35, %get3A_36, %get3A_37, %get3A_38] : memref<3x3x256x256xf32, #tpu.memory_space<vmem>>, vector<1x1x256x256xf32>
    %get3A_40 = vector.shape_cast %get3A_39 : vector<1x1x256x256xf32> to vector<256x256xf32>
    %convert_element_type3A_41 = arith.truncf %get3A_40 : vector<256x256xf32> to vector<256x256xbf16>
    %slice3A_42 = vector.extract_strided_slice %convert_element_type3A {offsets = [0, 52], sizes = [256, 1976], strides = [1, 1]} : vector<256x2104xbf16> to vector<256x1976xbf16>
    %dot_general3A_43 = arith.constant dense<0.000000e+00> : vector<256x1976xf32>
    %dot_general3A_44 = tpu.matmul %convert_element_type3A_41, %slice3A_42, %dot_general3A_43 {dimension_numbers = #tpu.dot_dimension_numbers<[1], [0], [0], [1], [0, 0, 1, 1], [], []>, transpose_lhs_hint = false} : vector<256x256xbf16>, vector<256x1976xbf16>, vector<256x1976xf32> -> vector<256x1976xf32>
    %add3A_45 = arith.addf %add3A_34, %dot_general3A_44 : vector<256x1976xf32>
    %get3A_46 = arith.constant 1 : index
    %get3A_47 = arith.constant 1 : index
    %get3A_48 = arith.constant 0 : index
    %get3A_49 = arith.constant 0 : index
    %get3A_50 = vector.load %arg2[%get3A_46, %get3A_47, %get3A_48, %get3A_49] : memref<3x3x256x256xf32, #tpu.memory_space<vmem>>, vector<1x1x256x256xf32>
    %get3A_51 = vector.shape_cast %get3A_50 : vector<1x1x256x256xf32> to vector<256x256xf32>
    %convert_element_type3A_52 = arith.truncf %get3A_51 : vector<256x256xf32> to vector<256x256xbf16>
    %slice3A_53 = vector.extract_strided_slice %convert_element_type3A {offsets = [0, 53], sizes = [256, 1976], strides = [1, 1]} : vector<256x2104xbf16> to vector<256x1976xbf16>
    %dot_general3A_54 = arith.constant dense<0.000000e+00> : vector<256x1976xf32>
    %dot_general3A_55 = tpu.matmul %convert_element_type3A_52, %slice3A_53, %dot_general3A_54 {dimension_numbers = #tpu.dot_dimension_numbers<[1], [0], [0], [1], [0, 0, 1, 1], [], []>, transpose_lhs_hint = false} : vector<256x256xbf16>, vector<256x1976xbf16>, vector<256x1976xf32> -> vector<256x1976xf32>
    %add3A_56 = arith.addf %add3A_45, %dot_general3A_55 : vector<256x1976xf32>
    %get3A_57 = arith.constant 1 : index
    %get3A_58 = arith.constant 2 : index
    %get3A_59 = arith.constant 0 : index
    %get3A_60 = arith.constant 0 : index
    %get3A_61 = vector.load %arg2[%get3A_57, %get3A_58, %get3A_59, %get3A_60] : memref<3x3x256x256xf32, #tpu.memory_space<vmem>>, vector<1x1x256x256xf32>
    %get3A_62 = vector.shape_cast %get3A_61 : vector<1x1x256x256xf32> to vector<256x256xf32>
    %convert_element_type3A_63 = arith.truncf %get3A_62 : vector<256x256xf32> to vector<256x256xbf16>
    %slice3A_64 = vector.extract_strided_slice %convert_element_type3A {offsets = [0, 54], sizes = [256, 1976], strides = [1, 1]} : vector<256x2104xbf16> to vector<256x1976xbf16>
    %dot_general3A_65 = arith.constant dense<0.000000e+00> : vector<256x1976xf32>
    %dot_general3A_66 = tpu.matmul %convert_element_type3A_63, %slice3A_64, %dot_general3A_65 {dimension_numbers = #tpu.dot_dimension_numbers<[1], [0], [0], [1], [0, 0, 1, 1], [], []>, transpose_lhs_hint = false} : vector<256x256xbf16>, vector<256x1976xbf16>, vector<256x1976xf32> -> vector<256x1976xf32>
    %add3A_67 = arith.addf %add3A_56, %dot_general3A_66 : vector<256x1976xf32>
    %get3A_68 = arith.constant 2 : index
    %get3A_69 = arith.constant 0 : index
    %get3A_70 = arith.constant 0 : index
    %get3A_71 = arith.constant 0 : index
    %get3A_72 = vector.load %arg2[%get3A_68, %get3A_69, %get3A_70, %get3A_71] : memref<3x3x256x256xf32, #tpu.memory_space<vmem>>, vector<1x1x256x256xf32>
    %get3A_73 = vector.shape_cast %get3A_72 : vector<1x1x256x256xf32> to vector<256x256xf32>
    %convert_element_type3A_74 = arith.truncf %get3A_73 : vector<256x256xf32> to vector<256x256xbf16>
    %slice3A_75 = vector.extract_strided_slice %convert_element_type3A {offsets = [0, 104], sizes = [256, 1976], strides = [1, 1]} : vector<256x2104xbf16> to vector<256x1976xbf16>
    %dot_general3A_76 = arith.constant dense<0.000000e+00> : vector<256x1976xf32>
    %dot_general3A_77 = tpu.matmul %convert_element_type3A_74, %slice3A_75, %dot_general3A_76 {dimension_numbers = #tpu.dot_dimension_numbers<[1], [0], [0], [1], [0, 0, 1, 1], [], []>, transpose_lhs_hint = false} : vector<256x256xbf16>, vector<256x1976xbf16>, vector<256x1976xf32> -> vector<256x1976xf32>
    %add3A_78 = arith.addf %add3A_67, %dot_general3A_77 : vector<256x1976xf32>
    %get3A_79 = arith.constant 2 : index
    %get3A_80 = arith.constant 1 : index
    %get3A_81 = arith.constant 0 : index
    %get3A_82 = arith.constant 0 : index
    %get3A_83 = vector.load %arg2[%get3A_79, %get3A_80, %get3A_81, %get3A_82] : memref<3x3x256x256xf32, #tpu.memory_space<vmem>>, vector<1x1x256x256xf32>
    %get3A_84 = vector.shape_cast %get3A_83 : vector<1x1x256x256xf32> to vector<256x256xf32>
    %convert_element_type3A_85 = arith.truncf %get3A_84 : vector<256x256xf32> to vector<256x256xbf16>
    %slice3A_86 = vector.extract_strided_slice %convert_element_type3A {offsets = [0, 105], sizes = [256, 1976], strides = [1, 1]} : vector<256x2104xbf16> to vector<256x1976xbf16>
    %dot_general3A_87 = arith.constant dense<0.000000e+00> : vector<256x1976xf32>
    %dot_general3A_88 = tpu.matmul %convert_element_type3A_85, %slice3A_86, %dot_general3A_87 {dimension_numbers = #tpu.dot_dimension_numbers<[1], [0], [0], [1], [0, 0, 1, 1], [], []>, transpose_lhs_hint = false} : vector<256x256xbf16>, vector<256x1976xbf16>, vector<256x1976xf32> -> vector<256x1976xf32>
    %add3A_89 = arith.addf %add3A_78, %dot_general3A_88 : vector<256x1976xf32>
    %get3A_90 = arith.constant 2 : index
    %get3A_91 = arith.constant 2 : index
    %get3A_92 = arith.constant 0 : index
    %get3A_93 = arith.constant 0 : index
    %get3A_94 = vector.load %arg2[%get3A_90, %get3A_91, %get3A_92, %get3A_93] : memref<3x3x256x256xf32, #tpu.memory_space<vmem>>, vector<1x1x256x256xf32>
    %get3A_95 = vector.shape_cast %get3A_94 : vector<1x1x256x256xf32> to vector<256x256xf32>
    %convert_element_type3A_96 = arith.truncf %get3A_95 : vector<256x256xf32> to vector<256x256xbf16>
    %slice3A_97 = vector.extract_strided_slice %convert_element_type3A {offsets = [0, 106], sizes = [256, 1976], strides = [1, 1]} : vector<256x2104xbf16> to vector<256x1976xbf16>
    %dot_general3A_98 = arith.constant dense<0.000000e+00> : vector<256x1976xf32>
    %dot_general3A_99 = tpu.matmul %convert_element_type3A_96, %slice3A_97, %dot_general3A_98 {dimension_numbers = #tpu.dot_dimension_numbers<[1], [0], [0], [1], [0, 0, 1, 1], [], []>, transpose_lhs_hint = false} : vector<256x256xbf16>, vector<256x1976xbf16>, vector<256x1976xf32> -> vector<256x1976xf32>
    %add3A_100 = arith.addf %add3A_89, %dot_general3A_99 : vector<256x1976xf32>
    %get3A_101 = arith.constant 0 : index
    %get3A_102 = arith.constant 0 : index
    %get3A_103 = vector.load %arg3[%get3A_101, %get3A_102] : memref<256x128xf32, #tpu.memory_space<vmem>>, vector<256x1xf32>
    %add3A_104 = vector.broadcast %get3A_103 : vector<256x1xf32> to vector<256x1976xf32>
    %add3A_105 = arith.addf %add3A_100, %add3A_104 : vector<256x1976xf32>
    %max3A = arith.constant 0.000000e+00 : f32
    %max3A_106 = vector.broadcast %max3A : f32 to vector<256x1976xf32>
    %max3A_107 = arith.maximumf %add3A_105, %max3A_106 : vector<256x1976xf32>
    %convert_element_type3A_108 = arith.truncf %max3A_107 : vector<256x1976xf32> to vector<256x1976xbf16>
    %get3A_109 = arith.constant 0 : index
    %get3A_110 = arith.constant 0 : index
    %get3A_111 = vector.load %arg4[%get3A_109, %get3A_110] : memref<3x256xf32, #tpu.memory_space<vmem>>, vector<3x256xf32>
    %convert_element_type3A_112 = arith.truncf %get3A_111 : vector<3x256xf32> to vector<3x256xbf16>
    %dot_general3A_113 = arith.constant dense<0.000000e+00> : vector<3x1976xf32>
    %dot_general3A_114 = tpu.matmul %convert_element_type3A_112, %convert_element_type3A_108, %dot_general3A_113 {dimension_numbers = #tpu.dot_dimension_numbers<[1], [0], [0], [1], [0, 0, 1, 1], [], []>, transpose_lhs_hint = false} : vector<3x256xbf16>, vector<256x1976xbf16>, vector<3x1976xf32> -> vector<3x1976xf32>
    %get3A_115 = arith.constant 0 : index
    %get3A_116 = arith.constant 0 : index
    %get3A_117 = vector.load %arg5[%get3A_115, %get3A_116] : memref<3x128xf32, #tpu.memory_space<vmem>>, vector<3x1xf32>
    %add3A_118 = vector.broadcast %get3A_117 : vector<3x1xf32> to vector<3x1976xf32>
    %add3A_119 = arith.addf %dot_general3A_114, %add3A_118 : vector<3x1976xf32>
    %get3A_120 = arith.constant 0 : index
    %get3A_121 = arith.constant 0 : index
    %get3A_122 = vector.load %arg6[%get3A_120, %get3A_121] : memref<12x256xf32, #tpu.memory_space<vmem>>, vector<12x256xf32>
    %convert_element_type3A_123 = arith.truncf %get3A_122 : vector<12x256xf32> to vector<12x256xbf16>
    %dot_general3A_124 = arith.constant dense<0.000000e+00> : vector<12x1976xf32>
    %dot_general3A_125 = tpu.matmul %convert_element_type3A_123, %convert_element_type3A_108, %dot_general3A_124 {dimension_numbers = #tpu.dot_dimension_numbers<[1], [0], [0], [1], [0, 0, 1, 1], [], []>, transpose_lhs_hint = false} : vector<12x256xbf16>, vector<256x1976xbf16>, vector<12x1976xf32> -> vector<12x1976xf32>
    %get3A_126 = arith.constant 0 : index
    %get3A_127 = arith.constant 0 : index
    %get3A_128 = vector.load %arg7[%get3A_126, %get3A_127] : memref<12x128xf32, #tpu.memory_space<vmem>>, vector<12x1xf32>
    %add3A_129 = vector.broadcast %get3A_128 : vector<12x1xf32> to vector<12x1976xf32>
    %add3A_130 = arith.addf %dot_general3A_125, %add3A_129 : vector<12x1976xf32>
    %iota3A = tpu.iota {dimensions = array<i32: 1>} : vector<1x1976xi32>
    %jit3A = arith.constant 52 : i32
    %eq3A = arith.constant 0 : i32
    %eq3A_131 = arith.cmpi eq, %jit3A, %eq3A : i32
    %jit3A_132 = arith.constant 1 : i32
    %select_n3A = arith.select %eq3A_131, %jit3A_132, %jit3A : i32
    %rem3A = vector.broadcast %select_n3A : i32 to vector<1x1976xi32>
    %rem3A_133 = arith.remsi %iota3A, %rem3A : vector<1x1976xi32>
    %ne3A = arith.constant 0 : i32
    %ne3A_134 = vector.broadcast %ne3A : i32 to vector<1x1976xi32>
    %ne3A_135 = arith.cmpi ne, %rem3A_133, %ne3A_134 : vector<1x1976xi32>
    %lt3A = arith.constant 0 : i32
    %lt3A_136 = vector.broadcast %lt3A : i32 to vector<1x1976xi32>
    %lt3A_137 = arith.cmpi slt, %rem3A_133, %lt3A_136 : vector<1x1976xi32>
    %lt3A_138 = arith.constant 0 : i32
    %lt3A_139 = arith.cmpi slt, %select_n3A, %lt3A_138 : i32
    %ne3A_140 = vector.broadcast %lt3A_139 : i1 to vector<1x1976xi1>
    %ne3A_141 = vector.broadcast %ne3A_140 : vector<1x1976xi1> to vector<1x1976xi1>
    %ne3A_142 = arith.xori %lt3A_137, %ne3A_141 : vector<1x1976xi1>
    %and3A = arith.andi %ne3A_142, %ne3A_135 : vector<1x1976xi1>
    %add3A_143 = vector.broadcast %select_n3A : i32 to vector<1x1976xi32>
    %add3A_144 = arith.addi %rem3A_133, %add3A_143 : vector<1x1976xi32>
    %select_n3A_145 = arith.select %and3A, %add3A_144, %rem3A_133 : vector<1x1976xi1>, vector<1x1976xi32>
    %jit3A_146 = arith.constant 52 : i32
    %div3A = vector.broadcast %jit3A_146 : i32 to vector<1x1976xi32>
    %div3A_147 = arith.divsi %iota3A, %div3A : vector<1x1976xi32>
    %sign3A = arith.constant 0 : i32
    %sign3A_148 = vector.broadcast %sign3A : i32 to vector<1x1976xi32>
    %sign3A_149 = arith.cmpi sgt, %iota3A, %sign3A_148 : vector<1x1976xi32>
    %sign3A_150 = arith.extui %sign3A_149 : vector<1x1976xi1> to vector<1x1976xi32>
    %sign3A_151 = arith.constant 0 : i32
    %sign3A_152 = vector.broadcast %sign3A_151 : i32 to vector<1x1976xi32>
    %sign3A_153 = arith.cmpi slt, %iota3A, %sign3A_152 : vector<1x1976xi32>
    %sign3A_154 = arith.extui %sign3A_153 : vector<1x1976xi1> to vector<1x1976xi32>
    %sign3A_155 = arith.subi %sign3A_150, %sign3A_154 : vector<1x1976xi32>
    %sign3A_156 = arith.constant 0 : i32
    %sign3A_157 = arith.cmpi sgt, %jit3A_146, %sign3A_156 : i32
    %sign3A_158 = arith.extui %sign3A_157 : i1 to i32
    %sign3A_159 = arith.constant 0 : i32
    %sign3A_160 = arith.cmpi slt, %jit3A_146, %sign3A_159 : i32
    %sign3A_161 = arith.extui %sign3A_160 : i1 to i32
    %sign3A_162 = arith.subi %sign3A_158, %sign3A_161 : i32
    %ne3A_163 = vector.broadcast %sign3A_162 : i32 to vector<1x1976xi32>
    %ne3A_164 = arith.cmpi ne, %sign3A_155, %ne3A_163 : vector<1x1976xi32>
    %rem3A_165 = vector.broadcast %jit3A_146 : i32 to vector<1x1976xi32>
    %rem3A_166 = arith.remsi %iota3A, %rem3A_165 : vector<1x1976xi32>
    %ne3A_167 = arith.constant 0 : i32
    %ne3A_168 = vector.broadcast %ne3A_167 : i32 to vector<1x1976xi32>
    %ne3A_169 = arith.cmpi ne, %rem3A_166, %ne3A_168 : vector<1x1976xi32>
    %and3A_170 = arith.andi %ne3A_164, %ne3A_169 : vector<1x1976xi1>
    %sub3A = arith.constant 1 : i32
    %sub3A_171 = vector.broadcast %sub3A : i32 to vector<1x1976xi32>
    %sub3A_172 = arith.subi %div3A_147, %sub3A_171 : vector<1x1976xi32>
    %select_n3A_173 = arith.select %and3A_170, %sub3A_172, %div3A_147 : vector<1x1976xi1>, vector<1x1976xi32>
    %ge3A = arith.constant 50 : i32
    %ge3A_174 = vector.broadcast %ge3A : i32 to vector<1x1976xi32>
    %ge3A_175 = arith.cmpi sge, %select_n3A_145, %ge3A_174 : vector<1x1976xi32>
    %convert_element_type3A_176 = arith.sitofp %select_n3A_145 : vector<1x1976xi32> to vector<1x1976xf32>
    %add3A_177 = arith.constant 5.000000e-01 : f32
    %add3A_178 = vector.broadcast %add3A_177 : f32 to vector<1x1976xf32>
    %add3A_179 = arith.addf %convert_element_type3A_176, %add3A_178 : vector<1x1976xf32>
    %mul3A = arith.constant 1.600000e+01 : f32
    %mul3A_180 = vector.broadcast %mul3A : f32 to vector<1x1976xf32>
    %mul3A_181 = arith.mulf %add3A_179, %mul3A_180 : vector<1x1976xf32>
    %convert_element_type3A_182 = arith.sitofp %select_n3A_173 : vector<1x1976xi32> to vector<1x1976xf32>
    %add3A_183 = arith.constant 5.000000e-01 : f32
    %add3A_184 = vector.broadcast %add3A_183 : f32 to vector<1x1976xf32>
    %add3A_185 = arith.addf %convert_element_type3A_182, %add3A_184 : vector<1x1976xf32>
    %mul3A_186 = arith.constant 1.600000e+01 : f32
    %mul3A_187 = vector.broadcast %mul3A_186 : f32 to vector<1x1976xf32>
    %mul3A_188 = arith.mulf %add3A_185, %mul3A_187 : vector<1x1976xf32>
    %slice3A_189 = vector.extract_strided_slice %add3A_130 {offsets = [0, 0], sizes = [1, 1976], strides = [1, 1]} : vector<12x1976xf32> to vector<1x1976xf32>
    %slice3A_190 = vector.extract_strided_slice %add3A_130 {offsets = [1, 0], sizes = [1, 1976], strides = [1, 1]} : vector<12x1976xf32> to vector<1x1976xf32>
    %slice3A_191 = vector.extract_strided_slice %add3A_130 {offsets = [2, 0], sizes = [1, 1976], strides = [1, 1]} : vector<12x1976xf32> to vector<1x1976xf32>
    %min3A = arith.constant 4.13516665 : f32
    %min3A_192 = vector.broadcast %min3A : f32 to vector<1x1976xf32>
    %min3A_193 = arith.minimumf %slice3A_191, %min3A_192 : vector<1x1976xf32>
    %slice3A_194 = vector.extract_strided_slice %add3A_130 {offsets = [3, 0], sizes = [1, 1976], strides = [1, 1]} : vector<12x1976xf32> to vector<1x1976xf32>
    %min3A_195 = arith.constant 4.13516665 : f32
    %min3A_196 = vector.broadcast %min3A_195 : f32 to vector<1x1976xf32>
    %min3A_197 = arith.minimumf %slice3A_194, %min3A_196 : vector<1x1976xf32>
    %mul3A_198 = arith.constant 6.400000e+01 : f32
    %mul3A_199 = vector.broadcast %mul3A_198 : f32 to vector<1x1976xf32>
    %mul3A_200 = arith.mulf %slice3A_189, %mul3A_199 : vector<1x1976xf32>
    %add3A_201 = arith.addf %mul3A_200, %mul3A_181 : vector<1x1976xf32>
    %mul3A_202 = arith.constant 6.400000e+01 : f32
    %mul3A_203 = vector.broadcast %mul3A_202 : f32 to vector<1x1976xf32>
    %mul3A_204 = arith.mulf %slice3A_190, %mul3A_203 : vector<1x1976xf32>
    %add3A_205 = arith.addf %mul3A_204, %mul3A_188 : vector<1x1976xf32>
    %exp3A = math.exp %min3A_193 : vector<1x1976xf32>
    %mul3A_206 = arith.constant 6.400000e+01 : f32
    %mul3A_207 = vector.broadcast %mul3A_206 : f32 to vector<1x1976xf32>
    %mul3A_208 = arith.mulf %exp3A, %mul3A_207 : vector<1x1976xf32>
    %exp3A_209 = math.exp %min3A_197 : vector<1x1976xf32>
    %mul3A_210 = arith.constant 6.400000e+01 : f32
    %mul3A_211 = vector.broadcast %mul3A_210 : f32 to vector<1x1976xf32>
    %mul3A_212 = arith.mulf %exp3A_209, %mul3A_211 : vector<1x1976xf32>
    %mul3A_213 = arith.constant 5.000000e-01 : f32
    %mul3A_214 = vector.broadcast %mul3A_213 : f32 to vector<1x1976xf32>
    %mul3A_215 = arith.mulf %mul3A_214, %mul3A_208 : vector<1x1976xf32>
    %sub3A_216 = arith.subf %add3A_201, %mul3A_215 : vector<1x1976xf32>
    %jit3A_217 = arith.constant 0.000000e+00 : f32
    %jit3A_218 = arith.constant 8.000000e+02 : f32
    %max3A_219 = vector.broadcast %jit3A_217 : f32 to vector<1x1976xf32>
    %max3A_220 = arith.maximumf %max3A_219, %sub3A_216 : vector<1x1976xf32>
    %min3A_221 = vector.broadcast %jit3A_218 : f32 to vector<1x1976xf32>
    %min3A_222 = arith.minimumf %min3A_221, %max3A_220 : vector<1x1976xf32>
    %mul3A_223 = arith.constant 5.000000e-01 : f32
    %mul3A_224 = vector.broadcast %mul3A_223 : f32 to vector<1x1976xf32>
    %mul3A_225 = arith.mulf %mul3A_224, %mul3A_212 : vector<1x1976xf32>
    %sub3A_226 = arith.subf %add3A_205, %mul3A_225 : vector<1x1976xf32>
    %jit3A_227 = arith.constant 0.000000e+00 : f32
    %jit3A_228 = arith.constant 6.080000e+02 : f32
    %max3A_229 = vector.broadcast %jit3A_227 : f32 to vector<1x1976xf32>
    %max3A_230 = arith.maximumf %max3A_229, %sub3A_226 : vector<1x1976xf32>
    %min3A_231 = vector.broadcast %jit3A_228 : f32 to vector<1x1976xf32>
    %min3A_232 = arith.minimumf %min3A_231, %max3A_230 : vector<1x1976xf32>
    %mul3A_233 = arith.constant 5.000000e-01 : f32
    %mul3A_234 = vector.broadcast %mul3A_233 : f32 to vector<1x1976xf32>
    %mul3A_235 = arith.mulf %mul3A_234, %mul3A_208 : vector<1x1976xf32>
    %add3A_236 = arith.addf %add3A_201, %mul3A_235 : vector<1x1976xf32>
    %jit3A_237 = arith.constant 0.000000e+00 : f32
    %jit3A_238 = arith.constant 8.000000e+02 : f32
    %max3A_239 = vector.broadcast %jit3A_237 : f32 to vector<1x1976xf32>
    %max3A_240 = arith.maximumf %max3A_239, %add3A_236 : vector<1x1976xf32>
    %min3A_241 = vector.broadcast %jit3A_238 : f32 to vector<1x1976xf32>
    %min3A_242 = arith.minimumf %min3A_241, %max3A_240 : vector<1x1976xf32>
    %mul3A_243 = arith.constant 5.000000e-01 : f32
    %mul3A_244 = vector.broadcast %mul3A_243 : f32 to vector<1x1976xf32>
    %mul3A_245 = arith.mulf %mul3A_244, %mul3A_212 : vector<1x1976xf32>
    %add3A_246 = arith.addf %add3A_205, %mul3A_245 : vector<1x1976xf32>
    %jit3A_247 = arith.constant 0.000000e+00 : f32
    %jit3A_248 = arith.constant 6.080000e+02 : f32
    %max3A_249 = vector.broadcast %jit3A_247 : f32 to vector<1x1976xf32>
    %max3A_250 = arith.maximumf %max3A_249, %add3A_246 : vector<1x1976xf32>
    %min3A_251 = vector.broadcast %jit3A_248 : f32 to vector<1x1976xf32>
    %min3A_252 = arith.minimumf %min3A_251, %max3A_250 : vector<1x1976xf32>
    %slice3A_253 = vector.extract_strided_slice %add3A_119 {offsets = [0, 0], sizes = [1, 1976], strides = [1, 1]} : vector<3x1976xf32> to vector<1x1976xf32>
    %bitcast_convert_type3A = tpu.bitcast %slice3A_253 : vector<1x1976xf32> -> vector<1x1976xi32>
    %ge3A_254 = arith.constant 0 : i32
    %ge3A_255 = vector.broadcast %ge3A_254 : i32 to vector<1x1976xi32>
    %ge3A_256 = arith.cmpi sge, %bitcast_convert_type3A, %ge3A_255 : vector<1x1976xi32>
    %xor3A = arith.constant 2147483647 : i32
    %xor3A_257 = vector.broadcast %xor3A : i32 to vector<1x1976xi32>
    %xor3A_258 = arith.xori %bitcast_convert_type3A, %xor3A_257 : vector<1x1976xi32>
    %select_n3A_259 = arith.select %ge3A_256, %bitcast_convert_type3A, %xor3A_258 : vector<1x1976xi1>, vector<1x1976xi32>
    %jit3A_260 = arith.constant -2147483648 : i32
    %broadcast_in_dim3A_261 = vector.broadcast %jit3A_260 : i32 to vector<1x1976xi32>
    %select_n3A_262 = arith.select %ge3A_175, %broadcast_in_dim3A_261, %select_n3A_259 : vector<1x1976xi1>, vector<1x1976xi32>
    %slice3A_263 = vector.extract_strided_slice %add3A_130 {offsets = [4, 0], sizes = [1, 1976], strides = [1, 1]} : vector<12x1976xf32> to vector<1x1976xf32>
    %slice3A_264 = vector.extract_strided_slice %add3A_130 {offsets = [5, 0], sizes = [1, 1976], strides = [1, 1]} : vector<12x1976xf32> to vector<1x1976xf32>
    %slice3A_265 = vector.extract_strided_slice %add3A_130 {offsets = [6, 0], sizes = [1, 1976], strides = [1, 1]} : vector<12x1976xf32> to vector<1x1976xf32>
    %min3A_266 = arith.constant 4.13516665 : f32
    %min3A_267 = vector.broadcast %min3A_266 : f32 to vector<1x1976xf32>
    %min3A_268 = arith.minimumf %slice3A_265, %min3A_267 : vector<1x1976xf32>
    %slice3A_269 = vector.extract_strided_slice %add3A_130 {offsets = [7, 0], sizes = [1, 1976], strides = [1, 1]} : vector<12x1976xf32> to vector<1x1976xf32>
    %min3A_270 = arith.constant 4.13516665 : f32
    %min3A_271 = vector.broadcast %min3A_270 : f32 to vector<1x1976xf32>
    %min3A_272 = arith.minimumf %slice3A_269, %min3A_271 : vector<1x1976xf32>
    %mul3A_273 = arith.constant 1.280000e+02 : f32
    %mul3A_274 = vector.broadcast %mul3A_273 : f32 to vector<1x1976xf32>
    %mul3A_275 = arith.mulf %slice3A_263, %mul3A_274 : vector<1x1976xf32>
    %add3A_276 = arith.addf %mul3A_275, %mul3A_181 : vector<1x1976xf32>
    %mul3A_277 = arith.constant 1.280000e+02 : f32
    %mul3A_278 = vector.broadcast %mul3A_277 : f32 to vector<1x1976xf32>
    %mul3A_279 = arith.mulf %slice3A_264, %mul3A_278 : vector<1x1976xf32>
    %add3A_280 = arith.addf %mul3A_279, %mul3A_188 : vector<1x1976xf32>
    %exp3A_281 = math.exp %min3A_268 : vector<1x1976xf32>
    %mul3A_282 = arith.constant 1.280000e+02 : f32
    %mul3A_283 = vector.broadcast %mul3A_282 : f32 to vector<1x1976xf32>
    %mul3A_284 = arith.mulf %exp3A_281, %mul3A_283 : vector<1x1976xf32>
    %exp3A_285 = math.exp %min3A_272 : vector<1x1976xf32>
    %mul3A_286 = arith.constant 1.280000e+02 : f32
    %mul3A_287 = vector.broadcast %mul3A_286 : f32 to vector<1x1976xf32>
    %mul3A_288 = arith.mulf %exp3A_285, %mul3A_287 : vector<1x1976xf32>
    %mul3A_289 = arith.constant 5.000000e-01 : f32
    %mul3A_290 = vector.broadcast %mul3A_289 : f32 to vector<1x1976xf32>
    %mul3A_291 = arith.mulf %mul3A_290, %mul3A_284 : vector<1x1976xf32>
    %sub3A_292 = arith.subf %add3A_276, %mul3A_291 : vector<1x1976xf32>
    %jit3A_293 = arith.constant 0.000000e+00 : f32
    %jit3A_294 = arith.constant 8.000000e+02 : f32
    %max3A_295 = vector.broadcast %jit3A_293 : f32 to vector<1x1976xf32>
    %max3A_296 = arith.maximumf %max3A_295, %sub3A_292 : vector<1x1976xf32>
    %min3A_297 = vector.broadcast %jit3A_294 : f32 to vector<1x1976xf32>
    %min3A_298 = arith.minimumf %min3A_297, %max3A_296 : vector<1x1976xf32>
    %mul3A_299 = arith.constant 5.000000e-01 : f32
    %mul3A_300 = vector.broadcast %mul3A_299 : f32 to vector<1x1976xf32>
    %mul3A_301 = arith.mulf %mul3A_300, %mul3A_288 : vector<1x1976xf32>
    %sub3A_302 = arith.subf %add3A_280, %mul3A_301 : vector<1x1976xf32>
    %jit3A_303 = arith.constant 0.000000e+00 : f32
    %jit3A_304 = arith.constant 6.080000e+02 : f32
    %max3A_305 = vector.broadcast %jit3A_303 : f32 to vector<1x1976xf32>
    %max3A_306 = arith.maximumf %max3A_305, %sub3A_302 : vector<1x1976xf32>
    %min3A_307 = vector.broadcast %jit3A_304 : f32 to vector<1x1976xf32>
    %min3A_308 = arith.minimumf %min3A_307, %max3A_306 : vector<1x1976xf32>
    %mul3A_309 = arith.constant 5.000000e-01 : f32
    %mul3A_310 = vector.broadcast %mul3A_309 : f32 to vector<1x1976xf32>
    %mul3A_311 = arith.mulf %mul3A_310, %mul3A_284 : vector<1x1976xf32>
    %add3A_312 = arith.addf %add3A_276, %mul3A_311 : vector<1x1976xf32>
    %jit3A_313 = arith.constant 0.000000e+00 : f32
    %jit3A_314 = arith.constant 8.000000e+02 : f32
    %max3A_315 = vector.broadcast %jit3A_313 : f32 to vector<1x1976xf32>
    %max3A_316 = arith.maximumf %max3A_315, %add3A_312 : vector<1x1976xf32>
    %min3A_317 = vector.broadcast %jit3A_314 : f32 to vector<1x1976xf32>
    %min3A_318 = arith.minimumf %min3A_317, %max3A_316 : vector<1x1976xf32>
    %mul3A_319 = arith.constant 5.000000e-01 : f32
    %mul3A_320 = vector.broadcast %mul3A_319 : f32 to vector<1x1976xf32>
    %mul3A_321 = arith.mulf %mul3A_320, %mul3A_288 : vector<1x1976xf32>
    %add3A_322 = arith.addf %add3A_280, %mul3A_321 : vector<1x1976xf32>
    %jit3A_323 = arith.constant 0.000000e+00 : f32
    %jit3A_324 = arith.constant 6.080000e+02 : f32
    %max3A_325 = vector.broadcast %jit3A_323 : f32 to vector<1x1976xf32>
    %max3A_326 = arith.maximumf %max3A_325, %add3A_322 : vector<1x1976xf32>
    %min3A_327 = vector.broadcast %jit3A_324 : f32 to vector<1x1976xf32>
    %min3A_328 = arith.minimumf %min3A_327, %max3A_326 : vector<1x1976xf32>
    %slice3A_329 = vector.extract_strided_slice %add3A_119 {offsets = [1, 0], sizes = [1, 1976], strides = [1, 1]} : vector<3x1976xf32> to vector<1x1976xf32>
    %bitcast_convert_type3A_330 = tpu.bitcast %slice3A_329 : vector<1x1976xf32> -> vector<1x1976xi32>
    %ge3A_331 = arith.constant 0 : i32
    %ge3A_332 = vector.broadcast %ge3A_331 : i32 to vector<1x1976xi32>
    %ge3A_333 = arith.cmpi sge, %bitcast_convert_type3A_330, %ge3A_332 : vector<1x1976xi32>
    %xor3A_334 = arith.constant 2147483647 : i32
    %xor3A_335 = vector.broadcast %xor3A_334 : i32 to vector<1x1976xi32>
    %xor3A_336 = arith.xori %bitcast_convert_type3A_330, %xor3A_335 : vector<1x1976xi32>
    %select_n3A_337 = arith.select %ge3A_333, %bitcast_convert_type3A_330, %xor3A_336 : vector<1x1976xi1>, vector<1x1976xi32>
    %jit3A_338 = arith.constant -2147483648 : i32
    %broadcast_in_dim3A_339 = vector.broadcast %jit3A_338 : i32 to vector<1x1976xi32>
    %select_n3A_340 = arith.select %ge3A_175, %broadcast_in_dim3A_339, %select_n3A_337 : vector<1x1976xi1>, vector<1x1976xi32>
    %slice3A_341 = vector.extract_strided_slice %add3A_130 {offsets = [8, 0], sizes = [1, 1976], strides = [1, 1]} : vector<12x1976xf32> to vector<1x1976xf32>
    %slice3A_342 = vector.extract_strided_slice %add3A_130 {offsets = [9, 0], sizes = [1, 1976], strides = [1, 1]} : vector<12x1976xf32> to vector<1x1976xf32>
    %slice3A_343 = vector.extract_strided_slice %add3A_130 {offsets = [10, 0], sizes = [1, 1976], strides = [1, 1]} : vector<12x1976xf32> to vector<1x1976xf32>
    %min3A_344 = arith.constant 4.13516665 : f32
    %min3A_345 = vector.broadcast %min3A_344 : f32 to vector<1x1976xf32>
    %min3A_346 = arith.minimumf %slice3A_343, %min3A_345 : vector<1x1976xf32>
    %slice3A_347 = vector.extract_strided_slice %add3A_130 {offsets = [11, 0], sizes = [1, 1976], strides = [1, 1]} : vector<12x1976xf32> to vector<1x1976xf32>
    %min3A_348 = arith.constant 4.13516665 : f32
    %min3A_349 = vector.broadcast %min3A_348 : f32 to vector<1x1976xf32>
    %min3A_350 = arith.minimumf %slice3A_347, %min3A_349 : vector<1x1976xf32>
    %mul3A_351 = arith.constant 2.560000e+02 : f32
    %mul3A_352 = vector.broadcast %mul3A_351 : f32 to vector<1x1976xf32>
    %mul3A_353 = arith.mulf %slice3A_341, %mul3A_352 : vector<1x1976xf32>
    %add3A_354 = arith.addf %mul3A_353, %mul3A_181 : vector<1x1976xf32>
    %mul3A_355 = arith.constant 2.560000e+02 : f32
    %mul3A_356 = vector.broadcast %mul3A_355 : f32 to vector<1x1976xf32>
    %mul3A_357 = arith.mulf %slice3A_342, %mul3A_356 : vector<1x1976xf32>
    %add3A_358 = arith.addf %mul3A_357, %mul3A_188 : vector<1x1976xf32>
    %exp3A_359 = math.exp %min3A_346 : vector<1x1976xf32>
    %mul3A_360 = arith.constant 2.560000e+02 : f32
    %mul3A_361 = vector.broadcast %mul3A_360 : f32 to vector<1x1976xf32>
    %mul3A_362 = arith.mulf %exp3A_359, %mul3A_361 : vector<1x1976xf32>
    %exp3A_363 = math.exp %min3A_350 : vector<1x1976xf32>
    %mul3A_364 = arith.constant 2.560000e+02 : f32
    %mul3A_365 = vector.broadcast %mul3A_364 : f32 to vector<1x1976xf32>
    %mul3A_366 = arith.mulf %exp3A_363, %mul3A_365 : vector<1x1976xf32>
    %mul3A_367 = arith.constant 5.000000e-01 : f32
    %mul3A_368 = vector.broadcast %mul3A_367 : f32 to vector<1x1976xf32>
    %mul3A_369 = arith.mulf %mul3A_368, %mul3A_362 : vector<1x1976xf32>
    %sub3A_370 = arith.subf %add3A_354, %mul3A_369 : vector<1x1976xf32>
    %jit3A_371 = arith.constant 0.000000e+00 : f32
    %jit3A_372 = arith.constant 8.000000e+02 : f32
    %max3A_373 = vector.broadcast %jit3A_371 : f32 to vector<1x1976xf32>
    %max3A_374 = arith.maximumf %max3A_373, %sub3A_370 : vector<1x1976xf32>
    %min3A_375 = vector.broadcast %jit3A_372 : f32 to vector<1x1976xf32>
    %min3A_376 = arith.minimumf %min3A_375, %max3A_374 : vector<1x1976xf32>
    %mul3A_377 = arith.constant 5.000000e-01 : f32
    %mul3A_378 = vector.broadcast %mul3A_377 : f32 to vector<1x1976xf32>
    %mul3A_379 = arith.mulf %mul3A_378, %mul3A_366 : vector<1x1976xf32>
    %sub3A_380 = arith.subf %add3A_358, %mul3A_379 : vector<1x1976xf32>
    %jit3A_381 = arith.constant 0.000000e+00 : f32
    %jit3A_382 = arith.constant 6.080000e+02 : f32
    %max3A_383 = vector.broadcast %jit3A_381 : f32 to vector<1x1976xf32>
    %max3A_384 = arith.maximumf %max3A_383, %sub3A_380 : vector<1x1976xf32>
    %min3A_385 = vector.broadcast %jit3A_382 : f32 to vector<1x1976xf32>
    %min3A_386 = arith.minimumf %min3A_385, %max3A_384 : vector<1x1976xf32>
    %mul3A_387 = arith.constant 5.000000e-01 : f32
    %mul3A_388 = vector.broadcast %mul3A_387 : f32 to vector<1x1976xf32>
    %mul3A_389 = arith.mulf %mul3A_388, %mul3A_362 : vector<1x1976xf32>
    %add3A_390 = arith.addf %add3A_354, %mul3A_389 : vector<1x1976xf32>
    %jit3A_391 = arith.constant 0.000000e+00 : f32
    %jit3A_392 = arith.constant 8.000000e+02 : f32
    %max3A_393 = vector.broadcast %jit3A_391 : f32 to vector<1x1976xf32>
    %max3A_394 = arith.maximumf %max3A_393, %add3A_390 : vector<1x1976xf32>
    %min3A_395 = vector.broadcast %jit3A_392 : f32 to vector<1x1976xf32>
    %min3A_396 = arith.minimumf %min3A_395, %max3A_394 : vector<1x1976xf32>
    %mul3A_397 = arith.constant 5.000000e-01 : f32
    %mul3A_398 = vector.broadcast %mul3A_397 : f32 to vector<1x1976xf32>
    %mul3A_399 = arith.mulf %mul3A_398, %mul3A_366 : vector<1x1976xf32>
    %add3A_400 = arith.addf %add3A_358, %mul3A_399 : vector<1x1976xf32>
    %jit3A_401 = arith.constant 0.000000e+00 : f32
    %jit3A_402 = arith.constant 6.080000e+02 : f32
    %max3A_403 = vector.broadcast %jit3A_401 : f32 to vector<1x1976xf32>
    %max3A_404 = arith.maximumf %max3A_403, %add3A_400 : vector<1x1976xf32>
    %min3A_405 = vector.broadcast %jit3A_402 : f32 to vector<1x1976xf32>
    %min3A_406 = arith.minimumf %min3A_405, %max3A_404 : vector<1x1976xf32>
    %slice3A_407 = vector.extract_strided_slice %add3A_119 {offsets = [2, 0], sizes = [1, 1976], strides = [1, 1]} : vector<3x1976xf32> to vector<1x1976xf32>
    %bitcast_convert_type3A_408 = tpu.bitcast %slice3A_407 : vector<1x1976xf32> -> vector<1x1976xi32>
    %ge3A_409 = arith.constant 0 : i32
    %ge3A_410 = vector.broadcast %ge3A_409 : i32 to vector<1x1976xi32>
    %ge3A_411 = arith.cmpi sge, %bitcast_convert_type3A_408, %ge3A_410 : vector<1x1976xi32>
    %xor3A_412 = arith.constant 2147483647 : i32
    %xor3A_413 = vector.broadcast %xor3A_412 : i32 to vector<1x1976xi32>
    %xor3A_414 = arith.xori %bitcast_convert_type3A_408, %xor3A_413 : vector<1x1976xi32>
    %select_n3A_415 = arith.select %ge3A_411, %bitcast_convert_type3A_408, %xor3A_414 : vector<1x1976xi1>, vector<1x1976xi32>
    %jit3A_416 = arith.constant -2147483648 : i32
    %broadcast_in_dim3A_417 = vector.broadcast %jit3A_416 : i32 to vector<1x1976xi32>
    %select_n3A_418 = arith.select %ge3A_175, %broadcast_in_dim3A_417, %select_n3A_415 : vector<1x1976xi1>, vector<1x1976xi32>
    %concatenate3A = tpu.concatenate %select_n3A_262, %select_n3A_340, %select_n3A_418 in 0 : vector<1x1976xi32>, vector<1x1976xi32>, vector<1x1976xi32> -> vector<3x1976xi32>
    %xor3A_419 = arith.constant -2147483648 : i32
    %xor3A_420 = vector.broadcast %xor3A_419 : i32 to vector<3x1976xi32>
    %xor3A_421 = arith.xori %concatenate3A, %xor3A_420 : vector<3x1976xi32>
    %bitcast_convert_type3A_422 = tpu.bitcast %xor3A_421 : vector<3x1976xi32> -> vector<3x1976xi32>
    %broadcast_in_dim3A_423 = arith.constant 0 : i32
    %broadcast_in_dim3A_424 = vector.broadcast %broadcast_in_dim3A_423 : i32 to vector<1x1xi32>
    %or3A = arith.constant -2147483648 : i32
    %or3A_425 = vector.broadcast %or3A : i32 to vector<1x1xi32>
    %or3A_426 = arith.ori %broadcast_in_dim3A_424, %or3A_425 : vector<1x1xi32>
    %ge3A_427 = vector.broadcast %or3A_426 : vector<1x1xi32> to vector<3x1976xi32>
    %ge3A_428 = arith.cmpi uge, %bitcast_convert_type3A_422, %ge3A_427 : vector<3x1976xi32>
    %convert_element_type3A_429 = arith.extui %ge3A_428 : vector<3x1976xi1> to vector<3x1976xi32>
    %reduce_sum3A = vector.shape_cast %convert_element_type3A_429 : vector<3x1976xi32> to vector<1x3x1976xi32>
    %reduce_sum3A_430 = arith.constant dense<0> : vector<1xi32>
    %reduce_sum3A_431 = vector.multi_reduction <add>, %reduce_sum3A, %reduce_sum3A_430 [1, 2] : vector<1x3x1976xi32> to vector<1xi32>
    %reduce_sum3A_432 = vector.shape_cast %reduce_sum3A_431 : vector<1xi32> to vector<1x1x1xi32>
    %reduce_sum3A_433 = vector.extract %reduce_sum3A_432[0, 0, 0] : i32 from vector<1x1x1xi32>
    %broadcast_in_dim3A_434 = vector.broadcast %reduce_sum3A_433 : i32 to vector<1x1xi32>
    %ge3A_435 = arith.constant 2000 : i32
    %ge3A_436 = vector.broadcast %ge3A_435 : i32 to vector<1x1xi32>
    %ge3A_437 = arith.cmpi sge, %broadcast_in_dim3A_434, %ge3A_436 : vector<1x1xi32>
    %select_n3A_438 = arith.select %ge3A_437, %or3A_426, %broadcast_in_dim3A_424 : vector<1x1xi1>, vector<1x1xi32>
    %or3A_439 = arith.constant 1073741824 : i32
    %or3A_440 = vector.broadcast %or3A_439 : i32 to vector<1x1xi32>
    %or3A_441 = arith.ori %select_n3A_438, %or3A_440 : vector<1x1xi32>
    %ge3A_442 = vector.broadcast %or3A_441 : vector<1x1xi32> to vector<3x1976xi32>
    %ge3A_443 = arith.cmpi uge, %bitcast_convert_type3A_422, %ge3A_442 : vector<3x1976xi32>
    %convert_element_type3A_444 = arith.extui %ge3A_443 : vector<3x1976xi1> to vector<3x1976xi32>
    %reduce_sum3A_445 = vector.shape_cast %convert_element_type3A_444 : vector<3x1976xi32> to vector<1x3x1976xi32>
    %reduce_sum3A_446 = arith.constant dense<0> : vector<1xi32>
    %reduce_sum3A_447 = vector.multi_reduction <add>, %reduce_sum3A_445, %reduce_sum3A_446 [1, 2] : vector<1x3x1976xi32> to vector<1xi32>
    %reduce_sum3A_448 = vector.shape_cast %reduce_sum3A_447 : vector<1xi32> to vector<1x1x1xi32>
    %reduce_sum3A_449 = vector.extract %reduce_sum3A_448[0, 0, 0] : i32 from vector<1x1x1xi32>
    %broadcast_in_dim3A_450 = vector.broadcast %reduce_sum3A_449 : i32 to vector<1x1xi32>
    %ge3A_451 = arith.constant 2000 : i32
    %ge3A_452 = vector.broadcast %ge3A_451 : i32 to vector<1x1xi32>
    %ge3A_453 = arith.cmpi sge, %broadcast_in_dim3A_450, %ge3A_452 : vector<1x1xi32>
    %select_n3A_454 = arith.select %ge3A_453, %or3A_441, %select_n3A_438 : vector<1x1xi1>, vector<1x1xi32>
    %or3A_455 = arith.constant 536870912 : i32
    %or3A_456 = vector.broadcast %or3A_455 : i32 to vector<1x1xi32>
    %or3A_457 = arith.ori %select_n3A_454, %or3A_456 : vector<1x1xi32>
    %ge3A_458 = vector.broadcast %or3A_457 : vector<1x1xi32> to vector<3x1976xi32>
    %ge3A_459 = arith.cmpi uge, %bitcast_convert_type3A_422, %ge3A_458 : vector<3x1976xi32>
    %convert_element_type3A_460 = arith.extui %ge3A_459 : vector<3x1976xi1> to vector<3x1976xi32>
    %reduce_sum3A_461 = vector.shape_cast %convert_element_type3A_460 : vector<3x1976xi32> to vector<1x3x1976xi32>
    %reduce_sum3A_462 = arith.constant dense<0> : vector<1xi32>
    %reduce_sum3A_463 = vector.multi_reduction <add>, %reduce_sum3A_461, %reduce_sum3A_462 [1, 2] : vector<1x3x1976xi32> to vector<1xi32>
    %reduce_sum3A_464 = vector.shape_cast %reduce_sum3A_463 : vector<1xi32> to vector<1x1x1xi32>
    %reduce_sum3A_465 = vector.extract %reduce_sum3A_464[0, 0, 0] : i32 from vector<1x1x1xi32>
    %broadcast_in_dim3A_466 = vector.broadcast %reduce_sum3A_465 : i32 to vector<1x1xi32>
    %ge3A_467 = arith.constant 2000 : i32
    %ge3A_468 = vector.broadcast %ge3A_467 : i32 to vector<1x1xi32>
    %ge3A_469 = arith.cmpi sge, %broadcast_in_dim3A_466, %ge3A_468 : vector<1x1xi32>
    %select_n3A_470 = arith.select %ge3A_469, %or3A_457, %select_n3A_454 : vector<1x1xi1>, vector<1x1xi32>
    %or3A_471 = arith.constant 268435456 : i32
    %or3A_472 = vector.broadcast %or3A_471 : i32 to vector<1x1xi32>
    %or3A_473 = arith.ori %select_n3A_470, %or3A_472 : vector<1x1xi32>
    %ge3A_474 = vector.broadcast %or3A_473 : vector<1x1xi32> to vector<3x1976xi32>
    %ge3A_475 = arith.cmpi uge, %bitcast_convert_type3A_422, %ge3A_474 : vector<3x1976xi32>
    %convert_element_type3A_476 = arith.extui %ge3A_475 : vector<3x1976xi1> to vector<3x1976xi32>
    %reduce_sum3A_477 = vector.shape_cast %convert_element_type3A_476 : vector<3x1976xi32> to vector<1x3x1976xi32>
    %reduce_sum3A_478 = arith.constant dense<0> : vector<1xi32>
    %reduce_sum3A_479 = vector.multi_reduction <add>, %reduce_sum3A_477, %reduce_sum3A_478 [1, 2] : vector<1x3x1976xi32> to vector<1xi32>
    %reduce_sum3A_480 = vector.shape_cast %reduce_sum3A_479 : vector<1xi32> to vector<1x1x1xi32>
    %reduce_sum3A_481 = vector.extract %reduce_sum3A_480[0, 0, 0] : i32 from vector<1x1x1xi32>
    %broadcast_in_dim3A_482 = vector.broadcast %reduce_sum3A_481 : i32 to vector<1x1xi32>
    %ge3A_483 = arith.constant 2000 : i32
    %ge3A_484 = vector.broadcast %ge3A_483 : i32 to vector<1x1xi32>
    %ge3A_485 = arith.cmpi sge, %broadcast_in_dim3A_482, %ge3A_484 : vector<1x1xi32>
    %select_n3A_486 = arith.select %ge3A_485, %or3A_473, %select_n3A_470 : vector<1x1xi1>, vector<1x1xi32>
    %or3A_487 = arith.constant 134217728 : i32
    %or3A_488 = vector.broadcast %or3A_487 : i32 to vector<1x1xi32>
    %or3A_489 = arith.ori %select_n3A_486, %or3A_488 : vector<1x1xi32>
    %ge3A_490 = vector.broadcast %or3A_489 : vector<1x1xi32> to vector<3x1976xi32>
    %ge3A_491 = arith.cmpi uge, %bitcast_convert_type3A_422, %ge3A_490 : vector<3x1976xi32>
    %convert_element_type3A_492 = arith.extui %ge3A_491 : vector<3x1976xi1> to vector<3x1976xi32>
    %reduce_sum3A_493 = vector.shape_cast %convert_element_type3A_492 : vector<3x1976xi32> to vector<1x3x1976xi32>
    %reduce_sum3A_494 = arith.constant dense<0> : vector<1xi32>
    %reduce_sum3A_495 = vector.multi_reduction <add>, %reduce_sum3A_493, %reduce_sum3A_494 [1, 2] : vector<1x3x1976xi32> to vector<1xi32>
    %reduce_sum3A_496 = vector.shape_cast %reduce_sum3A_495 : vector<1xi32> to vector<1x1x1xi32>
    %reduce_sum3A_497 = vector.extract %reduce_sum3A_496[0, 0, 0] : i32 from vector<1x1x1xi32>
    %broadcast_in_dim3A_498 = vector.broadcast %reduce_sum3A_497 : i32 to vector<1x1xi32>
    %ge3A_499 = arith.constant 2000 : i32
    %ge3A_500 = vector.broadcast %ge3A_499 : i32 to vector<1x1xi32>
    %ge3A_501 = arith.cmpi sge, %broadcast_in_dim3A_498, %ge3A_500 : vector<1x1xi32>
    %select_n3A_502 = arith.select %ge3A_501, %or3A_489, %select_n3A_486 : vector<1x1xi1>, vector<1x1xi32>
    %or3A_503 = arith.constant 67108864 : i32
    %or3A_504 = vector.broadcast %or3A_503 : i32 to vector<1x1xi32>
    %or3A_505 = arith.ori %select_n3A_502, %or3A_504 : vector<1x1xi32>
    %ge3A_506 = vector.broadcast %or3A_505 : vector<1x1xi32> to vector<3x1976xi32>
    %ge3A_507 = arith.cmpi uge, %bitcast_convert_type3A_422, %ge3A_506 : vector<3x1976xi32>
    %convert_element_type3A_508 = arith.extui %ge3A_507 : vector<3x1976xi1> to vector<3x1976xi32>
    %reduce_sum3A_509 = vector.shape_cast %convert_element_type3A_508 : vector<3x1976xi32> to vector<1x3x1976xi32>
    %reduce_sum3A_510 = arith.constant dense<0> : vector<1xi32>
    %reduce_sum3A_511 = vector.multi_reduction <add>, %reduce_sum3A_509, %reduce_sum3A_510 [1, 2] : vector<1x3x1976xi32> to vector<1xi32>
    %reduce_sum3A_512 = vector.shape_cast %reduce_sum3A_511 : vector<1xi32> to vector<1x1x1xi32>
    %reduce_sum3A_513 = vector.extract %reduce_sum3A_512[0, 0, 0] : i32 from vector<1x1x1xi32>
    %broadcast_in_dim3A_514 = vector.broadcast %reduce_sum3A_513 : i32 to vector<1x1xi32>
    %ge3A_515 = arith.constant 2000 : i32
    %ge3A_516 = vector.broadcast %ge3A_515 : i32 to vector<1x1xi32>
    %ge3A_517 = arith.cmpi sge, %broadcast_in_dim3A_514, %ge3A_516 : vector<1x1xi32>
    %select_n3A_518 = arith.select %ge3A_517, %or3A_505, %select_n3A_502 : vector<1x1xi1>, vector<1x1xi32>
    %or3A_519 = arith.constant 33554432 : i32
    %or3A_520 = vector.broadcast %or3A_519 : i32 to vector<1x1xi32>
    %or3A_521 = arith.ori %select_n3A_518, %or3A_520 : vector<1x1xi32>
    %ge3A_522 = vector.broadcast %or3A_521 : vector<1x1xi32> to vector<3x1976xi32>
    %ge3A_523 = arith.cmpi uge, %bitcast_convert_type3A_422, %ge3A_522 : vector<3x1976xi32>
    %convert_element_type3A_524 = arith.extui %ge3A_523 : vector<3x1976xi1> to vector<3x1976xi32>
    %reduce_sum3A_525 = vector.shape_cast %convert_element_type3A_524 : vector<3x1976xi32> to vector<1x3x1976xi32>
    %reduce_sum3A_526 = arith.constant dense<0> : vector<1xi32>
    %reduce_sum3A_527 = vector.multi_reduction <add>, %reduce_sum3A_525, %reduce_sum3A_526 [1, 2] : vector<1x3x1976xi32> to vector<1xi32>
    %reduce_sum3A_528 = vector.shape_cast %reduce_sum3A_527 : vector<1xi32> to vector<1x1x1xi32>
    %reduce_sum3A_529 = vector.extract %reduce_sum3A_528[0, 0, 0] : i32 from vector<1x1x1xi32>
    %broadcast_in_dim3A_530 = vector.broadcast %reduce_sum3A_529 : i32 to vector<1x1xi32>
    %ge3A_531 = arith.constant 2000 : i32
    %ge3A_532 = vector.broadcast %ge3A_531 : i32 to vector<1x1xi32>
    %ge3A_533 = arith.cmpi sge, %broadcast_in_dim3A_530, %ge3A_532 : vector<1x1xi32>
    %select_n3A_534 = arith.select %ge3A_533, %or3A_521, %select_n3A_518 : vector<1x1xi1>, vector<1x1xi32>
    %or3A_535 = arith.constant 16777216 : i32
    %or3A_536 = vector.broadcast %or3A_535 : i32 to vector<1x1xi32>
    %or3A_537 = arith.ori %select_n3A_534, %or3A_536 : vector<1x1xi32>
    %ge3A_538 = vector.broadcast %or3A_537 : vector<1x1xi32> to vector<3x1976xi32>
    %ge3A_539 = arith.cmpi uge, %bitcast_convert_type3A_422, %ge3A_538 : vector<3x1976xi32>
    %convert_element_type3A_540 = arith.extui %ge3A_539 : vector<3x1976xi1> to vector<3x1976xi32>
    %reduce_sum3A_541 = vector.shape_cast %convert_element_type3A_540 : vector<3x1976xi32> to vector<1x3x1976xi32>
    %reduce_sum3A_542 = arith.constant dense<0> : vector<1xi32>
    %reduce_sum3A_543 = vector.multi_reduction <add>, %reduce_sum3A_541, %reduce_sum3A_542 [1, 2] : vector<1x3x1976xi32> to vector<1xi32>
    %reduce_sum3A_544 = vector.shape_cast %reduce_sum3A_543 : vector<1xi32> to vector<1x1x1xi32>
    %reduce_sum3A_545 = vector.extract %reduce_sum3A_544[0, 0, 0] : i32 from vector<1x1x1xi32>
    %broadcast_in_dim3A_546 = vector.broadcast %reduce_sum3A_545 : i32 to vector<1x1xi32>
    %ge3A_547 = arith.constant 2000 : i32
    %ge3A_548 = vector.broadcast %ge3A_547 : i32 to vector<1x1xi32>
    %ge3A_549 = arith.cmpi sge, %broadcast_in_dim3A_546, %ge3A_548 : vector<1x1xi32>
    %select_n3A_550 = arith.select %ge3A_549, %or3A_537, %select_n3A_534 : vector<1x1xi1>, vector<1x1xi32>
    %or3A_551 = arith.constant 8388608 : i32
    %or3A_552 = vector.broadcast %or3A_551 : i32 to vector<1x1xi32>
    %or3A_553 = arith.ori %select_n3A_550, %or3A_552 : vector<1x1xi32>
    %ge3A_554 = vector.broadcast %or3A_553 : vector<1x1xi32> to vector<3x1976xi32>
    %ge3A_555 = arith.cmpi uge, %bitcast_convert_type3A_422, %ge3A_554 : vector<3x1976xi32>
    %convert_element_type3A_556 = arith.extui %ge3A_555 : vector<3x1976xi1> to vector<3x1976xi32>
    %reduce_sum3A_557 = vector.shape_cast %convert_element_type3A_556 : vector<3x1976xi32> to vector<1x3x1976xi32>
    %reduce_sum3A_558 = arith.constant dense<0> : vector<1xi32>
    %reduce_sum3A_559 = vector.multi_reduction <add>, %reduce_sum3A_557, %reduce_sum3A_558 [1, 2] : vector<1x3x1976xi32> to vector<1xi32>
    %reduce_sum3A_560 = vector.shape_cast %reduce_sum3A_559 : vector<1xi32> to vector<1x1x1xi32>
    %reduce_sum3A_561 = vector.extract %reduce_sum3A_560[0, 0, 0] : i32 from vector<1x1x1xi32>
    %broadcast_in_dim3A_562 = vector.broadcast %reduce_sum3A_561 : i32 to vector<1x1xi32>
    %ge3A_563 = arith.constant 2000 : i32
    %ge3A_564 = vector.broadcast %ge3A_563 : i32 to vector<1x1xi32>
    %ge3A_565 = arith.cmpi sge, %broadcast_in_dim3A_562, %ge3A_564 : vector<1x1xi32>
    %select_n3A_566 = arith.select %ge3A_565, %or3A_553, %select_n3A_550 : vector<1x1xi1>, vector<1x1xi32>
    %or3A_567 = arith.constant 4194304 : i32
    %or3A_568 = vector.broadcast %or3A_567 : i32 to vector<1x1xi32>
    %or3A_569 = arith.ori %select_n3A_566, %or3A_568 : vector<1x1xi32>
    %ge3A_570 = vector.broadcast %or3A_569 : vector<1x1xi32> to vector<3x1976xi32>
    %ge3A_571 = arith.cmpi uge, %bitcast_convert_type3A_422, %ge3A_570 : vector<3x1976xi32>
    %convert_element_type3A_572 = arith.extui %ge3A_571 : vector<3x1976xi1> to vector<3x1976xi32>
    %reduce_sum3A_573 = vector.shape_cast %convert_element_type3A_572 : vector<3x1976xi32> to vector<1x3x1976xi32>
    %reduce_sum3A_574 = arith.constant dense<0> : vector<1xi32>
    %reduce_sum3A_575 = vector.multi_reduction <add>, %reduce_sum3A_573, %reduce_sum3A_574 [1, 2] : vector<1x3x1976xi32> to vector<1xi32>
    %reduce_sum3A_576 = vector.shape_cast %reduce_sum3A_575 : vector<1xi32> to vector<1x1x1xi32>
    %reduce_sum3A_577 = vector.extract %reduce_sum3A_576[0, 0, 0] : i32 from vector<1x1x1xi32>
    %broadcast_in_dim3A_578 = vector.broadcast %reduce_sum3A_577 : i32 to vector<1x1xi32>
    %ge3A_579 = arith.constant 2000 : i32
    %ge3A_580 = vector.broadcast %ge3A_579 : i32 to vector<1x1xi32>
    %ge3A_581 = arith.cmpi sge, %broadcast_in_dim3A_578, %ge3A_580 : vector<1x1xi32>
    %select_n3A_582 = arith.select %ge3A_581, %or3A_569, %select_n3A_566 : vector<1x1xi1>, vector<1x1xi32>
    %or3A_583 = arith.constant 2097152 : i32
    %or3A_584 = vector.broadcast %or3A_583 : i32 to vector<1x1xi32>
    %or3A_585 = arith.ori %select_n3A_582, %or3A_584 : vector<1x1xi32>
    %ge3A_586 = vector.broadcast %or3A_585 : vector<1x1xi32> to vector<3x1976xi32>
    %ge3A_587 = arith.cmpi uge, %bitcast_convert_type3A_422, %ge3A_586 : vector<3x1976xi32>
    %convert_element_type3A_588 = arith.extui %ge3A_587 : vector<3x1976xi1> to vector<3x1976xi32>
    %reduce_sum3A_589 = vector.shape_cast %convert_element_type3A_588 : vector<3x1976xi32> to vector<1x3x1976xi32>
    %reduce_sum3A_590 = arith.constant dense<0> : vector<1xi32>
    %reduce_sum3A_591 = vector.multi_reduction <add>, %reduce_sum3A_589, %reduce_sum3A_590 [1, 2] : vector<1x3x1976xi32> to vector<1xi32>
    %reduce_sum3A_592 = vector.shape_cast %reduce_sum3A_591 : vector<1xi32> to vector<1x1x1xi32>
    %reduce_sum3A_593 = vector.extract %reduce_sum3A_592[0, 0, 0] : i32 from vector<1x1x1xi32>
    %broadcast_in_dim3A_594 = vector.broadcast %reduce_sum3A_593 : i32 to vector<1x1xi32>
    %ge3A_595 = arith.constant 2000 : i32
    %ge3A_596 = vector.broadcast %ge3A_595 : i32 to vector<1x1xi32>
    %ge3A_597 = arith.cmpi sge, %broadcast_in_dim3A_594, %ge3A_596 : vector<1x1xi32>
    %select_n3A_598 = arith.select %ge3A_597, %or3A_585, %select_n3A_582 : vector<1x1xi1>, vector<1x1xi32>
    %or3A_599 = arith.constant 1048576 : i32
    %or3A_600 = vector.broadcast %or3A_599 : i32 to vector<1x1xi32>
    %or3A_601 = arith.ori %select_n3A_598, %or3A_600 : vector<1x1xi32>
    %ge3A_602 = vector.broadcast %or3A_601 : vector<1x1xi32> to vector<3x1976xi32>
    %ge3A_603 = arith.cmpi uge, %bitcast_convert_type3A_422, %ge3A_602 : vector<3x1976xi32>
    %convert_element_type3A_604 = arith.extui %ge3A_603 : vector<3x1976xi1> to vector<3x1976xi32>
    %reduce_sum3A_605 = vector.shape_cast %convert_element_type3A_604 : vector<3x1976xi32> to vector<1x3x1976xi32>
    %reduce_sum3A_606 = arith.constant dense<0> : vector<1xi32>
    %reduce_sum3A_607 = vector.multi_reduction <add>, %reduce_sum3A_605, %reduce_sum3A_606 [1, 2] : vector<1x3x1976xi32> to vector<1xi32>
    %reduce_sum3A_608 = vector.shape_cast %reduce_sum3A_607 : vector<1xi32> to vector<1x1x1xi32>
    %reduce_sum3A_609 = vector.extract %reduce_sum3A_608[0, 0, 0] : i32 from vector<1x1x1xi32>
    %broadcast_in_dim3A_610 = vector.broadcast %reduce_sum3A_609 : i32 to vector<1x1xi32>
    %ge3A_611 = arith.constant 2000 : i32
    %ge3A_612 = vector.broadcast %ge3A_611 : i32 to vector<1x1xi32>
    %ge3A_613 = arith.cmpi sge, %broadcast_in_dim3A_610, %ge3A_612 : vector<1x1xi32>
    %select_n3A_614 = arith.select %ge3A_613, %or3A_601, %select_n3A_598 : vector<1x1xi1>, vector<1x1xi32>
    %or3A_615 = arith.constant 524288 : i32
    %or3A_616 = vector.broadcast %or3A_615 : i32 to vector<1x1xi32>
    %or3A_617 = arith.ori %select_n3A_614, %or3A_616 : vector<1x1xi32>
    %ge3A_618 = vector.broadcast %or3A_617 : vector<1x1xi32> to vector<3x1976xi32>
    %ge3A_619 = arith.cmpi uge, %bitcast_convert_type3A_422, %ge3A_618 : vector<3x1976xi32>
    %convert_element_type3A_620 = arith.extui %ge3A_619 : vector<3x1976xi1> to vector<3x1976xi32>
    %reduce_sum3A_621 = vector.shape_cast %convert_element_type3A_620 : vector<3x1976xi32> to vector<1x3x1976xi32>
    %reduce_sum3A_622 = arith.constant dense<0> : vector<1xi32>
    %reduce_sum3A_623 = vector.multi_reduction <add>, %reduce_sum3A_621, %reduce_sum3A_622 [1, 2] : vector<1x3x1976xi32> to vector<1xi32>
    %reduce_sum3A_624 = vector.shape_cast %reduce_sum3A_623 : vector<1xi32> to vector<1x1x1xi32>
    %reduce_sum3A_625 = vector.extract %reduce_sum3A_624[0, 0, 0] : i32 from vector<1x1x1xi32>
    %broadcast_in_dim3A_626 = vector.broadcast %reduce_sum3A_625 : i32 to vector<1x1xi32>
    %ge3A_627 = arith.constant 2000 : i32
    %ge3A_628 = vector.broadcast %ge3A_627 : i32 to vector<1x1xi32>
    %ge3A_629 = arith.cmpi sge, %broadcast_in_dim3A_626, %ge3A_628 : vector<1x1xi32>
    %select_n3A_630 = arith.select %ge3A_629, %or3A_617, %select_n3A_614 : vector<1x1xi1>, vector<1x1xi32>
    %or3A_631 = arith.constant 262144 : i32
    %or3A_632 = vector.broadcast %or3A_631 : i32 to vector<1x1xi32>
    %or3A_633 = arith.ori %select_n3A_630, %or3A_632 : vector<1x1xi32>
    %ge3A_634 = vector.broadcast %or3A_633 : vector<1x1xi32> to vector<3x1976xi32>
    %ge3A_635 = arith.cmpi uge, %bitcast_convert_type3A_422, %ge3A_634 : vector<3x1976xi32>
    %convert_element_type3A_636 = arith.extui %ge3A_635 : vector<3x1976xi1> to vector<3x1976xi32>
    %reduce_sum3A_637 = vector.shape_cast %convert_element_type3A_636 : vector<3x1976xi32> to vector<1x3x1976xi32>
    %reduce_sum3A_638 = arith.constant dense<0> : vector<1xi32>
    %reduce_sum3A_639 = vector.multi_reduction <add>, %reduce_sum3A_637, %reduce_sum3A_638 [1, 2] : vector<1x3x1976xi32> to vector<1xi32>
    %reduce_sum3A_640 = vector.shape_cast %reduce_sum3A_639 : vector<1xi32> to vector<1x1x1xi32>
    %reduce_sum3A_641 = vector.extract %reduce_sum3A_640[0, 0, 0] : i32 from vector<1x1x1xi32>
    %broadcast_in_dim3A_642 = vector.broadcast %reduce_sum3A_641 : i32 to vector<1x1xi32>
    %ge3A_643 = arith.constant 2000 : i32
    %ge3A_644 = vector.broadcast %ge3A_643 : i32 to vector<1x1xi32>
    %ge3A_645 = arith.cmpi sge, %broadcast_in_dim3A_642, %ge3A_644 : vector<1x1xi32>
    %select_n3A_646 = arith.select %ge3A_645, %or3A_633, %select_n3A_630 : vector<1x1xi1>, vector<1x1xi32>
    %or3A_647 = arith.constant 131072 : i32
    %or3A_648 = vector.broadcast %or3A_647 : i32 to vector<1x1xi32>
    %or3A_649 = arith.ori %select_n3A_646, %or3A_648 : vector<1x1xi32>
    %ge3A_650 = vector.broadcast %or3A_649 : vector<1x1xi32> to vector<3x1976xi32>
    %ge3A_651 = arith.cmpi uge, %bitcast_convert_type3A_422, %ge3A_650 : vector<3x1976xi32>
    %convert_element_type3A_652 = arith.extui %ge3A_651 : vector<3x1976xi1> to vector<3x1976xi32>
    %reduce_sum3A_653 = vector.shape_cast %convert_element_type3A_652 : vector<3x1976xi32> to vector<1x3x1976xi32>
    %reduce_sum3A_654 = arith.constant dense<0> : vector<1xi32>
    %reduce_sum3A_655 = vector.multi_reduction <add>, %reduce_sum3A_653, %reduce_sum3A_654 [1, 2] : vector<1x3x1976xi32> to vector<1xi32>
    %reduce_sum3A_656 = vector.shape_cast %reduce_sum3A_655 : vector<1xi32> to vector<1x1x1xi32>
    %reduce_sum3A_657 = vector.extract %reduce_sum3A_656[0, 0, 0] : i32 from vector<1x1x1xi32>
    %broadcast_in_dim3A_658 = vector.broadcast %reduce_sum3A_657 : i32 to vector<1x1xi32>
    %ge3A_659 = arith.constant 2000 : i32
    %ge3A_660 = vector.broadcast %ge3A_659 : i32 to vector<1x1xi32>
    %ge3A_661 = arith.cmpi sge, %broadcast_in_dim3A_658, %ge3A_660 : vector<1x1xi32>
    %select_n3A_662 = arith.select %ge3A_661, %or3A_649, %select_n3A_646 : vector<1x1xi1>, vector<1x1xi32>
    %or3A_663 = arith.constant 65536 : i32
    %or3A_664 = vector.broadcast %or3A_663 : i32 to vector<1x1xi32>
    %or3A_665 = arith.ori %select_n3A_662, %or3A_664 : vector<1x1xi32>
    %ge3A_666 = vector.broadcast %or3A_665 : vector<1x1xi32> to vector<3x1976xi32>
    %ge3A_667 = arith.cmpi uge, %bitcast_convert_type3A_422, %ge3A_666 : vector<3x1976xi32>
    %convert_element_type3A_668 = arith.extui %ge3A_667 : vector<3x1976xi1> to vector<3x1976xi32>
    %reduce_sum3A_669 = vector.shape_cast %convert_element_type3A_668 : vector<3x1976xi32> to vector<1x3x1976xi32>
    %reduce_sum3A_670 = arith.constant dense<0> : vector<1xi32>
    %reduce_sum3A_671 = vector.multi_reduction <add>, %reduce_sum3A_669, %reduce_sum3A_670 [1, 2] : vector<1x3x1976xi32> to vector<1xi32>
    %reduce_sum3A_672 = vector.shape_cast %reduce_sum3A_671 : vector<1xi32> to vector<1x1x1xi32>
    %reduce_sum3A_673 = vector.extract %reduce_sum3A_672[0, 0, 0] : i32 from vector<1x1x1xi32>
    %broadcast_in_dim3A_674 = vector.broadcast %reduce_sum3A_673 : i32 to vector<1x1xi32>
    %ge3A_675 = arith.constant 2000 : i32
    %ge3A_676 = vector.broadcast %ge3A_675 : i32 to vector<1x1xi32>
    %ge3A_677 = arith.cmpi sge, %broadcast_in_dim3A_674, %ge3A_676 : vector<1x1xi32>
    %select_n3A_678 = arith.select %ge3A_677, %or3A_665, %select_n3A_662 : vector<1x1xi1>, vector<1x1xi32>
    %or3A_679 = arith.constant 32768 : i32
    %or3A_680 = vector.broadcast %or3A_679 : i32 to vector<1x1xi32>
    %or3A_681 = arith.ori %select_n3A_678, %or3A_680 : vector<1x1xi32>
    %ge3A_682 = vector.broadcast %or3A_681 : vector<1x1xi32> to vector<3x1976xi32>
    %ge3A_683 = arith.cmpi uge, %bitcast_convert_type3A_422, %ge3A_682 : vector<3x1976xi32>
    %convert_element_type3A_684 = arith.extui %ge3A_683 : vector<3x1976xi1> to vector<3x1976xi32>
    %reduce_sum3A_685 = vector.shape_cast %convert_element_type3A_684 : vector<3x1976xi32> to vector<1x3x1976xi32>
    %reduce_sum3A_686 = arith.constant dense<0> : vector<1xi32>
    %reduce_sum3A_687 = vector.multi_reduction <add>, %reduce_sum3A_685, %reduce_sum3A_686 [1, 2] : vector<1x3x1976xi32> to vector<1xi32>
    %reduce_sum3A_688 = vector.shape_cast %reduce_sum3A_687 : vector<1xi32> to vector<1x1x1xi32>
    %reduce_sum3A_689 = vector.extract %reduce_sum3A_688[0, 0, 0] : i32 from vector<1x1x1xi32>
    %broadcast_in_dim3A_690 = vector.broadcast %reduce_sum3A_689 : i32 to vector<1x1xi32>
    %ge3A_691 = arith.constant 2000 : i32
    %ge3A_692 = vector.broadcast %ge3A_691 : i32 to vector<1x1xi32>
    %ge3A_693 = arith.cmpi sge, %broadcast_in_dim3A_690, %ge3A_692 : vector<1x1xi32>
    %select_n3A_694 = arith.select %ge3A_693, %or3A_681, %select_n3A_678 : vector<1x1xi1>, vector<1x1xi32>
    %or3A_695 = arith.constant 16384 : i32
    %or3A_696 = vector.broadcast %or3A_695 : i32 to vector<1x1xi32>
    %or3A_697 = arith.ori %select_n3A_694, %or3A_696 : vector<1x1xi32>
    %ge3A_698 = vector.broadcast %or3A_697 : vector<1x1xi32> to vector<3x1976xi32>
    %ge3A_699 = arith.cmpi uge, %bitcast_convert_type3A_422, %ge3A_698 : vector<3x1976xi32>
    %convert_element_type3A_700 = arith.extui %ge3A_699 : vector<3x1976xi1> to vector<3x1976xi32>
    %reduce_sum3A_701 = vector.shape_cast %convert_element_type3A_700 : vector<3x1976xi32> to vector<1x3x1976xi32>
    %reduce_sum3A_702 = arith.constant dense<0> : vector<1xi32>
    %reduce_sum3A_703 = vector.multi_reduction <add>, %reduce_sum3A_701, %reduce_sum3A_702 [1, 2] : vector<1x3x1976xi32> to vector<1xi32>
    %reduce_sum3A_704 = vector.shape_cast %reduce_sum3A_703 : vector<1xi32> to vector<1x1x1xi32>
    %reduce_sum3A_705 = vector.extract %reduce_sum3A_704[0, 0, 0] : i32 from vector<1x1x1xi32>
    %broadcast_in_dim3A_706 = vector.broadcast %reduce_sum3A_705 : i32 to vector<1x1xi32>
    %ge3A_707 = arith.constant 2000 : i32
    %ge3A_708 = vector.broadcast %ge3A_707 : i32 to vector<1x1xi32>
    %ge3A_709 = arith.cmpi sge, %broadcast_in_dim3A_706, %ge3A_708 : vector<1x1xi32>
    %select_n3A_710 = arith.select %ge3A_709, %or3A_697, %select_n3A_694 : vector<1x1xi1>, vector<1x1xi32>
    %or3A_711 = arith.constant 8192 : i32
    %or3A_712 = vector.broadcast %or3A_711 : i32 to vector<1x1xi32>
    %or3A_713 = arith.ori %select_n3A_710, %or3A_712 : vector<1x1xi32>
    %ge3A_714 = vector.broadcast %or3A_713 : vector<1x1xi32> to vector<3x1976xi32>
    %ge3A_715 = arith.cmpi uge, %bitcast_convert_type3A_422, %ge3A_714 : vector<3x1976xi32>
    %convert_element_type3A_716 = arith.extui %ge3A_715 : vector<3x1976xi1> to vector<3x1976xi32>
    %reduce_sum3A_717 = vector.shape_cast %convert_element_type3A_716 : vector<3x1976xi32> to vector<1x3x1976xi32>
    %reduce_sum3A_718 = arith.constant dense<0> : vector<1xi32>
    %reduce_sum3A_719 = vector.multi_reduction <add>, %reduce_sum3A_717, %reduce_sum3A_718 [1, 2] : vector<1x3x1976xi32> to vector<1xi32>
    %reduce_sum3A_720 = vector.shape_cast %reduce_sum3A_719 : vector<1xi32> to vector<1x1x1xi32>
    %reduce_sum3A_721 = vector.extract %reduce_sum3A_720[0, 0, 0] : i32 from vector<1x1x1xi32>
    %broadcast_in_dim3A_722 = vector.broadcast %reduce_sum3A_721 : i32 to vector<1x1xi32>
    %ge3A_723 = arith.constant 2000 : i32
    %ge3A_724 = vector.broadcast %ge3A_723 : i32 to vector<1x1xi32>
    %ge3A_725 = arith.cmpi sge, %broadcast_in_dim3A_722, %ge3A_724 : vector<1x1xi32>
    %select_n3A_726 = arith.select %ge3A_725, %or3A_713, %select_n3A_710 : vector<1x1xi1>, vector<1x1xi32>
    %or3A_727 = arith.constant 4096 : i32
    %or3A_728 = vector.broadcast %or3A_727 : i32 to vector<1x1xi32>
    %or3A_729 = arith.ori %select_n3A_726, %or3A_728 : vector<1x1xi32>
    %ge3A_730 = vector.broadcast %or3A_729 : vector<1x1xi32> to vector<3x1976xi32>
    %ge3A_731 = arith.cmpi uge, %bitcast_convert_type3A_422, %ge3A_730 : vector<3x1976xi32>
    %convert_element_type3A_732 = arith.extui %ge3A_731 : vector<3x1976xi1> to vector<3x1976xi32>
    %reduce_sum3A_733 = vector.shape_cast %convert_element_type3A_732 : vector<3x1976xi32> to vector<1x3x1976xi32>
    %reduce_sum3A_734 = arith.constant dense<0> : vector<1xi32>
    %reduce_sum3A_735 = vector.multi_reduction <add>, %reduce_sum3A_733, %reduce_sum3A_734 [1, 2] : vector<1x3x1976xi32> to vector<1xi32>
    %reduce_sum3A_736 = vector.shape_cast %reduce_sum3A_735 : vector<1xi32> to vector<1x1x1xi32>
    %reduce_sum3A_737 = vector.extract %reduce_sum3A_736[0, 0, 0] : i32 from vector<1x1x1xi32>
    %broadcast_in_dim3A_738 = vector.broadcast %reduce_sum3A_737 : i32 to vector<1x1xi32>
    %ge3A_739 = arith.constant 2000 : i32
    %ge3A_740 = vector.broadcast %ge3A_739 : i32 to vector<1x1xi32>
    %ge3A_741 = arith.cmpi sge, %broadcast_in_dim3A_738, %ge3A_740 : vector<1x1xi32>
    %select_n3A_742 = arith.select %ge3A_741, %or3A_729, %select_n3A_726 : vector<1x1xi1>, vector<1x1xi32>
    %or3A_743 = arith.constant 2048 : i32
    %or3A_744 = vector.broadcast %or3A_743 : i32 to vector<1x1xi32>
    %or3A_745 = arith.ori %select_n3A_742, %or3A_744 : vector<1x1xi32>
    %ge3A_746 = vector.broadcast %or3A_745 : vector<1x1xi32> to vector<3x1976xi32>
    %ge3A_747 = arith.cmpi uge, %bitcast_convert_type3A_422, %ge3A_746 : vector<3x1976xi32>
    %convert_element_type3A_748 = arith.extui %ge3A_747 : vector<3x1976xi1> to vector<3x1976xi32>
    %reduce_sum3A_749 = vector.shape_cast %convert_element_type3A_748 : vector<3x1976xi32> to vector<1x3x1976xi32>
    %reduce_sum3A_750 = arith.constant dense<0> : vector<1xi32>
    %reduce_sum3A_751 = vector.multi_reduction <add>, %reduce_sum3A_749, %reduce_sum3A_750 [1, 2] : vector<1x3x1976xi32> to vector<1xi32>
    %reduce_sum3A_752 = vector.shape_cast %reduce_sum3A_751 : vector<1xi32> to vector<1x1x1xi32>
    %reduce_sum3A_753 = vector.extract %reduce_sum3A_752[0, 0, 0] : i32 from vector<1x1x1xi32>
    %broadcast_in_dim3A_754 = vector.broadcast %reduce_sum3A_753 : i32 to vector<1x1xi32>
    %ge3A_755 = arith.constant 2000 : i32
    %ge3A_756 = vector.broadcast %ge3A_755 : i32 to vector<1x1xi32>
    %ge3A_757 = arith.cmpi sge, %broadcast_in_dim3A_754, %ge3A_756 : vector<1x1xi32>
    %select_n3A_758 = arith.select %ge3A_757, %or3A_745, %select_n3A_742 : vector<1x1xi1>, vector<1x1xi32>
    %or3A_759 = arith.constant 1024 : i32
    %or3A_760 = vector.broadcast %or3A_759 : i32 to vector<1x1xi32>
    %or3A_761 = arith.ori %select_n3A_758, %or3A_760 : vector<1x1xi32>
    %ge3A_762 = vector.broadcast %or3A_761 : vector<1x1xi32> to vector<3x1976xi32>
    %ge3A_763 = arith.cmpi uge, %bitcast_convert_type3A_422, %ge3A_762 : vector<3x1976xi32>
    %convert_element_type3A_764 = arith.extui %ge3A_763 : vector<3x1976xi1> to vector<3x1976xi32>
    %reduce_sum3A_765 = vector.shape_cast %convert_element_type3A_764 : vector<3x1976xi32> to vector<1x3x1976xi32>
    %reduce_sum3A_766 = arith.constant dense<0> : vector<1xi32>
    %reduce_sum3A_767 = vector.multi_reduction <add>, %reduce_sum3A_765, %reduce_sum3A_766 [1, 2] : vector<1x3x1976xi32> to vector<1xi32>
    %reduce_sum3A_768 = vector.shape_cast %reduce_sum3A_767 : vector<1xi32> to vector<1x1x1xi32>
    %reduce_sum3A_769 = vector.extract %reduce_sum3A_768[0, 0, 0] : i32 from vector<1x1x1xi32>
    %broadcast_in_dim3A_770 = vector.broadcast %reduce_sum3A_769 : i32 to vector<1x1xi32>
    %ge3A_771 = arith.constant 2000 : i32
    %ge3A_772 = vector.broadcast %ge3A_771 : i32 to vector<1x1xi32>
    %ge3A_773 = arith.cmpi sge, %broadcast_in_dim3A_770, %ge3A_772 : vector<1x1xi32>
    %select_n3A_774 = arith.select %ge3A_773, %or3A_761, %select_n3A_758 : vector<1x1xi1>, vector<1x1xi32>
    %or3A_775 = arith.constant 512 : i32
    %or3A_776 = vector.broadcast %or3A_775 : i32 to vector<1x1xi32>
    %or3A_777 = arith.ori %select_n3A_774, %or3A_776 : vector<1x1xi32>
    %ge3A_778 = vector.broadcast %or3A_777 : vector<1x1xi32> to vector<3x1976xi32>
    %ge3A_779 = arith.cmpi uge, %bitcast_convert_type3A_422, %ge3A_778 : vector<3x1976xi32>
    %convert_element_type3A_780 = arith.extui %ge3A_779 : vector<3x1976xi1> to vector<3x1976xi32>
    %reduce_sum3A_781 = vector.shape_cast %convert_element_type3A_780 : vector<3x1976xi32> to vector<1x3x1976xi32>
    %reduce_sum3A_782 = arith.constant dense<0> : vector<1xi32>
    %reduce_sum3A_783 = vector.multi_reduction <add>, %reduce_sum3A_781, %reduce_sum3A_782 [1, 2] : vector<1x3x1976xi32> to vector<1xi32>
    %reduce_sum3A_784 = vector.shape_cast %reduce_sum3A_783 : vector<1xi32> to vector<1x1x1xi32>
    %reduce_sum3A_785 = vector.extract %reduce_sum3A_784[0, 0, 0] : i32 from vector<1x1x1xi32>
    %broadcast_in_dim3A_786 = vector.broadcast %reduce_sum3A_785 : i32 to vector<1x1xi32>
    %ge3A_787 = arith.constant 2000 : i32
    %ge3A_788 = vector.broadcast %ge3A_787 : i32 to vector<1x1xi32>
    %ge3A_789 = arith.cmpi sge, %broadcast_in_dim3A_786, %ge3A_788 : vector<1x1xi32>
    %select_n3A_790 = arith.select %ge3A_789, %or3A_777, %select_n3A_774 : vector<1x1xi1>, vector<1x1xi32>
    %or3A_791 = arith.constant 256 : i32
    %or3A_792 = vector.broadcast %or3A_791 : i32 to vector<1x1xi32>
    %or3A_793 = arith.ori %select_n3A_790, %or3A_792 : vector<1x1xi32>
    %ge3A_794 = vector.broadcast %or3A_793 : vector<1x1xi32> to vector<3x1976xi32>
    %ge3A_795 = arith.cmpi uge, %bitcast_convert_type3A_422, %ge3A_794 : vector<3x1976xi32>
    %convert_element_type3A_796 = arith.extui %ge3A_795 : vector<3x1976xi1> to vector<3x1976xi32>
    %reduce_sum3A_797 = vector.shape_cast %convert_element_type3A_796 : vector<3x1976xi32> to vector<1x3x1976xi32>
    %reduce_sum3A_798 = arith.constant dense<0> : vector<1xi32>
    %reduce_sum3A_799 = vector.multi_reduction <add>, %reduce_sum3A_797, %reduce_sum3A_798 [1, 2] : vector<1x3x1976xi32> to vector<1xi32>
    %reduce_sum3A_800 = vector.shape_cast %reduce_sum3A_799 : vector<1xi32> to vector<1x1x1xi32>
    %reduce_sum3A_801 = vector.extract %reduce_sum3A_800[0, 0, 0] : i32 from vector<1x1x1xi32>
    %broadcast_in_dim3A_802 = vector.broadcast %reduce_sum3A_801 : i32 to vector<1x1xi32>
    %ge3A_803 = arith.constant 2000 : i32
    %ge3A_804 = vector.broadcast %ge3A_803 : i32 to vector<1x1xi32>
    %ge3A_805 = arith.cmpi sge, %broadcast_in_dim3A_802, %ge3A_804 : vector<1x1xi32>
    %select_n3A_806 = arith.select %ge3A_805, %or3A_793, %select_n3A_790 : vector<1x1xi1>, vector<1x1xi32>
    %or3A_807 = arith.constant 128 : i32
    %or3A_808 = vector.broadcast %or3A_807 : i32 to vector<1x1xi32>
    %or3A_809 = arith.ori %select_n3A_806, %or3A_808 : vector<1x1xi32>
    %ge3A_810 = vector.broadcast %or3A_809 : vector<1x1xi32> to vector<3x1976xi32>
    %ge3A_811 = arith.cmpi uge, %bitcast_convert_type3A_422, %ge3A_810 : vector<3x1976xi32>
    %convert_element_type3A_812 = arith.extui %ge3A_811 : vector<3x1976xi1> to vector<3x1976xi32>
    %reduce_sum3A_813 = vector.shape_cast %convert_element_type3A_812 : vector<3x1976xi32> to vector<1x3x1976xi32>
    %reduce_sum3A_814 = arith.constant dense<0> : vector<1xi32>
    %reduce_sum3A_815 = vector.multi_reduction <add>, %reduce_sum3A_813, %reduce_sum3A_814 [1, 2] : vector<1x3x1976xi32> to vector<1xi32>
    %reduce_sum3A_816 = vector.shape_cast %reduce_sum3A_815 : vector<1xi32> to vector<1x1x1xi32>
    %reduce_sum3A_817 = vector.extract %reduce_sum3A_816[0, 0, 0] : i32 from vector<1x1x1xi32>
    %broadcast_in_dim3A_818 = vector.broadcast %reduce_sum3A_817 : i32 to vector<1x1xi32>
    %ge3A_819 = arith.constant 2000 : i32
    %ge3A_820 = vector.broadcast %ge3A_819 : i32 to vector<1x1xi32>
    %ge3A_821 = arith.cmpi sge, %broadcast_in_dim3A_818, %ge3A_820 : vector<1x1xi32>
    %select_n3A_822 = arith.select %ge3A_821, %or3A_809, %select_n3A_806 : vector<1x1xi1>, vector<1x1xi32>
    %or3A_823 = arith.constant 64 : i32
    %or3A_824 = vector.broadcast %or3A_823 : i32 to vector<1x1xi32>
    %or3A_825 = arith.ori %select_n3A_822, %or3A_824 : vector<1x1xi32>
    %ge3A_826 = vector.broadcast %or3A_825 : vector<1x1xi32> to vector<3x1976xi32>
    %ge3A_827 = arith.cmpi uge, %bitcast_convert_type3A_422, %ge3A_826 : vector<3x1976xi32>
    %convert_element_type3A_828 = arith.extui %ge3A_827 : vector<3x1976xi1> to vector<3x1976xi32>
    %reduce_sum3A_829 = vector.shape_cast %convert_element_type3A_828 : vector<3x1976xi32> to vector<1x3x1976xi32>
    %reduce_sum3A_830 = arith.constant dense<0> : vector<1xi32>
    %reduce_sum3A_831 = vector.multi_reduction <add>, %reduce_sum3A_829, %reduce_sum3A_830 [1, 2] : vector<1x3x1976xi32> to vector<1xi32>
    %reduce_sum3A_832 = vector.shape_cast %reduce_sum3A_831 : vector<1xi32> to vector<1x1x1xi32>
    %reduce_sum3A_833 = vector.extract %reduce_sum3A_832[0, 0, 0] : i32 from vector<1x1x1xi32>
    %broadcast_in_dim3A_834 = vector.broadcast %reduce_sum3A_833 : i32 to vector<1x1xi32>
    %ge3A_835 = arith.constant 2000 : i32
    %ge3A_836 = vector.broadcast %ge3A_835 : i32 to vector<1x1xi32>
    %ge3A_837 = arith.cmpi sge, %broadcast_in_dim3A_834, %ge3A_836 : vector<1x1xi32>
    %select_n3A_838 = arith.select %ge3A_837, %or3A_825, %select_n3A_822 : vector<1x1xi1>, vector<1x1xi32>
    %or3A_839 = arith.constant 32 : i32
    %or3A_840 = vector.broadcast %or3A_839 : i32 to vector<1x1xi32>
    %or3A_841 = arith.ori %select_n3A_838, %or3A_840 : vector<1x1xi32>
    %ge3A_842 = vector.broadcast %or3A_841 : vector<1x1xi32> to vector<3x1976xi32>
    %ge3A_843 = arith.cmpi uge, %bitcast_convert_type3A_422, %ge3A_842 : vector<3x1976xi32>
    %convert_element_type3A_844 = arith.extui %ge3A_843 : vector<3x1976xi1> to vector<3x1976xi32>
    %reduce_sum3A_845 = vector.shape_cast %convert_element_type3A_844 : vector<3x1976xi32> to vector<1x3x1976xi32>
    %reduce_sum3A_846 = arith.constant dense<0> : vector<1xi32>
    %reduce_sum3A_847 = vector.multi_reduction <add>, %reduce_sum3A_845, %reduce_sum3A_846 [1, 2] : vector<1x3x1976xi32> to vector<1xi32>
    %reduce_sum3A_848 = vector.shape_cast %reduce_sum3A_847 : vector<1xi32> to vector<1x1x1xi32>
    %reduce_sum3A_849 = vector.extract %reduce_sum3A_848[0, 0, 0] : i32 from vector<1x1x1xi32>
    %broadcast_in_dim3A_850 = vector.broadcast %reduce_sum3A_849 : i32 to vector<1x1xi32>
    %ge3A_851 = arith.constant 2000 : i32
    %ge3A_852 = vector.broadcast %ge3A_851 : i32 to vector<1x1xi32>
    %ge3A_853 = arith.cmpi sge, %broadcast_in_dim3A_850, %ge3A_852 : vector<1x1xi32>
    %select_n3A_854 = arith.select %ge3A_853, %or3A_841, %select_n3A_838 : vector<1x1xi1>, vector<1x1xi32>
    %or3A_855 = arith.constant 16 : i32
    %or3A_856 = vector.broadcast %or3A_855 : i32 to vector<1x1xi32>
    %or3A_857 = arith.ori %select_n3A_854, %or3A_856 : vector<1x1xi32>
    %ge3A_858 = vector.broadcast %or3A_857 : vector<1x1xi32> to vector<3x1976xi32>
    %ge3A_859 = arith.cmpi uge, %bitcast_convert_type3A_422, %ge3A_858 : vector<3x1976xi32>
    %convert_element_type3A_860 = arith.extui %ge3A_859 : vector<3x1976xi1> to vector<3x1976xi32>
    %reduce_sum3A_861 = vector.shape_cast %convert_element_type3A_860 : vector<3x1976xi32> to vector<1x3x1976xi32>
    %reduce_sum3A_862 = arith.constant dense<0> : vector<1xi32>
    %reduce_sum3A_863 = vector.multi_reduction <add>, %reduce_sum3A_861, %reduce_sum3A_862 [1, 2] : vector<1x3x1976xi32> to vector<1xi32>
    %reduce_sum3A_864 = vector.shape_cast %reduce_sum3A_863 : vector<1xi32> to vector<1x1x1xi32>
    %reduce_sum3A_865 = vector.extract %reduce_sum3A_864[0, 0, 0] : i32 from vector<1x1x1xi32>
    %broadcast_in_dim3A_866 = vector.broadcast %reduce_sum3A_865 : i32 to vector<1x1xi32>
    %ge3A_867 = arith.constant 2000 : i32
    %ge3A_868 = vector.broadcast %ge3A_867 : i32 to vector<1x1xi32>
    %ge3A_869 = arith.cmpi sge, %broadcast_in_dim3A_866, %ge3A_868 : vector<1x1xi32>
    %select_n3A_870 = arith.select %ge3A_869, %or3A_857, %select_n3A_854 : vector<1x1xi1>, vector<1x1xi32>
    %or3A_871 = arith.constant 8 : i32
    %or3A_872 = vector.broadcast %or3A_871 : i32 to vector<1x1xi32>
    %or3A_873 = arith.ori %select_n3A_870, %or3A_872 : vector<1x1xi32>
    %ge3A_874 = vector.broadcast %or3A_873 : vector<1x1xi32> to vector<3x1976xi32>
    %ge3A_875 = arith.cmpi uge, %bitcast_convert_type3A_422, %ge3A_874 : vector<3x1976xi32>
    %convert_element_type3A_876 = arith.extui %ge3A_875 : vector<3x1976xi1> to vector<3x1976xi32>
    %reduce_sum3A_877 = vector.shape_cast %convert_element_type3A_876 : vector<3x1976xi32> to vector<1x3x1976xi32>
    %reduce_sum3A_878 = arith.constant dense<0> : vector<1xi32>
    %reduce_sum3A_879 = vector.multi_reduction <add>, %reduce_sum3A_877, %reduce_sum3A_878 [1, 2] : vector<1x3x1976xi32> to vector<1xi32>
    %reduce_sum3A_880 = vector.shape_cast %reduce_sum3A_879 : vector<1xi32> to vector<1x1x1xi32>
    %reduce_sum3A_881 = vector.extract %reduce_sum3A_880[0, 0, 0] : i32 from vector<1x1x1xi32>
    %broadcast_in_dim3A_882 = vector.broadcast %reduce_sum3A_881 : i32 to vector<1x1xi32>
    %ge3A_883 = arith.constant 2000 : i32
    %ge3A_884 = vector.broadcast %ge3A_883 : i32 to vector<1x1xi32>
    %ge3A_885 = arith.cmpi sge, %broadcast_in_dim3A_882, %ge3A_884 : vector<1x1xi32>
    %select_n3A_886 = arith.select %ge3A_885, %or3A_873, %select_n3A_870 : vector<1x1xi1>, vector<1x1xi32>
    %or3A_887 = arith.constant 4 : i32
    %or3A_888 = vector.broadcast %or3A_887 : i32 to vector<1x1xi32>
    %or3A_889 = arith.ori %select_n3A_886, %or3A_888 : vector<1x1xi32>
    %ge3A_890 = vector.broadcast %or3A_889 : vector<1x1xi32> to vector<3x1976xi32>
    %ge3A_891 = arith.cmpi uge, %bitcast_convert_type3A_422, %ge3A_890 : vector<3x1976xi32>
    %convert_element_type3A_892 = arith.extui %ge3A_891 : vector<3x1976xi1> to vector<3x1976xi32>
    %reduce_sum3A_893 = vector.shape_cast %convert_element_type3A_892 : vector<3x1976xi32> to vector<1x3x1976xi32>
    %reduce_sum3A_894 = arith.constant dense<0> : vector<1xi32>
    %reduce_sum3A_895 = vector.multi_reduction <add>, %reduce_sum3A_893, %reduce_sum3A_894 [1, 2] : vector<1x3x1976xi32> to vector<1xi32>
    %reduce_sum3A_896 = vector.shape_cast %reduce_sum3A_895 : vector<1xi32> to vector<1x1x1xi32>
    %reduce_sum3A_897 = vector.extract %reduce_sum3A_896[0, 0, 0] : i32 from vector<1x1x1xi32>
    %broadcast_in_dim3A_898 = vector.broadcast %reduce_sum3A_897 : i32 to vector<1x1xi32>
    %ge3A_899 = arith.constant 2000 : i32
    %ge3A_900 = vector.broadcast %ge3A_899 : i32 to vector<1x1xi32>
    %ge3A_901 = arith.cmpi sge, %broadcast_in_dim3A_898, %ge3A_900 : vector<1x1xi32>
    %select_n3A_902 = arith.select %ge3A_901, %or3A_889, %select_n3A_886 : vector<1x1xi1>, vector<1x1xi32>
    %or3A_903 = arith.constant 2 : i32
    %or3A_904 = vector.broadcast %or3A_903 : i32 to vector<1x1xi32>
    %or3A_905 = arith.ori %select_n3A_902, %or3A_904 : vector<1x1xi32>
    %ge3A_906 = vector.broadcast %or3A_905 : vector<1x1xi32> to vector<3x1976xi32>
    %ge3A_907 = arith.cmpi uge, %bitcast_convert_type3A_422, %ge3A_906 : vector<3x1976xi32>
    %convert_element_type3A_908 = arith.extui %ge3A_907 : vector<3x1976xi1> to vector<3x1976xi32>
    %reduce_sum3A_909 = vector.shape_cast %convert_element_type3A_908 : vector<3x1976xi32> to vector<1x3x1976xi32>
    %reduce_sum3A_910 = arith.constant dense<0> : vector<1xi32>
    %reduce_sum3A_911 = vector.multi_reduction <add>, %reduce_sum3A_909, %reduce_sum3A_910 [1, 2] : vector<1x3x1976xi32> to vector<1xi32>
    %reduce_sum3A_912 = vector.shape_cast %reduce_sum3A_911 : vector<1xi32> to vector<1x1x1xi32>
    %reduce_sum3A_913 = vector.extract %reduce_sum3A_912[0, 0, 0] : i32 from vector<1x1x1xi32>
    %broadcast_in_dim3A_914 = vector.broadcast %reduce_sum3A_913 : i32 to vector<1x1xi32>
    %ge3A_915 = arith.constant 2000 : i32
    %ge3A_916 = vector.broadcast %ge3A_915 : i32 to vector<1x1xi32>
    %ge3A_917 = arith.cmpi sge, %broadcast_in_dim3A_914, %ge3A_916 : vector<1x1xi32>
    %select_n3A_918 = arith.select %ge3A_917, %or3A_905, %select_n3A_902 : vector<1x1xi1>, vector<1x1xi32>
    %or3A_919 = arith.constant 1 : i32
    %or3A_920 = vector.broadcast %or3A_919 : i32 to vector<1x1xi32>
    %or3A_921 = arith.ori %select_n3A_918, %or3A_920 : vector<1x1xi32>
    %ge3A_922 = vector.broadcast %or3A_921 : vector<1x1xi32> to vector<3x1976xi32>
    %ge3A_923 = arith.cmpi uge, %bitcast_convert_type3A_422, %ge3A_922 : vector<3x1976xi32>
    %convert_element_type3A_924 = arith.extui %ge3A_923 : vector<3x1976xi1> to vector<3x1976xi32>
    %reduce_sum3A_925 = vector.shape_cast %convert_element_type3A_924 : vector<3x1976xi32> to vector<1x3x1976xi32>
    %reduce_sum3A_926 = arith.constant dense<0> : vector<1xi32>
    %reduce_sum3A_927 = vector.multi_reduction <add>, %reduce_sum3A_925, %reduce_sum3A_926 [1, 2] : vector<1x3x1976xi32> to vector<1xi32>
    %reduce_sum3A_928 = vector.shape_cast %reduce_sum3A_927 : vector<1xi32> to vector<1x1x1xi32>
    %reduce_sum3A_929 = vector.extract %reduce_sum3A_928[0, 0, 0] : i32 from vector<1x1x1xi32>
    %broadcast_in_dim3A_930 = vector.broadcast %reduce_sum3A_929 : i32 to vector<1x1xi32>
    %ge3A_931 = arith.constant 2000 : i32
    %ge3A_932 = vector.broadcast %ge3A_931 : i32 to vector<1x1xi32>
    %ge3A_933 = arith.cmpi sge, %broadcast_in_dim3A_930, %ge3A_932 : vector<1x1xi32>
    %select_n3A_934 = arith.select %ge3A_933, %or3A_921, %select_n3A_918 : vector<1x1xi1>, vector<1x1xi32>
    %gt3A = vector.broadcast %select_n3A_934 : vector<1x1xi32> to vector<3x1976xi32>
    %gt3A_935 = arith.cmpi ugt, %bitcast_convert_type3A_422, %gt3A : vector<3x1976xi32>
    %convert_element_type3A_936 = arith.extui %gt3A_935 : vector<3x1976xi1> to vector<3x1976xi32>
    %reduce_sum3A_937 = vector.shape_cast %convert_element_type3A_936 : vector<3x1976xi32> to vector<1x3x1976xi32>
    %reduce_sum3A_938 = arith.constant dense<0> : vector<1xi32>
    %reduce_sum3A_939 = vector.multi_reduction <add>, %reduce_sum3A_937, %reduce_sum3A_938 [1, 2] : vector<1x3x1976xi32> to vector<1xi32>
    %reduce_sum3A_940 = vector.shape_cast %reduce_sum3A_939 : vector<1xi32> to vector<1x1x1xi32>
    %reduce_sum3A_941 = vector.extract %reduce_sum3A_940[0, 0, 0] : i32 from vector<1x1x1xi32>
    %broadcast_in_dim3A_942 = vector.broadcast %reduce_sum3A_941 : i32 to vector<1x1xi32>
    %bitcast_convert_type3A_943 = tpu.bitcast %select_n3A_934 : vector<1x1xi32> -> vector<1x1xi32>
    %xor3A_944 = arith.constant -2147483648 : i32
    %xor3A_945 = vector.broadcast %xor3A_944 : i32 to vector<1x1xi32>
    %xor3A_946 = arith.xori %bitcast_convert_type3A_943, %xor3A_945 : vector<1x1xi32>
    %swap3A = arith.constant 0 : index
    %swap3A_947 = arith.constant 0 : index
    %swap3A_948 = arith.constant 0 : index
    %swap3A_949 = vector.load %arg8[%swap3A, %swap3A_947, %swap3A_948] : memref<1x3x1976xi32, #tpu.memory_space<vmem>>, vector<1x3x1976xi32>
    %swap3A_950 = vector.shape_cast %swap3A_949 : vector<1x3x1976xi32> to vector<3x1976xi32>
    %swap3A_951 = vector.shape_cast %concatenate3A : vector<3x1976xi32> to vector<1x3x1976xi32>
    tpu.vector_store %arg8[%swap3A, %swap3A_947, %swap3A_948], %swap3A_951 {strides = array<i32>} : memref<1x3x1976xi32, #tpu.memory_space<vmem>>, vector<1x3x1976xi32>,
    %concatenate3A_952 = tpu.concatenate %min3A_222, %min3A_298, %min3A_376 in 0 : vector<1x1976xf32>, vector<1x1976xf32>, vector<1x1976xf32> -> vector<3x1976xf32>
    %swap3A_953 = arith.constant 0 : index
    %swap3A_954 = arith.constant 0 : index
    %swap3A_955 = arith.constant 0 : index
    %swap3A_956 = vector.load %arg9[%swap3A_953, %swap3A_954, %swap3A_955] : memref<1x3x1976xf32, #tpu.memory_space<vmem>>, vector<1x3x1976xf32>
    %swap3A_957 = vector.shape_cast %swap3A_956 : vector<1x3x1976xf32> to vector<3x1976xf32>
    %swap3A_958 = vector.shape_cast %concatenate3A_952 : vector<3x1976xf32> to vector<1x3x1976xf32>
    tpu.vector_store %arg9[%swap3A_953, %swap3A_954, %swap3A_955], %swap3A_958 {strides = array<i32>} : memref<1x3x1976xf32, #tpu.memory_space<vmem>>, vector<1x3x1976xf32>,
    %concatenate3A_959 = tpu.concatenate %min3A_232, %min3A_308, %min3A_386 in 0 : vector<1x1976xf32>, vector<1x1976xf32>, vector<1x1976xf32> -> vector<3x1976xf32>
    %swap3A_960 = arith.constant 0 : index
    %swap3A_961 = arith.constant 0 : index
    %swap3A_962 = arith.constant 0 : index
    %swap3A_963 = vector.load %arg10[%swap3A_960, %swap3A_961, %swap3A_962] : memref<1x3x1976xf32, #tpu.memory_space<vmem>>, vector<1x3x1976xf32>
    %swap3A_964 = vector.shape_cast %swap3A_963 : vector<1x3x1976xf32> to vector<3x1976xf32>
    %swap3A_965 = vector.shape_cast %concatenate3A_959 : vector<3x1976xf32> to vector<1x3x1976xf32>
    tpu.vector_store %arg10[%swap3A_960, %swap3A_961, %swap3A_962], %swap3A_965 {strides = array<i32>} : memref<1x3x1976xf32, #tpu.memory_space<vmem>>, vector<1x3x1976xf32>,
    %concatenate3A_966 = tpu.concatenate %min3A_242, %min3A_318, %min3A_396 in 0 : vector<1x1976xf32>, vector<1x1976xf32>, vector<1x1976xf32> -> vector<3x1976xf32>
    %swap3A_967 = arith.constant 0 : index
    %swap3A_968 = arith.constant 0 : index
    %swap3A_969 = arith.constant 0 : index
    %swap3A_970 = vector.load %arg11[%swap3A_967, %swap3A_968, %swap3A_969] : memref<1x3x1976xf32, #tpu.memory_space<vmem>>, vector<1x3x1976xf32>
    %swap3A_971 = vector.shape_cast %swap3A_970 : vector<1x3x1976xf32> to vector<3x1976xf32>
    %swap3A_972 = vector.shape_cast %concatenate3A_966 : vector<3x1976xf32> to vector<1x3x1976xf32>
    tpu.vector_store %arg11[%swap3A_967, %swap3A_968, %swap3A_969], %swap3A_972 {strides = array<i32>} : memref<1x3x1976xf32, #tpu.memory_space<vmem>>, vector<1x3x1976xf32>,
    %concatenate3A_973 = tpu.concatenate %min3A_252, %min3A_328, %min3A_406 in 0 : vector<1x1976xf32>, vector<1x1976xf32>, vector<1x1976xf32> -> vector<3x1976xf32>
    %swap3A_974 = arith.constant 0 : index
    %swap3A_975 = arith.constant 0 : index
    %swap3A_976 = arith.constant 0 : index
    %swap3A_977 = vector.load %arg12[%swap3A_974, %swap3A_975, %swap3A_976] : memref<1x3x1976xf32, #tpu.memory_space<vmem>>, vector<1x3x1976xf32>
    %swap3A_978 = vector.shape_cast %swap3A_977 : vector<1x3x1976xf32> to vector<3x1976xf32>
    %swap3A_979 = vector.shape_cast %concatenate3A_973 : vector<3x1976xf32> to vector<1x3x1976xf32>
    tpu.vector_store %arg12[%swap3A_974, %swap3A_975, %swap3A_976], %swap3A_979 {strides = array<i32>} : memref<1x3x1976xf32, #tpu.memory_space<vmem>>, vector<1x3x1976xf32>,
    %iota3A_980 = tpu.iota {dimensions = array<i32: 1>} : vector<8x128xi32>
    %iota3A_981 = tpu.iota {dimensions = array<i32: 0>} : vector<8x128xi32>
    %broadcast_in_dim3A_982 = vector.shape_cast %xor3A_946 : vector<1x1xi32> to vector<1x1xi32>
    %broadcast_in_dim3A_983 = vector.broadcast %broadcast_in_dim3A_982 : vector<1x1xi32> to vector<8x128xi32>
    %broadcast_in_dim3A_984 = vector.shape_cast %broadcast_in_dim3A_942 : vector<1x1xi32> to vector<1x1xi32>
    %broadcast_in_dim3A_985 = vector.broadcast %broadcast_in_dim3A_984 : vector<1x1xi32> to vector<8x128xi32>
    %eq3A_986 = arith.constant 0 : i32
    %eq3A_987 = vector.broadcast %eq3A_986 : i32 to vector<8x128xi32>
    %eq3A_988 = arith.cmpi eq, %iota3A_981, %eq3A_987 : vector<8x128xi32>
    %eq3A_989 = arith.constant 0 : i32
    %eq3A_990 = vector.broadcast %eq3A_989 : i32 to vector<8x128xi32>
    %eq3A_991 = arith.cmpi eq, %iota3A_980, %eq3A_990 : vector<8x128xi32>
    %and3A_992 = arith.andi %eq3A_988, %eq3A_991 : vector<8x128xi1>
    %eq3A_993 = arith.constant 0 : i32
    %eq3A_994 = vector.broadcast %eq3A_993 : i32 to vector<8x128xi32>
    %eq3A_995 = arith.cmpi eq, %iota3A_981, %eq3A_994 : vector<8x128xi32>
    %eq3A_996 = arith.constant 1 : i32
    %eq3A_997 = vector.broadcast %eq3A_996 : i32 to vector<8x128xi32>
    %eq3A_998 = arith.cmpi eq, %iota3A_980, %eq3A_997 : vector<8x128xi32>
    %and3A_999 = arith.andi %eq3A_995, %eq3A_998 : vector<8x128xi1>
    %jit3A_1000 = arith.constant 0 : i32
    %broadcast_in_dim3A_1001 = vector.broadcast %jit3A_1000 : i32 to vector<8x128xi32>
    %select_n3A_1002 = arith.select %and3A_999, %broadcast_in_dim3A_985, %broadcast_in_dim3A_1001 : vector<8x128xi1>, vector<8x128xi32>
    %select_n3A_1003 = arith.select %and3A_992, %broadcast_in_dim3A_983, %select_n3A_1002 : vector<8x128xi1>, vector<8x128xi32>
    %swap3A_1004 = arith.constant 0 : index
    %swap3A_1005 = arith.constant 0 : index
    %swap3A_1006 = arith.constant 0 : index
    %swap3A_1007 = vector.load %arg13[%swap3A_1004, %swap3A_1005, %swap3A_1006] : memref<1x8x128xi32, #tpu.memory_space<vmem>>, vector<1x8x128xi32>
    %swap3A_1008 = vector.shape_cast %swap3A_1007 : vector<1x8x128xi32> to vector<8x128xi32>
    %swap3A_1009 = vector.shape_cast %select_n3A_1003 : vector<8x128xi32> to vector<1x8x128xi32>
    tpu.vector_store %arg13[%swap3A_1004, %swap3A_1005, %swap3A_1006], %swap3A_1009 {strides = array<i32>} : memref<1x8x128xi32, #tpu.memory_space<vmem>>, vector<1x8x128xi32>,
    return
  }
  func.func @transform_0(%arg0: i32) -> (i32, i32, i32) {
    %c0_i32 = arith.constant 0 : i32
    %c0_i32_0 = arith.constant 0 : i32
    %c0_i32_1 = arith.constant 0 : i32
    return %arg0, %c0_i32, %c0_i32_0 : i32, i32, i32
  }
  func.func @transform_1(%arg0: i32) -> (i32, i32, i32, i32) {
    %c0_i32 = arith.constant 0 : i32
    %c0_i32_0 = arith.constant 0 : i32
    %c0_i32_1 = arith.constant 0 : i32
    %c0_i32_2 = arith.constant 0 : i32
    %c0_i32_3 = arith.constant 0 : i32
    return %c0_i32, %c0_i32_0, %c0_i32_1, %c0_i32_2 : i32, i32, i32, i32
  }
  func.func @transform_2(%arg0: i32) -> (i32, i32) {
    %c0_i32 = arith.constant 0 : i32
    %c0_i32_0 = arith.constant 0 : i32
    %c0_i32_1 = arith.constant 0 : i32
    return %c0_i32, %c0_i32_0 : i32, i32
  }
  func.func @transform_3(%arg0: i32) -> (i32, i32) {
    %c0_i32 = arith.constant 0 : i32
    %c0_i32_0 = arith.constant 0 : i32
    %c0_i32_1 = arith.constant 0 : i32
    return %c0_i32, %c0_i32_0 : i32, i32
  }
  func.func @transform_4(%arg0: i32) -> (i32, i32) {
    %c0_i32 = arith.constant 0 : i32
    %c0_i32_0 = arith.constant 0 : i32
    %c0_i32_1 = arith.constant 0 : i32
    return %c0_i32, %c0_i32_0 : i32, i32
  }
  func.func @transform_5(%arg0: i32) -> (i32, i32) {
    %c0_i32 = arith.constant 0 : i32
    %c0_i32_0 = arith.constant 0 : i32
    %c0_i32_1 = arith.constant 0 : i32
    return %c0_i32, %c0_i32_0 : i32, i32
  }
  func.func @transform_6(%arg0: i32) -> (i32, i32) {
    %c0_i32 = arith.constant 0 : i32
    %c0_i32_0 = arith.constant 0 : i32
    %c0_i32_1 = arith.constant 0 : i32
    return %c0_i32, %c0_i32_0 : i32, i32
  }
  func.func @transform_7(%arg0: i32) -> (i32, i32, i32) {
    %c0_i32 = arith.constant 0 : i32
    %c0_i32_0 = arith.constant 0 : i32
    %c0_i32_1 = arith.constant 0 : i32
    return %arg0, %c0_i32, %c0_i32_0 : i32, i32, i32
  }
  func.func @transform_8(%arg0: i32) -> (i32, i32, i32) {
    %c0_i32 = arith.constant 0 : i32
    %c0_i32_0 = arith.constant 0 : i32
    %c0_i32_1 = arith.constant 0 : i32
    return %arg0, %c0_i32, %c0_i32_0 : i32, i32, i32
  }
  func.func @transform_9(%arg0: i32) -> (i32, i32, i32) {
    %c0_i32 = arith.constant 0 : i32
    %c0_i32_0 = arith.constant 0 : i32
    %c0_i32_1 = arith.constant 0 : i32
    return %arg0, %c0_i32, %c0_i32_0 : i32, i32, i32
  }
  func.func @transform_10(%arg0: i32) -> (i32, i32, i32) {
    %c0_i32 = arith.constant 0 : i32
    %c0_i32_0 = arith.constant 0 : i32
    %c0_i32_1 = arith.constant 0 : i32
    return %arg0, %c0_i32, %c0_i32_0 : i32, i32, i32
  }
  func.func @transform_11(%arg0: i32) -> (i32, i32, i32) {
    %c0_i32 = arith.constant 0 : i32
    %c0_i32_0 = arith.constant 0 : i32
    %c0_i32_1 = arith.constant 0 : i32
    return %arg0, %c0_i32, %c0_i32_0 : i32, i32, i32
  }
  func.func @transform_12(%arg0: i32) -> (i32, i32, i32) {
    %c0_i32 = arith.constant 0 : i32
    %c0_i32_0 = arith.constant 0 : i32
    %c0_i32_1 = arith.constant 0 : i32
    return %arg0, %c0_i32, %c0_i32_0 : i32, i32, i32
  }
}

module attributes {stable_mosaic.version = 14 : i64} {
  func.func @_k3_body(%arg0: i32, %arg1: memref<1x1x2048xi32, #tpu.memory_space<vmem>>, %arg2: memref<1x1x2048xf32, #tpu.memory_space<vmem>>, %arg3: memref<1x1x2048xf32, #tpu.memory_space<vmem>>, %arg4: memref<1x1x2048xf32, #tpu.memory_space<vmem>>, %arg5: memref<1x1x2048xf32, #tpu.memory_space<vmem>>, %arg6: memref<1x1x2048xi32, #tpu.memory_space<vmem>>, %arg7: memref<1x1x2048xf32, #tpu.memory_space<vmem>>, %arg8: memref<2048x2048xbf16, #tpu.memory_space<vmem>>, %arg9: memref<2048x2048xbf16, #tpu.memory_space<vmem>>, %arg10: memref<8x2048xf32, #tpu.memory_space<vmem>>, %arg11: memref<2048x8xf32, #tpu.memory_space<vmem>>) attributes {dimension_semantics = [#tpu.dimension_semantics<arbitrary>], iteration_bounds = array<i64: 2>, scalar_prefetch = 0 : i64, scratch_operands = 4 : i64, tpu.core_type = #tpu.core_type<tc>, window_params = [{transform_indices = @transform_0, window_bounds = array<i64: 1, 1, 2048>}, {transform_indices = @transform_1, window_bounds = array<i64: 1, 1, 2048>}, {transform_indices = @transform_2, window_bounds = array<i64: 1, 1, 2048>}, {transform_indices = @transform_3, window_bounds = array<i64: 1, 1, 2048>}, {transform_indices = @transform_4, window_bounds = array<i64: 1, 1, 2048>}, {transform_indices = @transform_5, window_bounds = array<i64: 1, 1, 2048>}, {transform_indices = @transform_6, window_bounds = array<i64: 1, 1, 2048>}]} {
    %get3A = arith.constant 0 : index
    %get3A_0 = arith.constant 0 : index
    %get3A_1 = arith.constant 0 : index
    %get3A_2 = vector.load %arg1[%get3A, %get3A_0, %get3A_1] : memref<1x1x2048xi32, #tpu.memory_space<vmem>>, vector<1x1x2048xi32>
    %get3A_3 = vector.shape_cast %get3A_2 : vector<1x1x2048xi32> to vector<1x2048xi32>
    %get3A_4 = arith.constant 0 : index
    %get3A_5 = arith.constant 0 : index
    %get3A_6 = arith.constant 0 : index
    %get3A_7 = vector.load %arg2[%get3A_4, %get3A_5, %get3A_6] : memref<1x1x2048xf32, #tpu.memory_space<vmem>>, vector<1x1x2048xf32>
    %get3A_8 = vector.shape_cast %get3A_7 : vector<1x1x2048xf32> to vector<1x2048xf32>
    %get3A_9 = arith.constant 0 : index
    %get3A_10 = arith.constant 0 : index
    %get3A_11 = arith.constant 0 : index
    %get3A_12 = vector.load %arg3[%get3A_9, %get3A_10, %get3A_11] : memref<1x1x2048xf32, #tpu.memory_space<vmem>>, vector<1x1x2048xf32>
    %get3A_13 = vector.shape_cast %get3A_12 : vector<1x1x2048xf32> to vector<1x2048xf32>
    %get3A_14 = arith.constant 0 : index
    %get3A_15 = arith.constant 0 : index
    %get3A_16 = arith.constant 0 : index
    %get3A_17 = vector.load %arg4[%get3A_14, %get3A_15, %get3A_16] : memref<1x1x2048xf32, #tpu.memory_space<vmem>>, vector<1x1x2048xf32>
    %get3A_18 = vector.shape_cast %get3A_17 : vector<1x1x2048xf32> to vector<1x2048xf32>
    %get3A_19 = arith.constant 0 : index
    %get3A_20 = arith.constant 0 : index
    %get3A_21 = arith.constant 0 : index
    %get3A_22 = vector.load %arg5[%get3A_19, %get3A_20, %get3A_21] : memref<1x1x2048xf32, #tpu.memory_space<vmem>>, vector<1x1x2048xf32>
    %get3A_23 = vector.shape_cast %get3A_22 : vector<1x1x2048xf32> to vector<1x2048xf32>
    %sub3A = arith.subf %get3A_18, %get3A_8 : vector<1x2048xf32>
    %sub3A_24 = arith.subf %get3A_23, %get3A_13 : vector<1x2048xf32>
    %mul3A = arith.mulf %sub3A, %sub3A_24 : vector<1x2048xf32>
    %iota3A = tpu.iota {dimensions = array<i32: 1>} : vector<16x2048xi32>
    %iota3A_25 = tpu.iota {dimensions = array<i32: 1>} : vector<8x2048xi32>
    %bitcast_convert_type3A = tpu.bitcast %get3A_3 : vector<1x2048xi32> -> vector<1x2048xf32>
    %broadcast_in_dim3A = arith.constant 0.000000e+00 : f32
    %broadcast_in_dim3A_26 = vector.broadcast %broadcast_in_dim3A : f32 to vector<2x2048xf32>
    %concatenate3A = tpu.concatenate %bitcast_convert_type3A, %get3A_8, %get3A_13, %get3A_18, %get3A_23, %mul3A, %broadcast_in_dim3A_26 in 0 : vector<1x2048xf32>, vector<1x2048xf32>, vector<1x2048xf32>, vector<1x2048xf32>, vector<1x2048xf32>, vector<1x2048xf32>, vector<2x2048xf32> -> vector<8x2048xf32>
    %transpose3A = tpu.transpose %concatenate3A, [1, 0] : vector<8x2048xf32> -> vector<2048x8xf32>
    %swap3A = arith.constant 0 : index
    %swap3A_27 = arith.constant 0 : index
    %swap3A_28 = vector.load %arg11[%swap3A, %swap3A_27] : memref<2048x8xf32, #tpu.memory_space<vmem>>, vector<2048x8xf32>
    tpu.vector_store %arg11[%swap3A, %swap3A_27], %transpose3A {strides = array<i32>} : memref<2048x8xf32, #tpu.memory_space<vmem>>, vector<2048x8xf32>,
    %scan3A = arith.constant 0 : i32
    %scan3A_29 = arith.constant 128 : i32
    %scan3A_30 = arith.addi %scan3A, %scan3A_29 : i32
    %scan3A_31 = arith.constant 1 : i32
    scf.for %scan3A_96 = %scan3A to %scan3A_30 step %scan3A_31  : i32 {
      %mul3A_97 = arith.constant 16 : i32
      %mul3A_98 = arith.muli %scan3A_96, %mul3A_97 : i32
      %multiple_of3A = tpu.assume_multiple %mul3A_98, 16 : i32
      %get3A_99 = arith.index_cast %multiple_of3A : i32 to index
      %get3A_100 = arith.constant 0 : index
      %get3A_101 = vector.load %arg11[%get3A_99, %get3A_100] : memref<2048x8xf32, #tpu.memory_space<vmem>>, vector<16x8xf32>
      %slice3A_102 = vector.extract_strided_slice %get3A_101 {offsets = [0, 0], sizes = [16, 1], strides = [1, 1]} : vector<16x8xf32> to vector<16x1xf32>
      %bitcast_convert_type3A_103 = tpu.bitcast %slice3A_102 : vector<16x1xf32> -> vector<16x1xi32>
      %slice3A_104 = vector.extract_strided_slice %get3A_101 {offsets = [0, 1], sizes = [16, 1], strides = [1, 1]} : vector<16x8xf32> to vector<16x1xf32>
      %slice3A_105 = vector.extract_strided_slice %get3A_101 {offsets = [0, 2], sizes = [16, 1], strides = [1, 1]} : vector<16x8xf32> to vector<16x1xf32>
      %slice3A_106 = vector.extract_strided_slice %get3A_101 {offsets = [0, 3], sizes = [16, 1], strides = [1, 1]} : vector<16x8xf32> to vector<16x1xf32>
      %slice3A_107 = vector.extract_strided_slice %get3A_101 {offsets = [0, 4], sizes = [16, 1], strides = [1, 1]} : vector<16x8xf32> to vector<16x1xf32>
      %slice3A_108 = vector.extract_strided_slice %get3A_101 {offsets = [0, 5], sizes = [16, 1], strides = [1, 1]} : vector<16x8xf32> to vector<16x1xf32>
      %mul3A_109 = arith.constant 16 : i32
      %mul3A_110 = arith.muli %scan3A_96, %mul3A_109 : i32
      %iota3A_111 = tpu.iota {dimensions = array<i32: 0>} : vector<16x2048xi32>
      %add3A_112 = vector.broadcast %mul3A_110 : i32 to vector<16x2048xi32>
      %add3A_113 = arith.addi %add3A_112, %iota3A_111 : vector<16x2048xi32>
      %broadcast_in_dim3A_114 = vector.shape_cast %bitcast_convert_type3A_103 : vector<16x1xi32> to vector<16x1xi32>
      %broadcast_in_dim3A_115 = vector.broadcast %broadcast_in_dim3A_114 : vector<16x1xi32> to vector<16x2048xi32>
      %broadcast_in_dim3A_116 = vector.shape_cast %get3A_3 : vector<1x2048xi32> to vector<1x2048xi32>
      %broadcast_in_dim3A_117 = vector.broadcast %broadcast_in_dim3A_116 : vector<1x2048xi32> to vector<16x2048xi32>
      %gt3A_118 = arith.cmpi sgt, %broadcast_in_dim3A_115, %broadcast_in_dim3A_117 : vector<16x2048xi32>
      %eq3A = arith.cmpi eq, %broadcast_in_dim3A_115, %broadcast_in_dim3A_117 : vector<16x2048xi32>
      %lt3A_119 = arith.cmpi slt, %add3A_113, %iota3A : vector<16x2048xi32>
      %and3A = arith.andi %eq3A, %lt3A_119 : vector<16x2048xi1>
      %or3A = arith.ori %gt3A_118, %and3A : vector<16x2048xi1>
      %broadcast_in_dim3A_120 = vector.shape_cast %slice3A_104 : vector<16x1xf32> to vector<16x1xf32>
      %broadcast_in_dim3A_121 = vector.broadcast %broadcast_in_dim3A_120 : vector<16x1xf32> to vector<16x2048xf32>
      %broadcast_in_dim3A_122 = vector.shape_cast %get3A_8 : vector<1x2048xf32> to vector<1x2048xf32>
      %broadcast_in_dim3A_123 = vector.broadcast %broadcast_in_dim3A_122 : vector<1x2048xf32> to vector<16x2048xf32>
      %max3A = arith.maximumf %broadcast_in_dim3A_121, %broadcast_in_dim3A_123 : vector<16x2048xf32>
      %broadcast_in_dim3A_124 = vector.shape_cast %slice3A_105 : vector<16x1xf32> to vector<16x1xf32>
      %broadcast_in_dim3A_125 = vector.broadcast %broadcast_in_dim3A_124 : vector<16x1xf32> to vector<16x2048xf32>
      %broadcast_in_dim3A_126 = vector.shape_cast %get3A_13 : vector<1x2048xf32> to vector<1x2048xf32>
      %broadcast_in_dim3A_127 = vector.broadcast %broadcast_in_dim3A_126 : vector<1x2048xf32> to vector<16x2048xf32>
      %max3A_128 = arith.maximumf %broadcast_in_dim3A_125, %broadcast_in_dim3A_127 : vector<16x2048xf32>
      %broadcast_in_dim3A_129 = vector.shape_cast %slice3A_106 : vector<16x1xf32> to vector<16x1xf32>
      %broadcast_in_dim3A_130 = vector.broadcast %broadcast_in_dim3A_129 : vector<16x1xf32> to vector<16x2048xf32>
      %broadcast_in_dim3A_131 = vector.shape_cast %get3A_18 : vector<1x2048xf32> to vector<1x2048xf32>
      %broadcast_in_dim3A_132 = vector.broadcast %broadcast_in_dim3A_131 : vector<1x2048xf32> to vector<16x2048xf32>
      %min3A = arith.minimumf %broadcast_in_dim3A_130, %broadcast_in_dim3A_132 : vector<16x2048xf32>
      %broadcast_in_dim3A_133 = vector.shape_cast %slice3A_107 : vector<16x1xf32> to vector<16x1xf32>
      %broadcast_in_dim3A_134 = vector.broadcast %broadcast_in_dim3A_133 : vector<16x1xf32> to vector<16x2048xf32>
      %broadcast_in_dim3A_135 = vector.shape_cast %get3A_23 : vector<1x2048xf32> to vector<1x2048xf32>
      %broadcast_in_dim3A_136 = vector.broadcast %broadcast_in_dim3A_135 : vector<1x2048xf32> to vector<16x2048xf32>
      %min3A_137 = arith.minimumf %broadcast_in_dim3A_134, %broadcast_in_dim3A_136 : vector<16x2048xf32>
      %sub3A_138 = arith.subf %min3A, %max3A : vector<16x2048xf32>
      %max3A_139 = arith.constant 0.000000e+00 : f32
      %max3A_140 = vector.broadcast %max3A_139 : f32 to vector<16x2048xf32>
      %max3A_141 = arith.maximumf %sub3A_138, %max3A_140 : vector<16x2048xf32>
      %sub3A_142 = arith.subf %min3A_137, %max3A_128 : vector<16x2048xf32>
      %max3A_143 = arith.constant 0.000000e+00 : f32
      %max3A_144 = vector.broadcast %max3A_143 : f32 to vector<16x2048xf32>
      %max3A_145 = arith.maximumf %sub3A_142, %max3A_144 : vector<16x2048xf32>
      %mul3A_146 = arith.mulf %max3A_141, %max3A_145 : vector<16x2048xf32>
      %broadcast_in_dim3A_147 = vector.shape_cast %slice3A_108 : vector<16x1xf32> to vector<16x1xf32>
      %broadcast_in_dim3A_148 = vector.broadcast %broadcast_in_dim3A_147 : vector<16x1xf32> to vector<16x2048xf32>
      %broadcast_in_dim3A_149 = vector.shape_cast %mul3A : vector<1x2048xf32> to vector<1x2048xf32>
      %broadcast_in_dim3A_150 = vector.broadcast %broadcast_in_dim3A_149 : vector<1x2048xf32> to vector<16x2048xf32>
      %add3A_151 = arith.addf %broadcast_in_dim3A_148, %broadcast_in_dim3A_150 : vector<16x2048xf32>
      %sub3A_152 = arith.subf %add3A_151, %mul3A_146 : vector<16x2048xf32>
      %add3A_153 = arith.constant 9.99999971E-10 : f32
      %add3A_154 = vector.broadcast %add3A_153 : f32 to vector<16x2048xf32>
      %add3A_155 = arith.addf %sub3A_152, %add3A_154 : vector<16x2048xf32>
      %div3A = arith.divf %mul3A_146, %add3A_155 : vector<16x2048xf32>
      %gt3A_156 = arith.constant 0.699999988 : f32
      %gt3A_157 = vector.broadcast %gt3A_156 : f32 to vector<16x2048xf32>
      %gt3A_158 = arith.cmpf ogt, %div3A, %gt3A_157 : vector<16x2048xf32>
      %and3A_159 = arith.andi %gt3A_158, %or3A : vector<16x2048xi1>
      %convert_element_type3A_160 = arith.extui %and3A_159 : vector<16x2048xi1> to vector<16x2048xi32>
      %convert_element_type3A_161 = arith.sitofp %convert_element_type3A_160 : vector<16x2048xi32> to vector<16x2048xf32>
      %convert_element_type3A_162 = arith.truncf %convert_element_type3A_161 : vector<16x2048xf32> to vector<16x2048xbf16>
      %swap3A_163 = arith.index_cast %multiple_of3A : i32 to index
      %swap3A_164 = arith.constant 0 : index
      %swap3A_165 = vector.load %arg8[%swap3A_163, %swap3A_164] : memref<2048x2048xbf16, #tpu.memory_space<vmem>>, vector<16x2048xbf16>
      tpu.vector_store %arg8[%swap3A_163, %swap3A_164], %convert_element_type3A_162 {strides = array<i32>} : memref<2048x2048xbf16, #tpu.memory_space<vmem>>, vector<16x2048xbf16>,
      %convert_element_type3A_166 = arith.extui %or3A : vector<16x2048xi1> to vector<16x2048xi32>
      %convert_element_type3A_167 = arith.sitofp %convert_element_type3A_166 : vector<16x2048xi32> to vector<16x2048xf32>
      %convert_element_type3A_168 = arith.truncf %convert_element_type3A_167 : vector<16x2048xf32> to vector<16x2048xbf16>
      %swap3A_169 = arith.index_cast %multiple_of3A : i32 to index
      %swap3A_170 = arith.constant 0 : index
      %swap3A_171 = vector.load %arg9[%swap3A_169, %swap3A_170] : memref<2048x2048xbf16, #tpu.memory_space<vmem>>, vector<16x2048xbf16>
      tpu.vector_store %arg9[%swap3A_169, %swap3A_170], %convert_element_type3A_168 {strides = array<i32>} : memref<2048x2048xbf16, #tpu.memory_space<vmem>>, vector<16x2048xbf16>,
    }
    %scan3A_32 = arith.constant 128 : i32
    %broadcast_in_dim3A_33 = arith.constant 1.000000e+00 : f32
    %broadcast_in_dim3A_34 = vector.broadcast %broadcast_in_dim3A_33 : f32 to vector<8x2048xf32>
    %swap3A_35 = arith.constant 0 : index
    %swap3A_36 = arith.constant 0 : index
    %swap3A_37 = vector.load %arg10[%swap3A_35, %swap3A_36] : memref<8x2048xf32, #tpu.memory_space<vmem>>, vector<8x2048xf32>
    tpu.vector_store %arg10[%swap3A_35, %swap3A_36], %broadcast_in_dim3A_34 {strides = array<i32>} : memref<8x2048xf32, #tpu.memory_space<vmem>>, vector<8x2048xf32>,
    %while3A = arith.constant true
    %while3A_38 = scf.while (%while3A_96 = %while3A) : (i1) -> i1 {
      scf.condition(%while3A_96) %while3A_96 : i1
    } do {
    ^bb0(%while3A_96: i1):
      %get3A_97 = arith.constant 0 : index
      %get3A_98 = arith.constant 0 : index
      %get3A_99 = vector.load %arg10[%get3A_97, %get3A_98] : memref<8x2048xf32, #tpu.memory_space<vmem>>, vector<8x2048xf32>
      %convert_element_type3A_100 = arith.truncf %get3A_99 : vector<8x2048xf32> to vector<8x2048xbf16>
      %get3A_101 = arith.constant 0 : index
      %get3A_102 = arith.constant 0 : index
      %get3A_103 = vector.load %arg8[%get3A_101, %get3A_102] : memref<2048x2048xbf16, #tpu.memory_space<vmem>>, vector<2048x2048xbf16>
      %dot_general3A_104 = arith.constant dense<0.000000e+00> : vector<8x2048xf32>
      %dot_general3A_105 = tpu.matmul %convert_element_type3A_100, %get3A_103, %dot_general3A_104 {dimension_numbers = #tpu.dot_dimension_numbers<[1], [0], [0], [1], [0, 0, 1, 1], [], []>, transpose_lhs_hint = false} : vector<8x2048xbf16>, vector<2048x2048xbf16>, vector<8x2048xf32> -> vector<8x2048xf32>
      %eq3A = arith.constant 0.000000e+00 : f32
      %eq3A_106 = vector.broadcast %eq3A : f32 to vector<8x2048xf32>
      %eq3A_107 = arith.cmpf oeq, %dot_general3A_105, %eq3A_106 : vector<8x2048xf32>
      %convert_element_type3A_108 = arith.extui %eq3A_107 : vector<8x2048xi1> to vector<8x2048xi32>
      %convert_element_type3A_109 = arith.sitofp %convert_element_type3A_108 : vector<8x2048xi32> to vector<8x2048xf32>
      %convert_element_type3A_110 = arith.truncf %convert_element_type3A_109 : vector<8x2048xf32> to vector<8x2048xbf16>
      %get3A_111 = arith.constant 0 : index
      %get3A_112 = arith.constant 0 : index
      %get3A_113 = vector.load %arg8[%get3A_111, %get3A_112] : memref<2048x2048xbf16, #tpu.memory_space<vmem>>, vector<2048x2048xbf16>
      %dot_general3A_114 = arith.constant dense<0.000000e+00> : vector<8x2048xf32>
      %dot_general3A_115 = tpu.matmul %convert_element_type3A_110, %get3A_113, %dot_general3A_114 {dimension_numbers = #tpu.dot_dimension_numbers<[1], [0], [0], [1], [0, 0, 1, 1], [], []>, transpose_lhs_hint = false} : vector<8x2048xbf16>, vector<2048x2048xbf16>, vector<8x2048xf32> -> vector<8x2048xf32>
      %eq3A_116 = arith.constant 0.000000e+00 : f32
      %eq3A_117 = vector.broadcast %eq3A_116 : f32 to vector<8x2048xf32>
      %eq3A_118 = arith.cmpf oeq, %dot_general3A_115, %eq3A_117 : vector<8x2048xf32>
      %convert_element_type3A_119 = arith.extui %eq3A_118 : vector<8x2048xi1> to vector<8x2048xi32>
      %convert_element_type3A_120 = arith.sitofp %convert_element_type3A_119 : vector<8x2048xi32> to vector<8x2048xf32>
      %swap3A_121 = arith.constant 0 : index
      %swap3A_122 = arith.constant 0 : index
      %swap3A_123 = vector.load %arg10[%swap3A_121, %swap3A_122] : memref<8x2048xf32, #tpu.memory_space<vmem>>, vector<8x2048xf32>
      tpu.vector_store %arg10[%swap3A_121, %swap3A_122], %convert_element_type3A_120 {strides = array<i32>} : memref<8x2048xf32, #tpu.memory_space<vmem>>, vector<8x2048xf32>,
      %ne3A = arith.cmpf one, %convert_element_type3A_120, %convert_element_type3A_109 : vector<8x2048xf32>
      %reduce_or3A = arith.constant 1.000000e+00 : f32
      %reduce_or3A_124 = arith.constant 0.000000e+00 : f32
      %reduce_or3A_125 = vector.broadcast %reduce_or3A : f32 to vector<8x2048xf32>
      %reduce_or3A_126 = vector.broadcast %reduce_or3A_124 : f32 to vector<8x2048xf32>
      %reduce_or3A_127 = arith.select %ne3A, %reduce_or3A_125, %reduce_or3A_126 : vector<8x2048xi1>, vector<8x2048xf32>
      %reduce_or3A_128 = vector.shape_cast %reduce_or3A_127 : vector<8x2048xf32> to vector<1x8x2048xf32>
      %reduce_or3A_129 = arith.constant dense<0xFF800000> : vector<1xf32>
      %reduce_or3A_130 = vector.multi_reduction <maximumf>, %reduce_or3A_128, %reduce_or3A_129 [1, 2] : vector<1x8x2048xf32> to vector<1xf32>
      %reduce_or3A_131 = vector.shape_cast %reduce_or3A_130 : vector<1xf32> to vector<1x1x1xf32>
      %reduce_or3A_132 = vector.extract %reduce_or3A_131[0, 0, 0] : f32 from vector<1x1x1xf32>
      %reduce_or3A_133 = arith.constant 0.000000e+00 : f32
      %reduce_or3A_134 = arith.cmpf ogt, %reduce_or3A_132, %reduce_or3A_133 : f32
      scf.yield %reduce_or3A_134 : i1
    }
    %get3A_39 = arith.constant 0 : index
    %get3A_40 = arith.constant 0 : index
    %get3A_41 = vector.load %arg10[%get3A_39, %get3A_40] : memref<8x2048xf32, #tpu.memory_space<vmem>>, vector<8x2048xf32>
    %lt3A = arith.constant 2000 : i32
    %lt3A_42 = vector.broadcast %lt3A : i32 to vector<8x2048xi32>
    %lt3A_43 = arith.cmpi slt, %iota3A_25, %lt3A_42 : vector<8x2048xi32>
    %convert_element_type3A = arith.extui %lt3A_43 : vector<8x2048xi1> to vector<8x2048xi32>
    %convert_element_type3A_44 = arith.sitofp %convert_element_type3A : vector<8x2048xi32> to vector<8x2048xf32>
    %mul3A_45 = arith.mulf %get3A_41, %convert_element_type3A_44 : vector<8x2048xf32>
    %sub3A_46 = arith.constant 1.000000e+00 : f32
    %sub3A_47 = vector.broadcast %sub3A_46 : f32 to vector<8x2048xf32>
    %sub3A_48 = arith.subf %sub3A_47, %get3A_41 : vector<8x2048xf32>
    %mul3A_49 = arith.mulf %sub3A_48, %convert_element_type3A_44 : vector<8x2048xf32>
    %get3A_50 = arith.constant 0 : index
    %get3A_51 = arith.constant 0 : index
    %get3A_52 = vector.load %arg9[%get3A_50, %get3A_51] : memref<2048x2048xbf16, #tpu.memory_space<vmem>>, vector<2048x2048xbf16>
    %convert_element_type3A_53 = arith.truncf %mul3A_45 : vector<8x2048xf32> to vector<8x2048xbf16>
    %dot_general3A = arith.constant dense<0.000000e+00> : vector<8x2048xf32>
    %dot_general3A_54 = tpu.matmul %convert_element_type3A_53, %get3A_52, %dot_general3A {dimension_numbers = #tpu.dot_dimension_numbers<[1], [0], [0], [1], [0, 0, 1, 1], [], []>, transpose_lhs_hint = false} : vector<8x2048xbf16>, vector<2048x2048xbf16>, vector<8x2048xf32> -> vector<8x2048xf32>
    %convert_element_type3A_55 = arith.truncf %mul3A_49 : vector<8x2048xf32> to vector<8x2048xbf16>
    %dot_general3A_56 = arith.constant dense<0.000000e+00> : vector<8x2048xf32>
    %dot_general3A_57 = tpu.matmul %convert_element_type3A_55, %get3A_52, %dot_general3A_56 {dimension_numbers = #tpu.dot_dimension_numbers<[1], [0], [0], [1], [0, 0, 1, 1], [], []>, transpose_lhs_hint = false} : vector<8x2048xbf16>, vector<2048x2048xbf16>, vector<8x2048xf32> -> vector<8x2048xf32>
    %slice3A = vector.extract_strided_slice %mul3A_45 {offsets = [0, 0], sizes = [1, 2048], strides = [1, 1]} : vector<8x2048xf32> to vector<1x2048xf32>
    %reduce_sum3A = vector.shape_cast %slice3A : vector<1x2048xf32> to vector<1x1x2048xf32>
    %reduce_sum3A_58 = arith.constant dense<0.000000e+00> : vector<1xf32>
    %reduce_sum3A_59 = vector.multi_reduction <add>, %reduce_sum3A, %reduce_sum3A_58 [1, 2] : vector<1x1x2048xf32> to vector<1xf32>
    %reduce_sum3A_60 = vector.shape_cast %reduce_sum3A_59 : vector<1xf32> to vector<1x1x1xf32>
    %reduce_sum3A_61 = vector.extract %reduce_sum3A_60[0, 0, 0] : f32 from vector<1x1x1xf32>
    %broadcast_in_dim3A_62 = vector.broadcast %reduce_sum3A_61 : f32 to vector<1x1xf32>
    %slice3A_63 = vector.extract_strided_slice %mul3A_45 {offsets = [0, 0], sizes = [1, 2048], strides = [1, 1]} : vector<8x2048xf32> to vector<1x2048xf32>
    %gt3A = arith.constant 0.000000e+00 : f32
    %gt3A_64 = vector.broadcast %gt3A : f32 to vector<1x2048xf32>
    %gt3A_65 = arith.cmpf ogt, %slice3A_63, %gt3A_64 : vector<1x2048xf32>
    %slice3A_66 = vector.extract_strided_slice %dot_general3A_54 {offsets = [0, 0], sizes = [1, 2048], strides = [1, 1]} : vector<8x2048xf32> to vector<1x2048xf32>
    %slice3A_67 = vector.extract_strided_slice %dot_general3A_57 {offsets = [0, 0], sizes = [1, 2048], strides = [1, 1]} : vector<8x2048xf32> to vector<1x2048xf32>
    %add3A = vector.broadcast %broadcast_in_dim3A_62 : vector<1x1xf32> to vector<1x2048xf32>
    %add3A_68 = arith.addf %add3A, %slice3A_67 : vector<1x2048xf32>
    %select_n3A = arith.select %gt3A_65, %slice3A_66, %add3A_68 : vector<1x2048xi1>, vector<1x2048xf32>
    %squeeze3A = vector.shape_cast %select_n3A : vector<1x2048xf32> to vector<2048xf32>
    %convert_element_type3A_69 = arith.fptosi %squeeze3A : vector<2048xf32> to vector<2048xi32>
    %swap3A_70 = arith.constant 0 : index
    %swap3A_71 = arith.constant 0 : index
    %swap3A_72 = arith.constant 0 : index
    %swap3A_73 = vector.load %arg6[%swap3A_70, %swap3A_71, %swap3A_72] : memref<1x1x2048xi32, #tpu.memory_space<vmem>>, vector<1x1x2048xi32>
    %swap3A_74 = vector.shape_cast %swap3A_73 : vector<1x1x2048xi32> to vector<2048xi32>
    %swap3A_75 = vector.shape_cast %convert_element_type3A_69 : vector<2048xi32> to vector<1x1x2048xi32>
    tpu.vector_store %arg6[%swap3A_70, %swap3A_71, %swap3A_72], %swap3A_75 {strides = array<i32>} : memref<1x1x2048xi32, #tpu.memory_space<vmem>>, vector<1x1x2048xi32>,
    %lt3A_76 = arith.constant 0 : i32
    %lt3A_77 = vector.broadcast %lt3A_76 : i32 to vector<1x2048xi32>
    %lt3A_78 = arith.cmpi slt, %get3A_3, %lt3A_77 : vector<1x2048xi32>
    %xor3A = arith.constant 2147483647 : i32
    %xor3A_79 = vector.broadcast %xor3A : i32 to vector<1x2048xi32>
    %xor3A_80 = arith.xori %get3A_3, %xor3A_79 : vector<1x2048xi32>
    %select_n3A_81 = arith.select %lt3A_78, %xor3A_80, %get3A_3 : vector<1x2048xi1>, vector<1x2048xi32>
    %bitcast_convert_type3A_82 = tpu.bitcast %select_n3A_81 : vector<1x2048xi32> -> vector<1x2048xf32>
    %slice3A_83 = vector.extract_strided_slice %mul3A_45 {offsets = [0, 0], sizes = [1, 2048], strides = [1, 1]} : vector<8x2048xf32> to vector<1x2048xf32>
    %gt3A_84 = arith.constant 0.000000e+00 : f32
    %gt3A_85 = vector.broadcast %gt3A_84 : f32 to vector<1x2048xf32>
    %gt3A_86 = arith.cmpf ogt, %slice3A_83, %gt3A_85 : vector<1x2048xf32>
    %jit3A = arith.constant -1.000000e+09 : f32
    %broadcast_in_dim3A_87 = vector.broadcast %jit3A : f32 to vector<1x2048xf32>
    %select_n3A_88 = arith.select %gt3A_86, %bitcast_convert_type3A_82, %broadcast_in_dim3A_87 : vector<1x2048xi1>, vector<1x2048xf32>
    %squeeze3A_89 = vector.shape_cast %select_n3A_88 : vector<1x2048xf32> to vector<2048xf32>
    %swap3A_90 = arith.constant 0 : index
    %swap3A_91 = arith.constant 0 : index
    %swap3A_92 = arith.constant 0 : index
    %swap3A_93 = vector.load %arg7[%swap3A_90, %swap3A_91, %swap3A_92] : memref<1x1x2048xf32, #tpu.memory_space<vmem>>, vector<1x1x2048xf32>
    %swap3A_94 = vector.shape_cast %swap3A_93 : vector<1x1x2048xf32> to vector<2048xf32>
    %swap3A_95 = vector.shape_cast %squeeze3A_89 : vector<2048xf32> to vector<1x1x2048xf32>
    tpu.vector_store %arg7[%swap3A_90, %swap3A_91, %swap3A_92], %swap3A_95 {strides = array<i32>} : memref<1x1x2048xf32, #tpu.memory_space<vmem>>, vector<1x1x2048xf32>,
    return
  }
  func.func @transform_0(%arg0: i32) -> (i32, i32, i32) {
    %c0_i32 = arith.constant 0 : i32
    %c0_i32_0 = arith.constant 0 : i32
    %c0_i32_1 = arith.constant 0 : i32
    return %arg0, %c0_i32, %c0_i32_0 : i32, i32, i32
  }
  func.func @transform_1(%arg0: i32) -> (i32, i32, i32) {
    %c0_i32 = arith.constant 0 : i32
    %c0_i32_0 = arith.constant 0 : i32
    %c0_i32_1 = arith.constant 0 : i32
    return %arg0, %c0_i32, %c0_i32_0 : i32, i32, i32
  }
  func.func @transform_2(%arg0: i32) -> (i32, i32, i32) {
    %c0_i32 = arith.constant 0 : i32
    %c0_i32_0 = arith.constant 0 : i32
    %c0_i32_1 = arith.constant 0 : i32
    return %arg0, %c0_i32, %c0_i32_0 : i32, i32, i32
  }
  func.func @transform_3(%arg0: i32) -> (i32, i32, i32) {
    %c0_i32 = arith.constant 0 : i32
    %c0_i32_0 = arith.constant 0 : i32
    %c0_i32_1 = arith.constant 0 : i32
    return %arg0, %c0_i32, %c0_i32_0 : i32, i32, i32
  }
  func.func @transform_4(%arg0: i32) -> (i32, i32, i32) {
    %c0_i32 = arith.constant 0 : i32
    %c0_i32_0 = arith.constant 0 : i32
    %c0_i32_1 = arith.constant 0 : i32
    return %arg0, %c0_i32, %c0_i32_0 : i32, i32, i32
  }
  func.func @transform_5(%arg0: i32) -> (i32, i32, i32) {
    %c0_i32 = arith.constant 0 : i32
    %c0_i32_0 = arith.constant 0 : i32
    %c0_i32_1 = arith.constant 0 : i32
    return %arg0, %c0_i32, %c0_i32_0 : i32, i32, i32
  }
  func.func @transform_6(%arg0: i32) -> (i32, i32, i32) {
    %c0_i32 = arith.constant 0 : i32
    %c0_i32_0 = arith.constant 0 : i32
    %c0_i32_1 = arith.constant 0 : i32
    return %arg0, %c0_i32, %c0_i32_0 : i32, i32, i32
  }
}

</mosaic_0001>

<sc_bundles>
// kernel: kernel.6.cloned.1.call-start
scs
__scs_entry_jumppad:
0x0: {  	(pc) =	sbr.rel $0x88, $3  }
0x1: {  	(tag) =	ssettag $0x0;
	lr =	simm.s32 $0x1  }
0x2: {  	[smem:$0x3F9A] =	sst lr;
	_ =	strace $0xD0000000  }
0x3: {  	_ = 	snop  }
0x4: {  	_ = 	snop  }
0x5: {  	_ = 	snop  }
0x6: {  	_ = 	snop  }
0x7: {  	_ = 	snop  }
__scs_overlays_trampoline_lowered:
0x8: {  	[smem:$0x3FA9] =	sst s0  }
0x9: {  	[smem:$0x3FAA] =	sst s1  }
0xa: {  	[smem:$0x3FAB] =	sst s2  }
0xb: {  	[smem:$0x3FAC] =	sst s3  }
0xc: {  	[smem:$0x3FAD] =	sst s4  }
0xd: {  	[smem:$0x3FAE] =	sst s5  }
0xe: {  	[smem:$0x3FAF] =	sst s6  }
0xf: {  	[smem:$0x3FB0] =	sst s7  }
0x10: {  	[smem:$0x3FB1] =	sst s8  }
0x11: {  	[smem:$0x3FB2] =	sst s9;
	s0 =	simm.s32 @!p0 $0x0  }
0x12: {  	s1 =	sld [smem:$0x3F98];
	s0 =	simm.s32 @p0 $0x1  }
0x13: {  	[smem:$0x3FB3] =	sst s0;
	s0 =	simm.s32 @!p1 $0x0  }
0x14: {  	s2 =	sld [smem:$0x3F97];
	s0 =	simm.s32 @p1 $0x1  }
0x15: {  	[smem:$0x3FB4] =	sst s0;
	s0 =	simm.s32 @!p2 $0x0  }
0x16: {  	s3 =	sld [smem:$0x3FDB];
	s0 =	simm.s32 @p2 $0x1  }
0x17: {  	s4 =	simm.s32 $0x1BF5;
	[smem:$0x3FB6] =	sst s0  }
0x18: {  	s0 =	sld [smem:$0x3F99];
	_ =	swait.ge [sflag:s4], $0x0  }
0x19: {  	s7 =	sld [smem:$0x3F9A]  }
0x1a: {  	s8 =	sadd.s32 $0xFFFFE003, lr  }
0x1b: {  	s9 =	sadd.s32 $0xFFFFFEF7, lr;
	s5 =	simm.s32 $0xFFFFFFFF;
	p2 =	slt.u32 s8, $0xFFFFF086  }
0x1c: {  	p1 =	slt.u32 s9, $0xF7A;
	s5 =	simm.s32 @!p2 $0x0  }
0x1d: {  	s5 =	simm.s32 @p1 $0x1;
	p0 =	seq.s32 s7, s2  }
0x1e: {  	s7 =	smul.u32 @!p0 $0xF7A, s2;
	p2 =	seq.s32 @!p0 s5, $0x0  }
0x1f: {  	s9 =	smul.u32 $0xF7A, s1;
	s8 =	simm.s32 @!p0 $0x1BF5;
	p2 =	por !p2, p0  }
0x20: {  	[sflag:s8] =	ssyncset.s32 @!p0 $0xFFFFF086;
	s6 =	sadd.s32 @!p0 s3, s7;
	s7 =	simm.s32 @!p0 $0x108  }
0x21: {  	s3 =	sadd.s32 s3, s9;
	s6 =	sadd.s32 @!p0 $0x88, s6;
	s7 =	simm.s32 @p2 $0x1082  }
0x22: {  	[simem:s7], [sflag:s8] =	dma.local @!p0 [hbm:s6], $0xF7A  }
0x23: {  	s9 =	sor.u32 $0xD0000000, s2;
	s6 =	simm.s32 $0x108;
	_ =	swait.ge @!p0 [sflag:s8], $0x0  }
0x24: {  	s3 =	sadd.s32 $0x88, s3;
	s6 =	simm.s32 @!p1 $0x1082;
	[sflag:s4] =	ssyncset.s32 $0xFFFFF086  }
0x25: {  	[simem:s6], [sflag:s4] =	dma.local [hbm:s3], $0xF7A  }
0x26: {  	[smem:$0x3F9A] =	sst s1;
	(tag) =	ssettag s2;
	_ =	strace s9  }
0x27: {  	s1 =	sld [smem:$0x3FAA]  }
0x28: {  	s2 =	sld [smem:$0x3FAB]  }
0x29: {  	s4 =	sld [smem:$0x3FAD]  }
0x2a: {  	p0 =	seq.s32 s5, $0x0;
	s5 =	sld [smem:$0x3FAE]  }
0x2b: {  	s6 =	sld [smem:$0x3FAF]  }
0x2c: {  	s7 =	sld [smem:$0x3FB0]  }
0x2d: {  	s3 =	simm.s32 $0x108;
	s8 =	sld [smem:$0x3FB1]  }
0x2e: {  	s3 =	simm.s32 @!p0 $0x1082;
	s9 =	sld [smem:$0x3FB2]  }
0x2f: {  	lr =	sadd.s32 s0, s3;
	s0 =	sld [smem:$0x3FA9]  }
0x30: {  	s3 =	sld [smem:$0x3FAC]  }
0x31: {  	[smem:$0x3FB5] =	sst s10  }
0x32: {  	s10 =	sld [smem:$0x3FB3];
	_ =	sdelay $0x3  }
0x33: {  	p0 =	seq.s32 s10, $0x1;
	s10 =	sld [smem:$0x3FB5];
	_ =	sdelay $0x3  }
0x34: {  	[smem:$0x3FB5] =	sst s10  }
0x35: {  	s10 =	sld [smem:$0x3FB4];
	_ =	sdelay $0x3  }
0x36: {  	p1 =	seq.s32 s10, $0x1;
	s10 =	sld [smem:$0x3FB5];
	_ =	sdelay $0x3  }
0x37: {  	[smem:$0x3FB5] =	sst s10  }
0x38: {  	s10 =	sld [smem:$0x3FB6]  }
0x39: {  	_ = 	snop;
	(pc) =	sbr.ind lr, $3  }
0x3a: {  	_ = 	snop  }
0x3b: {  	_ = 	snop  }
0x3c: {  	p2 =	seq.s32 s10, $0x1;
	s10 =	sld [smem:$0x3FB5]  }
0x3d: {  	_ =	shalt  }
0x3e: {  	_ =	shalt  }
0x3f: {  	_ =	shalt  }
0x40: {  	_ =	shalt  }
0x41: {  	_ =	shalt  }
0x42: {  	_ =	shalt  }
0x43: {  	_ =	shalt  }
0x44: {  	_ =	shalt  }
0x45: {  	_ =	shalt  }
0x46: {  	_ =	shalt  }
0x47: {  	_ =	shalt  }
0x48: {  	_ =	shalt  }
0x49: {  	_ =	shalt  }
0x4a: {  	_ =	shalt  }
0x4b: {  	_ =	shalt  }
0x4c: {  	_ =	shalt  }
0x4d: {  	_ =	shalt  }
0x4e: {  	_ =	shalt  }
0x4f: {  	_ =	shalt  }
0x50: {  	_ =	shalt  }
0x51: {  	_ =	shalt  }
0x52: {  	_ =	shalt  }
0x53: {  	_ =	shalt  }
0x54: {  	_ =	shalt  }
0x55: {  	_ =	shalt  }
0x56: {  	_ =	shalt  }
0x57: {  	_ =	shalt  }
0x58: {  	_ =	shalt  }
0x59: {  	_ =	shalt  }
0x5a: {  	_ =	shalt  }
0x5b: {  	_ =	shalt  }
0x5c: {  	_ =	shalt  }
0x5d: {  	_ =	shalt  }
0x5e: {  	_ =	shalt  }
0x5f: {  	_ =	shalt  }
0x60: {  	_ =	shalt  }
0x61: {  	_ =	shalt  }
0x62: {  	_ =	shalt  }
0x63: {  	_ =	shalt  }
0x64: {  	_ =	shalt  }
0x65: {  	_ =	shalt  }
0x66: {  	_ =	shalt  }
0x67: {  	_ =	shalt  }
0x68: {  	_ =	shalt  }
0x69: {  	_ =	shalt  }
0x6a: {  	_ =	shalt  }
0x6b: {  	_ =	shalt  }
0x6c: {  	_ =	shalt  }
0x6d: {  	_ =	shalt  }
0x6e: {  	_ =	shalt  }
0x6f: {  	_ =	shalt  }
0x70: {  	_ =	shalt  }
0x71: {  	_ =	shalt  }
0x72: {  	_ =	shalt  }
0x73: {  	_ =	shalt  }
0x74: {  	_ =	shalt  }
0x75: {  	_ =	shalt  }
0x76: {  	_ =	shalt  }
0x77: {  	_ =	shalt  }
0x78: {  	_ =	shalt  }
0x79: {  	_ =	shalt  }
0x7a: {  	_ =	shalt  }
0x7b: {  	_ =	shalt  }
0x7c: {  	_ =	shalt  }
0x7d: {  	_ =	shalt  }
0x7e: {  	_ =	shalt  }
0x7f: {  	_ =	shalt  }
0x80: {  	_ =	shalt  }
0x81: {  	_ =	shalt  }
0x82: {  	_ =	shalt  }
0x83: {  	_ =	shalt  }
0x84: {  	_ =	shalt  }
0x85: {  	_ =	shalt  }
0x86: {  	_ =	shalt  }
0x87: {  	_ =	shalt  }
.Lfunc_end0:
.L_simem_size_0:
called_computation_lowered:
.L_overlay_start_0:
0x88: {  	s2 =	sld [smem:$0x3FD9]  }
0x89: {  	s3 =	sld [smem:$0x3FFE];
	_ =	sdelay $0x1  }
0x8a: {  	s1 =	srdreg.scid  }
0x8b: {  	s0 =	sand.u32 $0x1, s1  }
0x8c: {  	s17 =	sshll.u32 s0, $0xA;
	s2 =	sadd.s32 s3, s2  }
0x8d: {  	s2 =	sadd.s32 s2, s17  }
0x8e: {  	[smem:$0x3FC1] =	sst s2  }
0x8f: {  	_ = 	snop  }
0x90: {  	s2 =	sld [smem:$0x3FD0];
	(tm) =	ssettm $0x1  }
0x91: {  	s18 =	sld [smem:$0x3FFB];
	_ =	sdelay $0x3  }
0x92: {  	_ =	strace s18  }
0x93: {  	s3 =	sld [smem:$0x3FFC];
	_ =	sdelay $0x3  }
0x94: {  	_ =	strace s3  }
0x95: {  	s3 =	sld [smem:$0x3FFD];
	_ =	sdelay $0x3  }
0x96: {  	_ =	strace s3  }
0x97: {  	_ =	strace $0x8FFFFFFF  }
0x98: {  	s19 =	sld [smem:$0x3FDB];
	_ =	sdelay $0x1  }
0x99: {  	s4 =	simm.s32 $_scs_section_size  }
0x9a: {  	s5 =	simm.s32 $_size__tile_overlayer_lowered;
	s6 =	simm.s32 $_tile_overlayer_lowered  }
0x9b: {  	s22 =	simm.s32 $0x1BFF;
	s21 =	sshll.u32 s6, $0x1;
	s3 =	sadd.s32 s4, s19  }
0x9c: {  	s7 =	simm.s32 $0x0;
	s20 =	sshll.u32 s5, $0x1;
	s5 =	sadd.s32 s21, s3  }
0x9d: {  	[timem:s7], [sflag:s22] =	dma.local [hbm:s5], s20  }
0x9e: {  	_ =	swait.ge [sflag:s22], s20  }
0x9f: {  	s4 =	ssub.s32 $0x0, s20;
	[sflag:s22] =	ssyncset.done $0x0  }
0xa0: {  	[sflag:s22] =	ssyncadd.s32 s4;
	_ =	sdelay $0x1  }
0xa1: {  	s23 =	simm.s32 $0x1B8B  }
0xa2: {  	_ =	swait.ge [sflag:s23], $0x1  }
0xa3: {  	[sflag:s23] =	ssyncset.done $0x0  }
0xa4: {  	s25 =	simm.s32 $0x1B8E;
	s24 =	sld [smem:$0x3FFE];
	[sflag:s23] =	ssyncadd.s32 $0xFFFFFFFF  }
0xa5: {  	s26 =	simm.s32 $execute0_lowered;
	[smem:$0x3FD2] =	sst s25  }
0xa6: {  	s5 =	sshll.u32 s26, $0x1;
	_ =	strace $0x80000046;
	[dreg:$0x1] =	wrdreg $0xFFFFFFFF  }
0xa7: {  	s28 =	simm.s32 $_size_execute0_lowered;
	s3 =	sadd.s32 s3, s5;
	[dreg:$0x0] =	wrdreg $0x0  }
0xa8: {  	s5 =	sshll.u32 s28, $0x1;
	[dreg:$0x2] =	wrdreg s3  }
0xa9: {  	[dreg:$0x3] =	wrdreg s5  }
0xaa: {  	[dreg:$0x4] =	wrdreg $0xC0  }
0xab: {  	_ =	task [dreg:s7], $0x5FFFF  }
0xac: {  	[dreg:$0x1] =	wrdreg $0xFFFFFFFF  }
0xad: {  	[dreg:$0x0] =	wrdreg $0x60  }
0xae: {  	[dreg:$0x2] =	wrdreg s24  }
0xaf: {  	[dreg:$0x3] =	wrdreg s2  }
0xb0: {  	[dreg:$0x4] =	wrdreg $0x9  }
0xb1: {  	_ =	task.clear_ibuf [dreg:s7], $0x5FFFF;
	_ =	strace $0x90000046  }
0xb2: {  	s29 =	simm.s32 $0x9;
	_ =	strace $0x80000048  }
0xb3: {  	_ =	swait.ge [sflag:s29], $0x1  }
0xb4: {  	[sflag:s29] =	ssyncadd.s32 $0xFFFFFFFF  }
0xb5: {  	_ =	strace $0x90000048  }
0xb6: {  	_ =	sfence  }
0xb7: {  	s30 =	sld [smem:$0x0];
	_ =	sdelay $0x2  }
0xb8: {  	s31 =	sshll.u32 s1, $0xD;
	s1 =	sshrl.u32 s1, $0x2  }
0xb9: {  	s3 =	sand.u32 $0x4000, s31;
	s1 =	sadd.s32 s1, s30  }
0xba: {  	s0 =	sor.u32 s3, s0;
	s1 =	sshll.u32 s1, $0x11  }
0xbb: {  	s0 =	sor.u32 s1, s0  }
0xbc: {  	s0 =	sadd.s32 $0x8F2B, s0  }
0xbd: {  	[sflag:s0] =	ssyncadd.remote.s32 $0x1  }
0xbe: {  	_ =	sfence.sel $0xFFFF  }
0xbf: {  	[dreg:$0x0] =	wrdreg $0xFFFFFFFF;
	(pc) =	sbr.abs _section_cstart, $3  }
0xc0: {  	[dreg:$0x1] =	wrdreg $0xFFFFFFFF  }
0xc1: {  	_ =	task.clear_ibuf [dreg:s7], $0x2FFFF;
	_ =	strace $0x9FFFFFFF  }
0xc2: {  	(tm) =	ssettm $0x7FFFFFFF  }
0xc3: {  	_ =	shalt  }
tec
execute0_lowered:
.L_overlay_start_1:
0x0: {  	(tag) =	ssettag $0x1  }
0x1: {  	s2 =	stileid.u32  }
0x2: {  	p0 =	sne.s32 s2, $0x0  }
.Ltmp0:
0x3: {  	_ = 	snop;
	(pc) =	sbr.rel @p0 .LBB2_7-.Ltmp0, $4  }
0x4: {  	_ = 	snop  }
0x5: {  	s1 =	rddreg [dreg:$0x0];
	s14 =	simm.s32 $0x0  }
0x6: {  	[smem:$0x7FF] =	sst s14  }
0x7: {  	s0 =	rddreg [dreg:$0x1];
	_ =	strace $0x80000047  }
0x8: {  	s2 =	srdreg.scid  }
0x9: {  	s2 =	sand.u32 $0x1, s2  }
0xa: {  	s3 =	sshll.u32 s2, $0x4  }
0xb: {  	s20 =	sadd.s32 $0x3600, s1;
	s0 =	sadd.s32 s0, s3  }
0xc: {  	s4 =	sadd.s32 s3, s1;
	s1 =	sadd.s32 s20, s3;
	[dreg:$0xc] =	wrdreg s0  }
0xd: {  	s5 =	sadd.s32 $0x2200, s4;
	[dreg:$0x11] =	wrdreg s1  }
0xe: {  	s29 =	simm.s32 $0x4680;
	s21 =	sadd.s32 $0x2800, s4;
	[dreg:$0x7] =	wrdreg s5  }
0xf: {  	s26 =	ssub.s32 $0x2, s2;
	s22 =	sadd.s32 $0x2E00, s4;
	[dreg:$0x8] =	wrdreg s21  }
0x10: {  	s2 =	simm.s32 $0x80;
	s23 =	sadd.s32 $0x1C00, s4;
	[dreg:$0x9] =	wrdreg s22  }
0x11: {  	v0 =	vimm.s32 $0x80000000;
	v1 =	vimm.f32 $0.0e+00;
	s31 =	sshrl.u32 s26, $0x1;
	s24 =	sadd.s32 $0x3400, s4;
	[dreg:$0xa] =	wrdreg s23  }
0x12: {  	v4 =	vimm.s32 $0xECA86420;
	v2 =	vlaneseq.u32;
	v3 =	vimm.s32 $0x0;
	s3 =	simm.s32 $0x100;
	s25 =	sadd.s32 $0x3C00, s4;
	[dreg:$0xb] =	wrdreg s24  }
0x13: {  	vm0 =	vcmask $0xB08;
	vm1 =	vcmask $0x1310;
	vm2 =	vcmask $0x1B18;
	s28 =	sadd.s32 $0x3E00, s4;
	s30 =	sadd.s32 $0x4000, s4;
	[dreg:$0xd] =	wrdreg s25  }
0x14: {  	vm4 =	vcmask $0x300;
	vm5 =	vcmask $0x2320;
	vm6 =	vcmask $0x2B28;
	s4 =	sadd.s32 $0x4200, s4;
	s0 =	ssub.s32 s26, s31;
	[dreg:$0xe] =	wrdreg s28  }
0x15: {  	vm7 =	vcmask $0x3330;
	vm8 =	vcmask $0x3B38;
	v4 =	vunpack.c.l.s4.s8 v4;
	s26 =	simm.s32 $0x2F00;
	s1 =	simm.s32 $0x0;
	[dreg:$0xf] =	wrdreg s30  }
0x16: {  	vm13 =	vmmov $0xff;
	vm14 =	vcmask $0xF0C;
	vm3 =	vcmask $0x2724;
	[dreg:$0x10] =	wrdreg s4;
	s0 =	smax.u32 s0, $0x1;
	s4 =	simm.s32 $0x1  }
0x17: {  	vm15 =	vcmask $0x704;
	v5 =	vmul.u32 $0x2, v2;
	v4 =	vunpack.c.0.s8.s32 v4;
	s25 =	simm.s32 $0x1780;
	s5 =	simm.s32 $0x5E00;
	[dreg:$0x12] =	wrdreg s0  }
.LBB2_2:
0x18: {  	[dreg:$0x13] =	wrdreg s1  }
0x19: {  	s0 =	simm.s32 $0x0;
	s21 =	rddreg [dreg:$0x11]  }
0x1a: {  	[tilespmem:s0], [sflag:$0x1] =	stream.strided.gather [hbm4b:s21+s2], $0x1780, s3, s2, $0x38;
	[tilespmem:$0xA180] =	vst v63  }
0x1b: {  	_ =	swait.ge [sflag:s4], $0x1780  }
0x1c: {  	[sflag:s4] =	ssyncset.done $0x0  }
0x1d: {  	s22 =	rddreg [dreg:$0x7];
	[sflag:s4] =	ssyncadd.s32 $0xFFFFE880  }
0x1e: {  	[tilespmem:s25], [sflag:$0x1] =	stream.strided.gather [hbm4b:s22+s2], $0x1780, s3, s2, $0x38;
	[tilespmem:$0xA180] =	vst v63  }
0x1f: {  	_ =	swait.ge [sflag:s4], $0x1780  }
0x20: {  	[sflag:s4] =	ssyncset.done $0x0  }
0x21: {  	s23 =	rddreg [dreg:$0x8];
	[sflag:s4] =	ssyncadd.s32 $0xFFFFE880  }
0x22: {  	[tilespmem:s26], [sflag:$0x1] =	stream.strided.gather [hbm4b:s23+s2], $0x1780, s3, s2, $0x38;
	[tilespmem:$0xA180] =	vst v63  }
0x23: {  	_ =	swait.ge [sflag:s4], $0x1780  }
0x24: {  	[sflag:s4] =	ssyncset.done $0x0  }
0x25: {  	s24 =	rddreg [dreg:$0x9];
	[sflag:s4] =	ssyncadd.s32 $0xFFFFE880  }
0x26: {  	[tilespmem:s29], [sflag:$0x1] =	stream.strided.gather [hbm4b:s24+s2], $0x1780, s3, s2, $0x38;
	[tilespmem:$0xA180] =	vst v63  }
0x27: {  	_ =	swait.ge [sflag:s4], $0x1780  }
0x28: {  	[sflag:s4] =	ssyncset.done $0x0  }
0x29: {  	s28 =	rddreg [dreg:$0xa];
	[sflag:s4] =	ssyncadd.s32 $0xFFFFE880  }
0x2a: {  	[tilespmem:s5], [sflag:$0x1] =	stream.strided.gather [hbm4b:s28+s2], $0x1780, s3, s2, $0x38;
	[tilespmem:$0xA180] =	vst v63  }
0x2b: {  	_ =	swait.ge [sflag:s4], $0x1780  }
0x2c: {  	[sflag:s4] =	ssyncset.done $0x0  }
0x2d: {  	s31 =	simm.s32 $0x7580;
	s30 =	rddreg [dreg:$0xb];
	[sflag:s4] =	ssyncadd.s32 $0xFFFFE880  }
0x2e: {  	[tilespmem:s31], [sflag:$0x1] =	stream.strided.gather [hbm4b:s30+s2], $0x400, s3, s2, $0x38;
	[tilespmem:$0xA180] =	vst v63  }
0x2f: {  	_ =	swait.ge [sflag:s4], $0x400  }
0x30: {  	[sflag:s4] =	ssyncset.done $0x0  }
0x31: {  	[sflag:s4] =	ssyncadd.s32 $0xFFFFFC00  }
0x32: {  	s1 =	simm.s32 $0x40;
	vm12 =	vcmask $0x1714;
	vm11 =	vcmask $0x2F2C;
	s0 =	simm.s32 $0x0;
	v6 =	vld [tilespmem:$0x7580]  }
.LBB2_3:
0x33: {  	p1 =	seq.s32 s1, $0x1FC0;
	[tilespmem:s0+$0x9980] =	vst v1;
	s2 =	smov.u32 s1;
	s1 =	sadd.s32 $0x40, s1  }
.Ltmp1:
0x34: {  	[tilespmem:s0+$0x9180] =	vst v1;
	(pc) =	sbr.rel @!p1 .LBB2_3-.Ltmp1, $4  }
0x35: {  	[tilespmem:s0+$0x8980] =	vst v1  }
0x36: {  	[tilespmem:s0+$0x7980] =	vst v0  }
0x37: {  	[tilespmem:s0+$0x8180] =	vst v1  }
0x38: {  	s0 =	sshra.s32 s2, $0x2  }
0x39: {  	(v2sf) =	vpush v6, $0x1;
	_ =	sdelay $0x3  }
0x3a: {  	s22 =	simm.s32 $0x0  }
0x3b: {  	v10 =	vor.u32 s22, v2  }
0x3c: {  	v8 =	vmulhi.u32 $0xAAAAAAAB, v10;
	_ =	sdelay $0x1  }
0x3d: {  	v8 =	vshrl.u32 v8, $0x1  }
0x3e: {  	v9 =	vmul.u32 $0xFFFFFFFD, v8  }
0x3f: {  	v11 =	vmov s22;
	v12 =	vsub.s32 $0x0, v10  }
0x40: {  	vm9 =	veq.s32 v11, v2;
	vm10 =	vne.s32 v9, v12  }
0x41: {  	vm9 =	vmand vm9, vm10  }
0x42: {  	v9 =	vsel vm9, $0xFFFFFFFF, v3  }
0x43: {  	v11 =	vadd.s32 v9, v8  }
0x44: {  	s23 =	spop (v2sf);
	(v2sf) =	vpush v11, $0x1  }
0x45: {  	(v2sf) =	vpush v11, $0x0;
	_ =	sdelay $0x1  }
0x46: {  	(v2sf) =	vpush v11, $0x7;
	_ =	sdelay $0x2  }
0x47: {  	(v2sf) =	vpush v11, $0x2  }
0x48: {  	(v2sf) =	vpush v11, $0xA  }
0x49: {  	(v2sf) =	vpush v11, $0x3  }
0x4a: {  	(v2sf) =	vpush v11, $0x4  }
0x4b: {  	(v2sf) =	vpush v11, $0xF  }
0x4c: {  	(v2sf) =	vpush v11, $0xC  }
0x4d: {  	[tilespmem:s0+$0x9980] =	vst v1  }
0x4e: {  	[tilespmem:s0+$0x9180] =	vst v1  }
0x4f: {  	[tilespmem:s0+$0x8980] =	vst v1  }
0x50: {  	[tilespmem:s0+$0x7980] =	vst v0;
	s24 =	spop (v2sf)  }
0x51: {  	[tilespmem:s0+$0x8180] =	vst v1;
	s0 =	ssub.s32 $0x7D0, s23;
	(v2sf) =	vpush v11, $0x5;
	s4 =	spop (v2sf);
	s7 =	smulhi.u32 $0x51EB851F, s24  }
0x52: {  	v7 =	vmov s0;
	(v2sf) =	vpush v11, $0x8;
	s0 =	sshra.s32 s24, $0x1F;
	s15 =	smulhi.u32 $0x51EB851F, s4  }
0x53: {  	s1 =	spop (v2sf);
	s20 =	smul.u32 $0x51EB851F, s0  }
0x54: {  	s4 =	sshra.s32 s4, $0x1F;
	s13 =	smulhi.u32 $0x51EB851F, s1  }
0x55: {  	s1 =	sshra.s32 s1, $0x1F;
	s4 =	smul.u32 $0x51EB851F, s4  }
0x56: {  	(v2sf) =	vpush v11, $0x9;
	s11 =	spop (v2sf);
	s16 =	smul.u32 $0x51EB851F, s1  }
0x57: {  	s2 =	spop (v2sf);
	s19 =	smulhi.u32 $0x51EB851F, s11  }
0x58: {  	s6 =	spop (v2sf);
	s3 =	sshra.s32 s2, $0x1F;
	s2 =	smulhi.u32 $0x51EB851F, s2  }
0x59: {  	(v2sf) =	vpush v11, $0x6;
	s1 =	sadd.s32 s20, s7;
	s5 =	spop (v2sf);
	s9 =	smul.u32 $0x51EB851F, s3  }
0x5a: {  	(v2sf) =	vpush v11, $0xB;
	s12 =	sshra.s32 s6, $0x1F;
	s20 =	smulhi.u32 $0x51EB851F, s6;
	s8 =	spop (v2sf)  }
0x5b: {  	s3 =	sshra.s32 s11, $0x1F;
	s28 =	smul.u32 $0x51EB851F, s12;
	s17 =	spop (v2sf);
	(v2sf) =	vpush v11, $0xD  }
0x5c: {  	s0 =	smul.u32 $0x51EB851F, s3  }
0x5d: {  	s12 =	sshra.s32 s5, $0x1F;
	s5 =	smulhi.u32 $0x51EB851F, s5  }
0x5e: {  	s10 =	smulhi.u32 $0x51EB851F, s8  }
0x5f: {  	[dreg:$0x15] =	wrdreg s2;
	s12 =	smul.u32 $0x51EB851F, s12  }
0x60: {  	s2 =	sshra.s32 s8, $0x1F;
	s18 =	spop (v2sf);
	[dreg:$0x14] =	wrdreg s10  }
0x61: {  	s21 =	spop (v2sf);
	(v2sf) =	vpush v11, $0xE;
	s10 =	smul.u32 $0x51EB851F, s2  }
0x62: {  	s16 =	sadd.s32 s16, s13;
	s13 =	sshra.s32 s17, $0x1F;
	s2 =	smulhi.u32 $0x51EB851F, s17  }
0x63: {  	s13 =	smul.u32 $0x51EB851F, s13  }
0x64: {  	s0 =	sadd.s32 s0, s19;
	s6 =	sshra.s32 s18, $0x1F;
	s18 =	smulhi.u32 $0x51EB851F, s18  }
0x65: {  	s30 =	spop (v2sf);
	s19 =	sshra.s32 s21, $0x1F;
	s21 =	smulhi.u32 $0x51EB851F, s21  }
0x66: {  	s15 =	sadd.s32 s4, s15;
	s17 =	smulhi.u32 $0x51EB851F, s30;
	s7 =	sshra.s32 s30, $0x1F  }
0x67: {  	s11 =	simm.s32 $0x10;
	s3 =	sshra.s32 s16, $0x1F;
	s7 =	smul.u32 $0x51EB851F, s7  }
0x68: {  	s20 =	sadd.s32 s28, s20;
	s31 =	spop (v2sf);
	s19 =	smul.u32 $0x51EB851F, s19  }
0x69: {  	s2 =	sadd.s32 s13, s2;
	s8 =	spop (v2sf);
	s4 =	sadd.s32 s7, s17  }
0x6a: {  	s7 =	sadd.s32 s19, s21;
	s21 =	sshrl.u32 s15, $0x1F;
	s13 =	spop (v2sf)  }
0x6b: {  	s23 =	smulhi.u32 $0x51EB851F, s31;
	s28 =	sshra.s32 s31, $0x1F;
	v8 =	vmov s21;
	s30 =	sshra.s32 s13, $0x1F  }
0x6c: {  	v9 =	vmov s3;
	s31 =	sshra.s32 s15, $0x4;
	v8 =	vnsel vm4, $0x0, v8;
	s3 =	smul.u32 $0x51EB851F, s30;
	s30 =	sshrl.u32 s1, $0x1F  }
0x6d: {  	s5 =	sadd.s32 s12, s5;
	v9 =	vsel vm4, s31, v9;
	s15 =	sshra.s32 s15, $0x1F;
	v8 =	vsel vm0, s30, v8;
	s30 =	sshrl.u32 s0, $0x1F  }
0x6e: {  	s12 =	sshra.s32 s20, $0x1F;
	s6 =	smul.u32 $0x51EB851F, s6;
	v9 =	vsel vm15, s15, v9;
	s15 =	sshrl.u32 s20, $0x1F;
	v8 =	vsel vm1, s30, v8  }
0x6f: {  	s24 =	smulhi.u32 $0x51EB851F, s8;
	s31 =	sshra.s32 s2, $0x4;
	s21 =	sshra.s32 s1, $0x1F;
	v13 =	vsel vm2, s15, v8;
	v8 =	vor.u32 s11, v2  }
0x70: {  	s13 =	smulhi.u32 $0x51EB851F, s13;
	s17 =	spop (v2sf);
	s1 =	sshra.s32 s1, $0x4;
	v15 =	vmulhi.u32 $0xAAAAAAAB, v8  }
0x71: {  	v18 =	vmov s11;
	s2 =	sshrl.u32 s2, $0x1F;
	s19 =	sshra.s32 s17, $0x1F;
	s17 =	smulhi.u32 $0x51EB851F, s17;
	v9 =	vsel vm0, s1, v9  }
0x72: {  	vm9 =	veq.s32 v18, v2;
	s1 =	sshra.s32 s7, $0x4;
	s19 =	smul.u32 $0x51EB851F, s19;
	v9 =	vsel vm14, s21, v9;
	s21 =	rddreg [dreg:$0x15];
	v15 =	vshrl.u32 v15, $0x1  }
0x73: {  	v16 =	vmov s2;
	s30 =	sshra.s32 s0, $0x4;
	v14 =	vmov s1;
	s15 =	sshra.s32 s4, $0x4;
	s1 =	sadd.s32 s9, s21;
	v17 =	vmul.u32 $0xFFFFFFFD, v15  }
0x74: {  	s3 =	sadd.s32 s3, s13;
	s0 =	sshra.s32 s0, $0x1F;
	v9 =	vsel vm1, s30, v9;
	v14 =	vsel vm0, s15, v14;
	s21 =	sshra.s32 s1, $0x4;
	v19 =	vsub.s32 $0x0, v8  }
0x75: {  	s9 =	rddreg [dreg:$0x14];
	s13 =	sadd.s32 s19, s17;
	v9 =	vsel vm12, s0, v9;
	v14 =	vsel vm1, s21, v14;
	s21 =	sshra.s32 s20, $0x4;
	vm10 =	vne.s32 v17, v19  }
0x76: {  	s19 =	sshra.s32 s3, $0x4;
	s3 =	sshrl.u32 s3, $0x1F;
	s17 =	sshra.s32 s8, $0x1F;
	v9 =	vsel vm2, s21, v9;
	vm9 =	vmand vm9, vm10;
	vm10 =	vcmask $0x1F1C  }
0x77: {  	s15 =	smul.u32 $0x51EB851F, s28;
	v16 =	vsel vm0, s3, v16;
	s3 =	sadd.s32 s6, s18;
	s18 =	sshra.s32 s5, $0x4;
	v9 =	vsel vm10, s12, v9;
	v17 =	vsel vm9, $0xFFFFFFFF, v3  }
0x78: {  	v12 =	vmov s31;
	s2 =	sadd.s32 s10, s9;
	s10 =	sshrl.u32 s5, $0x1F;
	s0 =	smul.u32 $0x51EB851F, s17;
	v18 =	vsel vm5, s18, v9;
	v9 =	vadd.s32 v17, v15  }
0x79: {  	v12 =	vsel vm0, s19, v12;
	s19 =	sshra.s32 s13, $0x4;
	v13 =	vsel vm5, s10, v13;
	s11 =	sshrl.u32 s3, $0x1F;
	s6 =	sadd.s32 s15, s23;
	(v2sf) =	vpush v9, $0x1  }
0x7a: {  	v12 =	vsel vm1, s19, v12;
	s19 =	sshra.s32 s2, $0x4;
	v13 =	vsel vm6, s11, v13;
	s0 =	sadd.s32 s0, s24;
	s21 =	sshrl.u32 s6, $0x1F;
	(v2sf) =	vpush v9, $0x0  }
0x7b: {  	s17 =	sshrl.u32 s13, $0x1F;
	v12 =	vsel vm2, s19, v12;
	s24 =	sshrl.u32 s16, $0x1F;
	s19 =	sshra.s32 s0, $0x4;
	v13 =	vsel vm7, s21, v13;
	(v2sf) =	vpush v9, $0x7  }
0x7c: {  	v16 =	vsel vm1, s17, v16;
	v14 =	vsel vm2, s19, v14;
	v13 =	vsel vm8, s24, v13  }
0x7d: {  	s2 =	sshrl.u32 s2, $0x1F;
	v12 =	vcombine.low v14, v12;
	v13 =	vperm.xlane v13, v5;
	(v2sf) =	vpush v9, $0x2  }
0x7e: {  	s7 =	sshrl.u32 s7, $0x1F;
	s5 =	sshra.s32 s5, $0x1F;
	vm9 =	vcmask $0x3734;
	v15 =	vsel vm2, s2, v16;
	(v2sf) =	vpush v9, $0xA  }
0x7f: {  	s20 =	sshra.s32 s3, $0x4;
	s23 =	sshrl.u32 s4, $0x1F;
	v17 =	vmov s7;
	v16 =	vsel vm3, s5, v18;
	(v2sf) =	vpush v9, $0x3  }
0x80: {  	s1 =	sshrl.u32 s1, $0x1F;
	s4 =	sshra.s32 s3, $0x1F;
	v17 =	vsel vm0, s23, v17;
	v16 =	vsel vm6, s20, v16;
	(v2sf) =	vpush v9, $0x4  }
0x81: {  	s0 =	sshrl.u32 s0, $0x1F;
	s5 =	sshra.s32 s6, $0x4;
	v17 =	vsel vm1, s1, v17;
	v16 =	vsel vm11, s4, v16;
	(v2sf) =	vpush v9, $0xF  }
0x82: {  	s7 =	sshra.s32 s6, $0x1F;
	v14 =	vsel vm7, s5, v16;
	v16 =	vsel vm2, s0, v17;
	(v2sf) =	vpush v9, $0xC  }
0x83: {  	s8 =	sshra.s32 s16, $0x4;
	v14 =	vsel vm9, s7, v14;
	v15 =	vcombine.low v16, v15;
	(v2sf) =	vpush v9, $0x5  }
0x84: {  	v12 =	vperm.xlane v12, v4;
	v14 =	vsel vm8, s8, v14;
	(v2sf) =	vpush v9, $0x8  }
0x85: {  	v14 =	vperm.xlane v14, v5;
	v15 =	vperm.xlane v15, v4;
	(v2sf) =	vpush v9, $0x9  }
0x86: {  	(v2sf) =	vpush v9, $0x6  }
0x87: {  	v13 =	vsel vm13, v13, v15;
	v12 =	vsel vm13, v14, v12  }
0x88: {  	v12 =	vadd.s32 v13, v12;
	(v2sf) =	vpush v9, $0xB;
	s9 =	spop (v2sf)  }
0x89: {  	v13 =	vmul.u32 $0xFFFFFFCE, v12;
	s2 =	spop (v2sf);
	s23 =	smulhi.u32 $0x51EB851F, s9  }
0x8a: {  	v14 =	vmul.u32 $0xFFFFFFFD, v11;
	v15 =	vsub.s32 $0x0, v11;
	s12 =	spop (v2sf);
	s17 =	smulhi.u32 $0x51EB851F, s2  }
0x8b: {  	vm9 =	vlt.s32 v11, $0x1;
	vm10 =	vne.s32 v13, v15;
	s8 =	smulhi.u32 $0x51EB851F, s12;
	s3 =	sshra.s32 s12, $0x1F  }
0x8c: {  	v13 =	vadd.s32 v10, v14;
	vm9 =	vmand vm9, vm10;
	s5 =	spop (v2sf);
	s7 =	smul.u32 $0x51EB851F, s3  }
0x8d: {  	v13 =	vmul.u32 $0x7B8, v13;
	v14 =	vsel vm9, $0xFFFFFFFF, v3;
	s0 =	sshra.s32 s9, $0x1F;
	s13 =	spop (v2sf);
	s21 =	smulhi.u32 $0x51EB851F, s5  }
0x8e: {  	v12 =	vadd.s32 v14, v12;
	s3 =	smul.u32 $0x51EB851F, s0;
	s10 =	spop (v2sf)  }
0x8f: {  	v11 =	vadd.s32 v11, v13;
	(v2sf) =	vpush v9, $0xD;
	v12 =	vshll.u32 v12, $0x1;
	s15 =	sshra.s32 s13, $0x1F;
	s16 =	smulhi.u32 $0x51EB851F, s13;
	s11 =	spop (v2sf)  }
0x90: {  	vm14 =	vlt.u32 v10, $0x1644;
	v10 =	vadd.s32 v12, v11;
	s12 =	smul.u32 $0x51EB851F, s15;
	s18 =	spop (v2sf)  }
0x91: {  	v10 =	vnsel vm14, $0x0, v10;
	s19 =	sshra.s32 s10, $0x1F;
	[dreg:$0x16] =	wrdreg s16;
	s13 =	spop (v2sf)  }
0x92: {  	s16 =	smul.u32 $0x51EB851F, s19;
	s15 =	spop (v2sf)  }
0x93: {  	s9 =	sshra.s32 s11, $0x1F;
	s11 =	smulhi.u32 $0x51EB851F, s11;
	s20 =	spop (v2sf)  }
0x94: {  	(v2sf) =	vpush v9, $0xE;
	s6 =	smulhi.u32 $0x51EB851F, s18;
	s4 =	sshra.s32 s18, $0x1F;
	s18 =	spop (v2sf)  }
0x95: {  	s19 =	smul.u32 $0x51EB851F, s4;
	s24 =	spop (v2sf)  }
0x96: {  	s31 =	simm.s32 $0x20;
	[dreg:$0x18] =	wrdreg s21;
	v12 =	vld.idx.msk [tilespmem:v10+s14+$0x0], $0xffff;
	s28 =	smulhi.u32 $0x51EB851F, s24  }
0x97: {  	s30 =	spop (v2sf);
	s21 =	sshra.s32 s24, $0x1F;
	s24 =	smul.u32 $0x51EB851F, s9  }
0x98: {  	s1 =	sshra.s32 s15, $0x1F;
	s9 =	sshra.s32 s2, $0x1F;
	s4 =	smulhi.u32 $0x51EB851F, s30  }
0x99: {  	v6 =	vbroadcast v6, $0x0;
	s2 =	sshra.s32 s5, $0x1F;
	s5 =	sadd.s32 s19, s6;
	s0 =	smul.u32 $0x51EB851F, s21  }
0x9a: {  	s19 =	rddreg [dreg:$0x18];
	s21 =	sadd.s32 s7, s8;
	s7 =	smul.u32 $0x51EB851F, s1  }
0x9b: {  	vm10 =	veq.s32 v12, v6;
	s1 =	sadd.s32 s3, s23;
	s3 =	smul.u32 $0x51EB851F, s2;
	s8 =	rddreg [dreg:$0x16]  }
0x9c: {  	vm10 =	vmand vm14, vm10;
	s23 =	sshra.s32 s20, $0x1F;
	s9 =	smul.u32 $0x51EB851F, s9;
	[dreg:$0x17] =	wrdreg s24  }
0x9d: {  	v11 =	vsel vm10, $0x1, v3;
	s24 =	sshra.s32 s21, $0x1F;
	[dreg:$0x6] =	wrdreg s4;
	s4 =	smulhi.u32 $0x51EB851F, s15  }
0x9e: {  	s6 =	spop (v2sf);
	s15 =	sshra.s32 s13, $0x1F;
	(xrf0) =	vadd.scan.msk.s32 $0xffff, v11;
	s13 =	smulhi.u32 $0x51EB851F, s13  }
0x9f: {  	s0 =	sadd.s32 s0, s28;
	s28 =	sshra.s32 s18, $0x1F;
	s18 =	smulhi.u32 $0x51EB851F, s18;
	v11 =	vsel vm10, $0xFFFFFFFF, v3  }
0xa0: {  	s15 =	smul.u32 $0x51EB851F, s15;
	v11 =	vadd.s32 s22, v11;
	s22 =	sshrl.u32 s0, $0x1F;
	s2 =	sadd.s32 s7, s4  }
0xa1: {  	s4 =	sadd.s32 s12, s8;
	s8 =	smulhi.u32 $0x51EB851F, s10;
	s12 =	sshra.s32 s6, $0x1F  }
0xa2: {  	s7 =	sshra.s32 s30, $0x1F;
	s30 =	sadd.s32 s3, s19;
	[dreg:$0x5] =	wrdreg s22  }
0xa3: {  	s10 =	spop (v2sf);
	s19 =	simm.s32 $0x0;
	[dreg:$0x19] =	wrdreg s12  }
0xa4: {  	s22 =	sshra.s32 s1, $0x1F;
	[dreg:$0x3] =	wrdreg s19;
	s12 =	sadd.s32 s15, s13;
	v15, _, _ =	vpop (xrf0)  }
0xa5: {  	s13 =	sshra.s32 s10, $0x1F;
	s15 =	smulhi.u32 $0x51EB851F, s10;
	s10 =	rddreg [dreg:$0x17];
	v11 =	vadd.s32 v15, v11  }
0xa6: {  	vm11 =	vgt.s32 v12, v6;
	s19 =	sshrl.u32 s1, $0x1F;
	s8 =	sadd.s32 s16, s8;
	s16 =	smul.u32 $0x51EB851F, s28;
	vm9 =	vlt.s32 v11, v7  }
0xa7: {  	vm11 =	vmand vm14, vm11;
	s3 =	sshrl.u32 s30, $0x1F;
	s28 =	sadd.s32 s9, s17;
	s17 =	smul.u32 $0x51EB851F, s13;
	vm9 =	vmand vm10, vm9  }
0xa8: {  	s9 =	sadd.s32 s10, s11;
	s13 =	smulhi.u32 $0x51EB851F, s6;
	s6 =	sshrl.u32 s4, $0x1F;
	vm9 =	vmor vm11, vm9  }
0xa9: {  	s10 =	sadd.s32 s16, s18;
	s11 =	sadd.s32 s17, s15;
	s15 =	sshra.s32 s30, $0x4;
	v13 =	vsel vm9, $0x1, v3  }
0xaa: {  	s17 =	smulhi.u32 $0x51EB851F, s20;
	s16 =	sshra.s32 s28, $0x4;
	s20 =	rddreg [dreg:$0x19];
	(xrf0) =	vadd.scan.msk.s32 $0xffff, v13  }
0xab: {  	s18 =	sshrl.u32 s28, $0x1F;
	s28 =	sshra.s32 s28, $0x1F;
	v11 =	vmov s24;
	s24 =	smul.u32 $0x51EB851F, s20  }
0xac: {  	v16 =	vmul.u32 $0xFFFFFFFD, v9;
	v14 =	vmov s18;
	[dreg:$0x1a] =	wrdreg s17;
	s17 =	sshra.s32 s1, $0x4;
	s1 =	smul.u32 $0x51EB851F, s23  }
0xad: {  	vm14 =	vcmask $0xF0C;
	v17 =	vnsel vm4, $0x0, v14;
	s20 =	sshrl.u32 s8, $0x1F;
	s23 =	sshra.s32 s12, $0x4;
	v11 =	vsel vm4, s16, v11;
	s16 =	sshra.s32 s30, $0x1F  }
0xae: {  	(v2sf) =	vpush v15, $0xF;
	v17 =	vsel vm0, s19, v17;
	s19 =	sshra.s32 s10, $0x4;
	s10 =	sshrl.u32 s10, $0x1F;
	s30 =	simm.s32 $0x0;
	v11 =	vsel vm15, s28, v11  }
0xaf: {  	v14 =	vmov s23;
	s18 =	sadd.s32 s24, s13;
	s13 =	sshra.s32 s8, $0x4;
	v17 =	vsel vm1, s3, v17;
	s24 =	rddreg [dreg:$0x1a];
	v18 =	vsel vm0, s17, v11  }
0xb0: {  	v11 =	vadd.s32 v8, v16;
	s28 =	sadd.s32 s1, s24;
	s17 =	sshra.s32 s4, $0x4;
	v16 =	vsel vm2, s20, v17;
	s1 =	sshrl.u32 s2, $0x1F;
	v17 =	vsel vm14, s22, v18;
	v15, _, _ =	vpop (xrf0)  }
.LBB2_5:
0xb1: {  	s3 =	sadd.s32 $0x10, s31  }
0xb2: {  	[dreg:$0x4] =	wrdreg s3  }
0xb3: {  	s4 =	sshra.s32 s18, $0x4;
	v17 =	vsel vm1, s15, v17;
	v13 =	vsub.s32 v15, v13;
	s15 =	smov.u32 s31;
	s3 =	rddreg [dreg:$0x3]  }
0xb4: {  	s22 =	sshra.s32 s28, $0x4;
	v18 =	vsel vm0, s4, v14;
	v14 =	vor.u32 s15, v2;
	v13 =	vadd.s32 s3, v13  }
0xb5: {  	s23 =	sshrl.u32 s12, $0x1F;
	v19 =	vmov s22;
	v20 =	vmulhi.u32 $0xAAAAAAAB, v14  }
0xb6: {  	(v2sf) =	vpush v15, $0xF;
	v21 =	vmov s23;
	s23 =	sshra.s32 s11, $0x4;
	v19 =	vsel vm0, s19, v19  }
0xb7: {  	s20 =	sshrl.u32 s18, $0x1F;
	v15 =	vsel vm1, s23, v18;
	v18 =	vsel vm1, s17, v19;
	v19 =	vshrl.u32 v20, $0x1  }
0xb8: {  	s24 =	smul.u32 $0x51EB851F, s7;
	s18 =	sshrl.u32 s9, $0x1F;
	v17 =	vsel vm12, s16, v17;
	v59 =	vsel vm0, s20, v21;
	s20 =	simm.s32 $0x7980;
	v60 =	vmul.u32 $0xFFFFFFFD, v19  }
0xb9: {  	s4 =	rddreg [dreg:$0x6];
	v16 =	vsel vm5, s18, v16;
	v22 =	vsub.s32 $0x0, v14;
	[tilespmem:v13+s20+$0x0] =	vst.idx.msk vm9, v12;
	v12 =	vmov s15  }
0xba: {  	vm12 =	vcmask $0x1F1C;
	s4 =	sadd.s32 s24, s4;
	s24 =	sshra.s32 s5, $0x4;
	vm11 =	vne.s32 v60, v22;
	vm10 =	veq.s32 v12, v2  }
0xbb: {  	s22 =	sshrl.u32 s28, $0x1F;
	v17 =	vsel vm2, s13, v17;
	v15 =	vsel vm2, s24, v15;
	s24 =	sshra.s32 s4, $0x4;
	vm10 =	vmand vm10, vm11  }
0xbc: {  	v62 =	vmov s22;
	v18 =	vsel vm2, s24, v18;
	v61 =	vsel vm10, $0xFFFFFFFF, v3  }
0xbd: {  	v20 =	vsel vm0, s10, v62;
	v15 =	vcombine.low v18, v15;
	v19 =	vadd.s32 v61, v19  }
0xbe: {  	s12 =	sshrl.u32 s21, $0x1F;
	v16 =	vsel vm6, s1, v16;
	s4 =	sshrl.u32 s4, $0x1F;
	v20 =	vsel vm1, s6, v20;
	s17 =	spop (v2sf);
	(v2sf) =	vpush v19, $0x1  }
0xbf: {  	s7 =	sshra.s32 s21, $0x4;
	s8 =	sshra.s32 s8, $0x1F;
	s21 =	sshrl.u32 s11, $0x1F;
	v18 =	vsel vm2, s4, v20;
	v15 =	vperm.xlane v15, v4;
	(v2sf) =	vpush v19, $0x0  }
0xc0: {  	s5 =	sshrl.u32 s5, $0x1F;
	s23 =	sshra.s32 s9, $0x4;
	v23 =	vld.idx.msk [tilespmem:v10+s25+$0x0], $0xffff;
	v12 =	vsel vm12, s8, v17;
	v17 =	vsel vm1, s21, v59;
	(v2sf) =	vpush v19, $0x7  }
0xc1: {  	s25 =	sshra.s32 s9, $0x1F;
	s9 =	rddreg [dreg:$0x5];
	v12 =	vsel vm5, s23, v12;
	v17 =	vsel vm2, s5, v17;
	(v2sf) =	vpush v19, $0x2  }
0xc2: {  	s8 =	sshra.s32 s2, $0x4;
	v16 =	vsel vm7, s9, v16;
	v12 =	vsel vm3, s25, v12;
	(v2sf) =	vpush v19, $0xA  }
0xc3: {  	s10 =	sshra.s32 s2, $0x1F;
	vm10 =	vcmask $0x2F2C;
	v12 =	vsel vm6, s8, v12;
	(v2sf) =	vpush v19, $0x3  }
0xc4: {  	s11 =	simm.s32 $0x8180;
	v16 =	vsel vm8, s12, v16;
	s12 =	sshra.s32 s0, $0x4;
	v12 =	vsel vm10, s10, v12;
	(v2sf) =	vpush v19, $0x4  }
0xc5: {  	s13 =	sshra.s32 s0, $0x1F;
	vm10 =	vcmask $0x3734;
	[tilespmem:v13+s11+$0x0] =	vst.idx.msk vm9, v23;
	v12 =	vsel vm7, s12, v12;
	s15 =	spop (v2sf);
	(v2sf) =	vpush v19, $0xF  }
0xc6: {  	v17 =	vcombine.low v18, v17;
	v63 =	vld.idx.msk [tilespmem:v10+s26+$0x0], $0xffff;
	v12 =	vsel vm10, s13, v12;
	(v2sf) =	vpush v19, $0xC  }
0xc7: {  	v16 =	vperm.xlane v16, v5;
	v12 =	vsel vm8, s7, v12;
	(v2sf) =	vpush v19, $0x5  }
0xc8: {  	v17 =	vperm.xlane v17, v4;
	v12 =	vperm.xlane v12, v5;
	(v2sf) =	vpush v19, $0x8  }
0xc9: {  	(v2sf) =	vpush v19, $0x9  }
0xca: {  	s16 =	simm.s32 $0x8980;
	v16 =	vsel vm13, v16, v17;
	v12 =	vsel vm13, v12, v15;
	(v2sf) =	vpush v19, $0x6  }
0xcb: {  	v18 =	vmul.u32 $0xFFFFFFFD, v19;
	[tilespmem:v13+s16+$0x0] =	vst.idx.msk vm9, v63;
	v12 =	vadd.s32 v16, v12;
	(v2sf) =	vpush v19, $0xB  }
0xcc: {  	s18 =	simm.s32 $0x9180;
	s3 =	sadd.s32 s3, s15;
	v15 =	vld.idx.msk [tilespmem:v10+s29+$0x0], $0xffff;
	v16 =	vmul.u32 $0xFFFFFFCE, v12  }
0xcd: {  	s30 =	sadd.s32 s30, s17;
	v17 =	vadd.s32 v14, v18;
	v18 =	vsub.s32 $0x0, v9;
	[dreg:$0x3] =	wrdreg s3;
	s17 =	spop (v2sf)  }
0xce: {  	s20 =	simm.s32 $0x5E00;
	vm10 =	vlt.s32 v9, $0x1;
	vm11 =	vne.s32 v16, v18;
	s0 =	smulhi.u32 $0x51EB851F, s17;
	s19 =	spop (v2sf)  }
0xcf: {  	s25 =	simm.s32 $0x9980;
	vm10 =	vmand vm10, vm11;
	s9 =	smulhi.u32 $0x51EB851F, s19;
	s21 =	spop (v2sf)  }
0xd0: {  	v18 =	vmul.u32 $0x7B8, v11;
	v16 =	vsel vm10, $0xFFFFFFFF, v3;
	s22 =	smulhi.u32 $0x51EB851F, s21;
	s23 =	spop (v2sf);
	s3 =	sshra.s32 s21, $0x1F  }
0xd1: {  	[tilespmem:v13+s18+$0x0] =	vst.idx.msk vm9, v15;
	v12 =	vadd.s32 v16, v12;
	s5 =	sshra.s32 s17, $0x1F;
	s16 =	spop (v2sf);
	s3 =	smul.u32 $0x51EB851F, s3  }
0xd2: {  	v15 =	vld.idx.msk [tilespmem:v10+s20+$0x0], $0xffff;
	v10 =	vshll.u32 v12, $0x1;
	v12 =	vadd.s32 v9, v18;
	s2 =	sshra.s32 s23, $0x1F;
	s23 =	smulhi.u32 $0x51EB851F, s23;
	s8 =	spop (v2sf)  }
0xd3: {  	vm10 =	vlt.u32 v8, $0x1644;
	v10 =	vadd.s32 v10, v12;
	s17 =	sshra.s32 s16, $0x1F;
	s12 =	smulhi.u32 $0x51EB851F, s16;
	s11 =	spop (v2sf)  }
0xd4: {  	v10 =	vnsel vm10, $0x0, v10;
	s18 =	sshra.s32 s8, $0x1F;
	s15 =	smul.u32 $0x51EB851F, s17;
	s24 =	spop (v2sf)  }
0xd5: {  	s21 =	sadd.s32 s3, s22;
	s8 =	smulhi.u32 $0x51EB851F, s8;
	s3 =	spop (v2sf)  }
0xd6: {  	(v2sf) =	vpush v19, $0xD;
	s17 =	sshra.s32 s11, $0x1F;
	s20 =	smulhi.u32 $0x51EB851F, s24;
	s22 =	spop (v2sf)  }
0xd7: {  	(v2sf) =	vpush v19, $0xE;
	s26 =	sshra.s32 s24, $0x1F;
	s24 =	smul.u32 $0x51EB851F, s18;
	s13 =	spop (v2sf)  }
0xd8: {  	p1 =	sne.s32 s31, $0x1640;
	[tilespmem:v13+s25+$0x0] =	vst.idx.msk vm9, v15;
	s17 =	smul.u32 $0x51EB851F, s17;
	s31 =	spop (v2sf)  }
0xd9: {  	v12 =	vld.idx.msk [tilespmem:v10+s14+$0x0], $0xffff;
	s18 =	smul.u32 $0x51EB851F, s26;
	s14 =	spop (v2sf)  }
0xda: {  	s26 =	smulhi.u32 $0x51EB851F, s14;
	s4 =	spop (v2sf)  }
0xdb: {  	s29 =	sshra.s32 s14, $0x1F;
	s14 =	smulhi.u32 $0x51EB851F, s4  }
0xdc: {  	s7 =	sshra.s32 s4, $0x1F;
	s4 =	smul.u32 $0x51EB851F, s5  }
0xdd: {  	s25 =	sshra.s32 s22, $0x1F;
	s5 =	sadd.s32 s18, s20;
	s18 =	smulhi.u32 $0x51EB851F, s22  }
0xde: {  	vm11 =	veq.s32 v12, v6;
	s22 =	smul.u32 $0x51EB851F, s25  }
0xdf: {  	s6 =	sshra.s32 s19, $0x1F;
	vm11 =	vmand vm10, vm11;
	s25 =	smulhi.u32 $0x51EB851F, s3  }
0xe0: {  	v8 =	vmov v14;
	s16 =	sshra.s32 s21, $0x1F;
	s19 =	sshra.s32 s3, $0x1F;
	v14 =	vsel vm11, $0x1, v3;
	s3 =	smul.u32 $0x51EB851F, s6  }
0xe1: {  	s8 =	sadd.s32 s24, s8;
	(xrf0) =	vadd.scan.msk.s32 $0xffff, v14;
	s4 =	sadd.s32 s4, s0;
	s0 =	smul.u32 $0x51EB851F, s29  }
0xe2: {  	s10 =	sshra.s32 s13, $0x1F;
	s24 =	sshrl.u32 s8, $0x1F;
	s29 =	smul.u32 $0x51EB851F, s2  }
0xe3: {  	s28 =	sshra.s32 s31, $0x1F;
	s2 =	sadd.s32 s22, s18;
	s22 =	smulhi.u32 $0x51EB851F, s31  }
0xe4: {  	[dreg:$0x6] =	wrdreg s14;
	s18 =	sadd.s32 s15, s12;
	s12 =	smul.u32 $0x51EB851F, s19  }
0xe5: {  	s14 =	spop (v2sf);
	s3 =	sadd.s32 s3, s9;
	s9 =	smulhi.u32 $0x51EB851F, s11  }
0xe6: {  	v13 =	vsel vm11, $0xFFFFFFFF, v3;
	s11 =	smul.u32 $0x51EB851F, s28;
	s1 =	sshra.s32 s14, $0x1F;
	s20 =	spop (v2sf)  }
0xe7: {  	v13 =	vadd.s32 s30, v13;
	s31 =	sshra.s32 s4, $0x1F;
	s19 =	sshrl.u32 s4, $0x1F;
	s14 =	smulhi.u32 $0x51EB851F, s14;
	v14, _, _ =	vpop (xrf0)  }
0xe8: {  	s6 =	sshrl.u32 s18, $0x1F;
	s4 =	sshra.s32 s4, $0x4;
	s28 =	sshrl.u32 s3, $0x1F;
	v13 =	vadd.s32 v14, v13  }
0xe9: {  	vm9 =	vgt.s32 v12, v6;
	s0 =	sadd.s32 s0, s26;
	s12 =	sadd.s32 s12, s25;
	s25 =	smulhi.u32 $0x51EB851F, s13;
	vm12 =	vlt.s32 v13, v7  }
0xea: {  	vm9 =	vmand vm10, vm9;
	s23 =	sadd.s32 s29, s23;
	s13 =	sshra.s32 s8, $0x4;
	s1 =	smul.u32 $0x51EB851F, s1;
	vm10 =	vmand vm11, vm12  }
0xeb: {  	s26 =	sshrl.u32 s0, $0x1F;
	s29 =	sshrl.u32 s23, $0x1F;
	s15 =	sshra.s32 s23, $0x4;
	vm9 =	vmor vm9, vm10  }
0xec: {  	v15 =	vmov s16;
	s16 =	sshra.s32 s12, $0x4;
	[dreg:$0x5] =	wrdreg s26;
	s26 =	sshra.s32 s20, $0x1F;
	v13 =	vsel vm9, $0x1, v3  }
0xed: {  	v16 =	vmov s28;
	s20 =	smulhi.u32 $0x51EB851F, s20;
	(v2sf) =	vpush v14, $0xF;
	v14 =	vmov s16;
	s16 =	sshra.s32 s23, $0x1F;
	s23 =	sshra.s32 s3, $0x4;
	(xrf0) =	vadd.scan.msk.s32 $0xffff, v13  }
0xee: {  	s9 =	sadd.s32 s17, s9;
	s22 =	sadd.s32 s11, s22;
	v16 =	vnsel vm4, $0x0, v16;
	v15 =	vsel vm4, s23, v15;
	s23 =	smul.u32 $0x51EB851F, s26  }
.Ltmp2:
0xef: {  	s17 =	sshra.s32 s18, $0x4;
	v16 =	vsel vm0, s19, v16;
	s19 =	sshra.s32 s22, $0x4;
	(pc) =	sbr.rel @p1 .LBB2_5-.Ltmp2, $4  }
0xf0: {  	s18 =	sadd.s32 s1, s14;
	s14 =	simm.s32 $0x0;
	s3 =	sshra.s32 s3, $0x1F  }
0xf1: {  	v9 =	vmov v19;
	s1 =	sshrl.u32 s2, $0x1F;
	v19 =	vsel vm15, s3, v15;
	s11 =	sadd.s32 s23, s20;
	s23 =	smul.u32 $0x51EB851F, s10  }
0xf2: {  	v11 =	vmov v17;
	v16 =	vsel vm1, s29, v16;
	s29 =	simm.s32 $0x4680;
	s26 =	simm.s32 $0x2F00;
	s10 =	sshrl.u32 s22, $0x1F;
	v18 =	vsel vm0, s4, v19  }
0xf3: {  	v16 =	vsel vm2, s24, v16;
	vm12 =	vcmask $0x1714;
	v17 =	vsel vm14, s31, v18;
	s31 =	rddreg [dreg:$0x4];
	s28 =	sadd.s32 s23, s25;
	s25 =	simm.s32 $0x1780;
	v15, _, _ =	vpop (xrf0)  }
0xf4: {  	v13 =	vsub.s32 v15, v13;
	s20 =	rddreg [dreg:$0x3]  }
0xf5: {  	s3 =	sshra.s32 s18, $0x4;
	v17 =	vsel vm1, s15, v17;
	s4 =	sshra.s32 s28, $0x4;
	v13 =	vadd.s32 s20, v13  }
0xf6: {  	s31 =	sshrl.u32 s12, $0x1F;
	vm10 =	vcmask $0x1F1C;
	s22 =	sshrl.u32 s28, $0x1F;
	v14 =	vsel vm0, s3, v14;
	v18 =	vmov s4  }
0xf7: {  	v17 =	vsel vm12, s16, v17;
	v19 =	vmov s31;
	s4 =	sshra.s32 s11, $0x4;
	v20 =	vmov s22  }
0xf8: {  	s8 =	sshra.s32 s8, $0x1F;
	s12 =	sshrl.u32 s18, $0x1F;
	s16 =	smul.u32 $0x51EB851F, s7;
	v18 =	vsel vm0, s19, v18;
	v17 =	vsel vm2, s13, v17;
	v14 =	vsel vm1, s4, v14  }
0xf9: {  	s13 =	sshrl.u32 s9, $0x1F;
	v19 =	vsel vm0, s12, v19;
	s19 =	sshrl.u32 s11, $0x1F;
	v20 =	vsel vm0, s10, v20;
	v17 =	vsel vm10, s8, v17;
	s8 =	simm.s32 $0x7980  }
0xfa: {  	s15 =	sshra.s32 s9, $0x4;
	s24 =	rddreg [dreg:$0x6];
	v18 =	vsel vm1, s17, v18;
	v16 =	vsel vm5, s13, v16;
	v19 =	vsel vm1, s19, v19;
	[tilespmem:v13+s8+$0x0] =	vst.idx.msk vm9, v12  }
0xfb: {  	s18 =	sshra.s32 s9, $0x1F;
	s17 =	sshra.s32 s5, $0x4;
	s3 =	sadd.s32 s16, s24;
	vm10 =	vcmask $0x2F2C;
	v20 =	vsel vm1, s6, v20;
	v17 =	vsel vm5, s15, v17;
	v51 =	vld.idx.msk [tilespmem:v10+s25+$0x0], $0xffff  }
0xfc: {  	s23 =	sshra.s32 s2, $0x4;
	s28 =	sshrl.u32 s5, $0x1F;
	v49 =	vsel vm2, s17, v14;
	v50 =	vsel vm6, s1, v16;
	s4 =	sshra.s32 s3, $0x4;
	v17 =	vsel vm3, s18, v17  }
0xfd: {  	s31 =	sshra.s32 s2, $0x1F;
	s10 =	rddreg [dreg:$0x5];
	v19 =	vsel vm2, s28, v19;
	s6 =	sshrl.u32 s3, $0x1F;
	v18 =	vsel vm2, s4, v18;
	v17 =	vsel vm6, s23, v17  }
0xfe: {  	s5 =	sshra.s32 s0, $0x4;
	v20 =	vsel vm2, s6, v20;
	v14 =	vsel vm7, s10, v50;
	v17 =	vsel vm10, s31, v17  }
0xff: {  	s7 =	sshra.s32 s0, $0x1F;
	s11 =	sshrl.u32 s21, $0x1F;
	s12 =	simm.s32 $0x8180;
	v12 =	vcombine.low v18, v49;
	vm10 =	vcmask $0x3734;
	v17 =	vsel vm7, s5, v17  }
0x100: {  	s9 =	sshra.s32 s21, $0x4;
	v52 =	vcombine.low v20, v19;
	v14 =	vsel vm8, s11, v14;
	v17 =	vsel vm10, s7, v17;
	[tilespmem:v13+s12+$0x0] =	vst.idx.msk vm9, v51  }
0x101: {  	v14 =	vperm.xlane v14, v5;
	v12 =	vperm.xlane v12, v4;
	v17 =	vsel vm8, s9, v17;
	v53 =	vld.idx.msk [tilespmem:v10+s26+$0x0], $0xffff  }
0x102: {  	v16 =	vperm.xlane v52, v4;
	v17 =	vperm.xlane v17, v5;
	_ =	sdelay $0x1  }
0x103: {  	v14 =	vsel vm13, v14, v16;
	v12 =	vsel vm13, v17, v12  }
0x104: {  	s13 =	simm.s32 $0x8980;
	v12 =	vadd.s32 v14, v12  }
0x105: {  	v14 =	vmul.u32 $0xFFFFFFCE, v12;
	[tilespmem:v13+s13+$0x0] =	vst.idx.msk vm9, v53  }
0x106: {  	v55 =	vsub.s32 $0x0, v9;
	v54 =	vld.idx.msk [tilespmem:v10+s29+$0x0], $0xffff  }
0x107: {  	vm10 =	vlt.s32 v9, $0x1;
	vm11 =	vne.s32 v14, v55  }
0x108: {  	vm10 =	vmand vm10, vm11  }
0x109: {  	v11 =	vmul.u32 $0x7B8, v11;
	v56 =	vsel vm10, $0xFFFFFFFF, v3  }
0x10a: {  	s15 =	simm.s32 $0x9180;
	v12 =	vadd.s32 v56, v12  }
0x10b: {  	v57 =	vadd.s32 v9, v11;
	s16 =	simm.s32 $0x5E00;
	v12 =	vshll.u32 v12, $0x1;
	[tilespmem:v13+s15+$0x0] =	vst.idx.msk vm9, v54  }
0x10c: {  	vm10 =	vlt.u32 v8, $0x1644;
	v59 =	vadd.s32 v12, v57;
	v58 =	vld.idx.msk [tilespmem:v10+s16+$0x0], $0xffff  }
0x10d: {  	v8 =	vnsel vm10, $0x0, v59;
	_ =	sdelay $0x2  }
0x10e: {  	s17 =	simm.s32 $0x9980  }
0x10f: {  	[tilespmem:v13+s17+$0x0] =	vst.idx.msk vm9, v58  }
0x110: {  	v60 =	vld.idx.msk [tilespmem:v8+s14+$0x0], $0xffff;
	_ =	sdelay $0x4  }
0x111: {  	vm9 =	veq.s32 v60, v6  }
0x112: {  	vm9 =	vmand vm10, vm9  }
0x113: {  	v61 =	vsel vm9, $0x1, v3  }
0x114: {  	(xrf0) =	vadd.scan.msk.s32 $0xffff, v61;
	_ =	sdelay $0x2  }
0x115: {  	(v2sf) =	vpush v15, $0xF  }
0x116: {  	s18 =	spop (v2sf)  }
0x117: {  	s0 =	sadd.s32 s30, s18;
	v62 =	vsel vm9, $0xFFFFFFFF, v3  }
0x118: {  	v10 =	vadd.s32 s0, v62;
	v63, _, _ =	vpop (xrf0)  }
0x119: {  	v10 =	vadd.s32 v63, v10  }
0x11a: {  	vm11 =	vgt.s32 v60, v6;
	vm12 =	vlt.s32 v10, v7  }
0x11b: {  	vm10 =	vmand vm10, vm11;
	vm9 =	vmand vm9, vm12  }
0x11c: {  	vm9 =	vmor vm10, vm9  }
0x11d: {  	v6 =	vsel vm9, $0x1, v3  }
0x11e: {  	(xrf0) =	vadd.scan.msk.s32 $0xffff, v6;
	_ =	sdelay $0x5  }
0x11f: {  	s19 =	spop (v2sf);
	v7, _, _ =	vpop (xrf0)  }
0x120: {  	s0 =	sadd.s32 s20, s19;
	v6 =	vsub.s32 v7, v6  }
0x121: {  	v6 =	vadd.s32 s0, v6;
	_ =	sdelay $0x4  }
0x122: {  	[tilespmem:v6+s8+$0x0] =	vst.idx.msk vm9, v60  }
0x123: {  	v9 =	vld.idx.msk [tilespmem:v8+s25+$0x0], $0xffff;
	_ =	sdelay $0x4  }
0x124: {  	[tilespmem:v6+s12+$0x0] =	vst.idx.msk vm9, v9  }
0x125: {  	v9 =	vld.idx.msk [tilespmem:v8+s26+$0x0], $0xffff  }
0x126: {  	(v2sf) =	vpush v63, $0xF  }
0x127: {  	(v2sf) =	vpush v7, $0xF;
	_ =	sdelay $0x2  }
0x128: {  	[tilespmem:v6+s13+$0x0] =	vst.idx.msk vm9, v9  }
0x129: {  	v7 =	vld.idx.msk [tilespmem:v8+s29+$0x0], $0xffff;
	_ =	sdelay $0x4  }
0x12a: {  	[tilespmem:v6+s15+$0x0] =	vst.idx.msk vm9, v7  }
0x12b: {  	v7 =	vld.idx.msk [tilespmem:v8+s16+$0x0], $0xffff;
	_ =	sdelay $0x3  }
0x12c: {  	s2 =	simm.s32 $0x80;
	s3 =	simm.s32 $0x100;
	s20 =	spop (v2sf)  }
0x12d: {  	s4 =	simm.s32 $0x1;
	s0 =	rddreg [dreg:$0xc];
	s21 =	spop (v2sf);
	[tilespmem:v6+s17+$0x0] =	vst.idx.msk vm9, v7  }
0x12e: {  	[hbm4b:s0+s2] =	stream.strided.scatter [tilespmem:s8], [sflag:$0x1], $0x800, s3, s2, $0x38;
	[tilespmem:$0xA180] =	vst v63  }
0x12f: {  	_ =	swait.ge [sflag:s4], $0x800  }
0x130: {  	[sflag:s4] =	ssyncset.done $0x0  }
0x131: {  	s22 =	rddreg [dreg:$0xd];
	[sflag:s4] =	ssyncadd.s32 $0xFFFFF800  }
0x132: {  	[hbm4b:s22+s2] =	stream.strided.scatter [tilespmem:s12], [sflag:$0x1], $0x800, s3, s2, $0x38;
	[tilespmem:$0xA180] =	vst v63  }
0x133: {  	_ =	swait.ge [sflag:s4], $0x800  }
0x134: {  	[sflag:s4] =	ssyncset.done $0x0  }
0x135: {  	s23 =	rddreg [dreg:$0xe];
	[sflag:s4] =	ssyncadd.s32 $0xFFFFF800  }
0x136: {  	[hbm4b:s23+s2] =	stream.strided.scatter [tilespmem:s13], [sflag:$0x1], $0x800, s3, s2, $0x38;
	[tilespmem:$0xA180] =	vst v63  }
0x137: {  	_ =	swait.ge [sflag:s4], $0x800  }
0x138: {  	[sflag:s4] =	ssyncset.done $0x0  }
0x139: {  	s24 =	rddreg [dreg:$0xf];
	[sflag:s4] =	ssyncadd.s32 $0xFFFFF800  }
0x13a: {  	[hbm4b:s24+s2] =	stream.strided.scatter [tilespmem:s15], [sflag:$0x1], $0x800, s3, s2, $0x38;
	[tilespmem:$0xA180] =	vst v63  }
0x13b: {  	_ =	swait.ge [sflag:s4], $0x800  }
0x13c: {  	[sflag:s4] =	ssyncset.done $0x0  }
0x13d: {  	s28 =	rddreg [dreg:$0x10];
	[sflag:s4] =	ssyncadd.s32 $0xFFFFF800  }
0x13e: {  	[hbm4b:s28+s2] =	stream.strided.scatter [tilespmem:s17], [sflag:$0x1], $0x800, s3, s2, $0x38;
	[tilespmem:$0xA180] =	vst v63  }
0x13f: {  	_ =	swait.ge [sflag:s4], $0x800  }
0x140: {  	s30 =	rddreg [dreg:$0x13]  }
0x141: {  	s31 =	rddreg [dreg:$0x12];
	s1 =	sadd.s32 $0x1, s30  }
0x142: {  	p1 =	sne.s32 s1, s31  }
.Ltmp3:
0x143: {  	_ = 	snop;
	(pc) =	sbr.rel @p1 .LBB2_2-.Ltmp3, $3  }
0x144: {  	_ =	sdelay $0x1  }
0x145: {  	[sflag:s4] =	ssyncset.done $0x0  }
0x146: {  	s5 =	simm.s32 $0x5E00;
	[sflag:s4] =	ssyncadd.s32 $0xFFFFF800  }
.LBB2_7:
0x147: {  	_ =	sfence.sel $0x180000  }
0x148: {  	[bflag:$0x0] =	sbarrier.arrive $0xFFFF  }
0x149: {  	_ =	strace $0x90000047  }
0x14a: {  	[bflag:$0x2] =	sbarrier.arrive $0xFFFF  }
0x14b: {  	s0 =	rddreg [dreg:$0x2]  }
0x14c: {  	s0 =	sadd.s32 @!p0 $0x100000, s0  }
0x14d: {  	[sflag:s0] =	ssyncadd.tile.s32 @!p0 $0x1;
	_ =	shalt  }
.Lfunc_end2:
_tile_overlayer_lowered:
.L_overlay_start_2:
0x14e: {  	(tag) =	ssettag $0x2  }
0x14f: {  	s0 =	rddreg [dreg:$0x0];
	s2 =	stileid.u32  }
0x150: {  	s1 =	rddreg [dreg:$0x1];
	p0 =	sne.s32 s2, $0x0  }
0x151: {  	s3 =	rddreg [dreg:$0x2];
	[bflag:$0x3] =	sbarrier.arrive $0xFFFF;
	s2 =	simm.s32 @!p0 $0x1C01  }
0x152: {  	[timem:s3], [sflag:s2] =	dma.local @!p0 [hbm:s0], s1  }
0x153: {  	s0 =	simm.s32 @!p0 $0x1  }
0x154: {  	_ =	swait.ge @!p0 [sflag:s0], s1  }
0x155: {  	s1 =	ssub.s32 @!p0 $0x0, s1;
	[sflag:s0] =	ssyncset.done @!p0 $0x0  }
0x156: {  	[sflag:s0] =	ssyncadd.s32 @!p0 s1  }
0x157: {  	[bflag:$0x3] =	sbarrier.arrive $0xFFFF  }
0x158: {  	_ =	shalt  }

// kernel: kernel.9.cloned.1.call-start
scs
__scs_entry_jumppad:
0x0: {  	(pc) =	sbr.rel $0x88, $3  }
0x1: {  	(tag) =	ssettag $0x0;
	lr =	simm.s32 $0x1  }
0x2: {  	[smem:$0x3F9A] =	sst lr;
	_ =	strace $0xD0000000  }
0x3: {  	_ = 	snop  }
0x4: {  	_ = 	snop  }
0x5: {  	_ = 	snop  }
0x6: {  	_ = 	snop  }
0x7: {  	_ = 	snop  }
__scs_overlays_trampoline_lowered:
0x8: {  	[smem:$0x3FA9] =	sst s0  }
0x9: {  	[smem:$0x3FAA] =	sst s1  }
0xa: {  	[smem:$0x3FAB] =	sst s2  }
0xb: {  	[smem:$0x3FAC] =	sst s3  }
0xc: {  	[smem:$0x3FAD] =	sst s4  }
0xd: {  	[smem:$0x3FAE] =	sst s5  }
0xe: {  	[smem:$0x3FAF] =	sst s6  }
0xf: {  	[smem:$0x3FB0] =	sst s7  }
0x10: {  	[smem:$0x3FB1] =	sst s8  }
0x11: {  	[smem:$0x3FB2] =	sst s9;
	s0 =	simm.s32 @!p0 $0x0  }
0x12: {  	s1 =	sld [smem:$0x3F98];
	s0 =	simm.s32 @p0 $0x1  }
0x13: {  	[smem:$0x3FB3] =	sst s0;
	s0 =	simm.s32 @!p1 $0x0  }
0x14: {  	s2 =	sld [smem:$0x3F97];
	s0 =	simm.s32 @p1 $0x1  }
0x15: {  	[smem:$0x3FB4] =	sst s0;
	s0 =	simm.s32 @!p2 $0x0  }
0x16: {  	s3 =	sld [smem:$0x3FDB];
	s0 =	simm.s32 @p2 $0x1  }
0x17: {  	s4 =	simm.s32 $0x1BF5;
	[smem:$0x3FB6] =	sst s0  }
0x18: {  	s0 =	sld [smem:$0x3F99];
	_ =	swait.ge [sflag:s4], $0x0  }
0x19: {  	s7 =	sld [smem:$0x3F9A]  }
0x1a: {  	s8 =	sadd.s32 $0xFFFFE003, lr  }
0x1b: {  	s9 =	sadd.s32 $0xFFFFFEF7, lr;
	s5 =	simm.s32 $0xFFFFFFFF;
	p2 =	slt.u32 s8, $0xFFFFF086  }
0x1c: {  	p1 =	slt.u32 s9, $0xF7A;
	s5 =	simm.s32 @!p2 $0x0  }
0x1d: {  	s5 =	simm.s32 @p1 $0x1;
	p0 =	seq.s32 s7, s2  }
0x1e: {  	s7 =	smul.u32 @!p0 $0xF7A, s2;
	p2 =	seq.s32 @!p0 s5, $0x0  }
0x1f: {  	s9 =	smul.u32 $0xF7A, s1;
	s8 =	simm.s32 @!p0 $0x1BF5;
	p2 =	por !p2, p0  }
0x20: {  	[sflag:s8] =	ssyncset.s32 @!p0 $0xFFFFF086;
	s6 =	sadd.s32 @!p0 s3, s7;
	s7 =	simm.s32 @!p0 $0x108  }
0x21: {  	s3 =	sadd.s32 s3, s9;
	s6 =	sadd.s32 @!p0 $0x88, s6;
	s7 =	simm.s32 @p2 $0x1082  }
0x22: {  	[simem:s7], [sflag:s8] =	dma.local @!p0 [hbm:s6], $0xF7A  }
0x23: {  	s9 =	sor.u32 $0xD0000000, s2;
	s6 =	simm.s32 $0x108;
	_ =	swait.ge @!p0 [sflag:s8], $0x0  }
0x24: {  	s3 =	sadd.s32 $0x88, s3;
	s6 =	simm.s32 @!p1 $0x1082;
	[sflag:s4] =	ssyncset.s32 $0xFFFFF086  }
0x25: {  	[simem:s6], [sflag:s4] =	dma.local [hbm:s3], $0xF7A  }
0x26: {  	[smem:$0x3F9A] =	sst s1;
	(tag) =	ssettag s2;
	_ =	strace s9  }
0x27: {  	s1 =	sld [smem:$0x3FAA]  }
0x28: {  	s2 =	sld [smem:$0x3FAB]  }
0x29: {  	s4 =	sld [smem:$0x3FAD]  }
0x2a: {  	p0 =	seq.s32 s5, $0x0;
	s5 =	sld [smem:$0x3FAE]  }
0x2b: {  	s6 =	sld [smem:$0x3FAF]  }
0x2c: {  	s7 =	sld [smem:$0x3FB0]  }
0x2d: {  	s3 =	simm.s32 $0x108;
	s8 =	sld [smem:$0x3FB1]  }
0x2e: {  	s3 =	simm.s32 @!p0 $0x1082;
	s9 =	sld [smem:$0x3FB2]  }
0x2f: {  	lr =	sadd.s32 s0, s3;
	s0 =	sld [smem:$0x3FA9]  }
0x30: {  	s3 =	sld [smem:$0x3FAC]  }
0x31: {  	[smem:$0x3FB5] =	sst s10  }
0x32: {  	s10 =	sld [smem:$0x3FB3];
	_ =	sdelay $0x3  }
0x33: {  	p0 =	seq.s32 s10, $0x1;
	s10 =	sld [smem:$0x3FB5];
	_ =	sdelay $0x3  }
0x34: {  	[smem:$0x3FB5] =	sst s10  }
0x35: {  	s10 =	sld [smem:$0x3FB4];
	_ =	sdelay $0x3  }
0x36: {  	p1 =	seq.s32 s10, $0x1;
	s10 =	sld [smem:$0x3FB5];
	_ =	sdelay $0x3  }
0x37: {  	[smem:$0x3FB5] =	sst s10  }
0x38: {  	s10 =	sld [smem:$0x3FB6]  }
0x39: {  	_ = 	snop;
	(pc) =	sbr.ind lr, $3  }
0x3a: {  	_ = 	snop  }
0x3b: {  	_ = 	snop  }
0x3c: {  	p2 =	seq.s32 s10, $0x1;
	s10 =	sld [smem:$0x3FB5]  }
0x3d: {  	_ =	shalt  }
0x3e: {  	_ =	shalt  }
0x3f: {  	_ =	shalt  }
0x40: {  	_ =	shalt  }
0x41: {  	_ =	shalt  }
0x42: {  	_ =	shalt  }
0x43: {  	_ =	shalt  }
0x44: {  	_ =	shalt  }
0x45: {  	_ =	shalt  }
0x46: {  	_ =	shalt  }
0x47: {  	_ =	shalt  }
0x48: {  	_ =	shalt  }
0x49: {  	_ =	shalt  }
0x4a: {  	_ =	shalt  }
0x4b: {  	_ =	shalt  }
0x4c: {  	_ =	shalt  }
0x4d: {  	_ =	shalt  }
0x4e: {  	_ =	shalt  }
0x4f: {  	_ =	shalt  }
0x50: {  	_ =	shalt  }
0x51: {  	_ =	shalt  }
0x52: {  	_ =	shalt  }
0x53: {  	_ =	shalt  }
0x54: {  	_ =	shalt  }
0x55: {  	_ =	shalt  }
0x56: {  	_ =	shalt  }
0x57: {  	_ =	shalt  }
0x58: {  	_ =	shalt  }
0x59: {  	_ =	shalt  }
0x5a: {  	_ =	shalt  }
0x5b: {  	_ =	shalt  }
0x5c: {  	_ =	shalt  }
0x5d: {  	_ =	shalt  }
0x5e: {  	_ =	shalt  }
0x5f: {  	_ =	shalt  }
0x60: {  	_ =	shalt  }
0x61: {  	_ =	shalt  }
0x62: {  	_ =	shalt  }
0x63: {  	_ =	shalt  }
0x64: {  	_ =	shalt  }
0x65: {  	_ =	shalt  }
0x66: {  	_ =	shalt  }
0x67: {  	_ =	shalt  }
0x68: {  	_ =	shalt  }
0x69: {  	_ =	shalt  }
0x6a: {  	_ =	shalt  }
0x6b: {  	_ =	shalt  }
0x6c: {  	_ =	shalt  }
0x6d: {  	_ =	shalt  }
0x6e: {  	_ =	shalt  }
0x6f: {  	_ =	shalt  }
0x70: {  	_ =	shalt  }
0x71: {  	_ =	shalt  }
0x72: {  	_ =	shalt  }
0x73: {  	_ =	shalt  }
0x74: {  	_ =	shalt  }
0x75: {  	_ =	shalt  }
0x76: {  	_ =	shalt  }
0x77: {  	_ =	shalt  }
0x78: {  	_ =	shalt  }
0x79: {  	_ =	shalt  }
0x7a: {  	_ =	shalt  }
0x7b: {  	_ =	shalt  }
0x7c: {  	_ =	shalt  }
0x7d: {  	_ =	shalt  }
0x7e: {  	_ =	shalt  }
0x7f: {  	_ =	shalt  }
0x80: {  	_ =	shalt  }
0x81: {  	_ =	shalt  }
0x82: {  	_ =	shalt  }
0x83: {  	_ =	shalt  }
0x84: {  	_ =	shalt  }
0x85: {  	_ =	shalt  }
0x86: {  	_ =	shalt  }
0x87: {  	_ =	shalt  }
.Lfunc_end0:
.L_simem_size_0:
called_computation.1_lowered:
.L_overlay_start_0:
0x88: {  	s2 =	sld [smem:$0x3FD9]  }
0x89: {  	s3 =	sld [smem:$0x3FFE];
	_ =	sdelay $0x1  }
0x8a: {  	s1 =	srdreg.scid  }
0x8b: {  	s0 =	sand.u32 $0x1, s1  }
0x8c: {  	s17 =	sshll.u32 s0, $0xA;
	s2 =	sadd.s32 s3, s2  }
0x8d: {  	s2 =	sadd.s32 s2, s17  }
0x8e: {  	[smem:$0x3FC1] =	sst s2  }
0x8f: {  	_ = 	snop  }
0x90: {  	s2 =	sld [smem:$0x3FD0];
	(tm) =	ssettm $0x1  }
0x91: {  	s18 =	sld [smem:$0x3FFB];
	_ =	sdelay $0x3  }
0x92: {  	_ =	strace s18  }
0x93: {  	s3 =	sld [smem:$0x3FFC];
	_ =	sdelay $0x3  }
0x94: {  	_ =	strace s3  }
0x95: {  	s3 =	sld [smem:$0x3FFD];
	_ =	sdelay $0x3  }
0x96: {  	_ =	strace s3  }
0x97: {  	_ =	strace $0x8FFFFFFF  }
0x98: {  	s19 =	sld [smem:$0x3FDB];
	_ =	sdelay $0x1  }
0x99: {  	s4 =	simm.s32 $_scs_section_size  }
0x9a: {  	s5 =	simm.s32 $_size__tile_overlayer_lowered;
	s6 =	simm.s32 $_tile_overlayer_lowered  }
0x9b: {  	s22 =	simm.s32 $0x1BFF;
	s21 =	sshll.u32 s6, $0x1;
	s3 =	sadd.s32 s4, s19  }
0x9c: {  	s7 =	simm.s32 $0x0;
	s20 =	sshll.u32 s5, $0x1;
	s5 =	sadd.s32 s21, s3  }
0x9d: {  	[timem:s7], [sflag:s22] =	dma.local [hbm:s5], s20  }
0x9e: {  	_ =	swait.ge [sflag:s22], s20  }
0x9f: {  	s4 =	ssub.s32 $0x0, s20;
	[sflag:s22] =	ssyncset.done $0x0  }
0xa0: {  	[sflag:s22] =	ssyncadd.s32 s4;
	_ =	sdelay $0x1  }
0xa1: {  	s23 =	simm.s32 $0x1B8B  }
0xa2: {  	_ =	swait.ge [sflag:s23], $0x1  }
0xa3: {  	[sflag:s23] =	ssyncset.done $0x0  }
0xa4: {  	s25 =	simm.s32 $0x1B8E;
	s24 =	sld [smem:$0x3FFE];
	[sflag:s23] =	ssyncadd.s32 $0xFFFFFFFF  }
0xa5: {  	s26 =	simm.s32 $execute0_lowered;
	[smem:$0x3FD2] =	sst s25  }
0xa6: {  	s5 =	sshll.u32 s26, $0x1;
	_ =	strace $0x80000049;
	[dreg:$0x1] =	wrdreg $0xFFFFFFFF  }
0xa7: {  	s28 =	simm.s32 $_size_execute0_lowered;
	s3 =	sadd.s32 s3, s5;
	[dreg:$0x0] =	wrdreg $0x0  }
0xa8: {  	s5 =	sshll.u32 s28, $0x1;
	[dreg:$0x2] =	wrdreg s3  }
0xa9: {  	[dreg:$0x3] =	wrdreg s5  }
0xaa: {  	[dreg:$0x4] =	wrdreg $0xC0  }
0xab: {  	_ =	task [dreg:s7], $0x5FFFF  }
0xac: {  	[dreg:$0x1] =	wrdreg $0xFFFFFFFF  }
0xad: {  	[dreg:$0x0] =	wrdreg $0x60  }
0xae: {  	[dreg:$0x2] =	wrdreg s24  }
0xaf: {  	[dreg:$0x3] =	wrdreg s2  }
0xb0: {  	[dreg:$0x4] =	wrdreg $0x9  }
0xb1: {  	_ =	task.clear_ibuf [dreg:s7], $0x5FFFF;
	_ =	strace $0x90000049  }
0xb2: {  	s29 =	simm.s32 $0x9;
	_ =	strace $0x8000004B  }
0xb3: {  	_ =	swait.ge [sflag:s29], $0x1  }
0xb4: {  	[sflag:s29] =	ssyncadd.s32 $0xFFFFFFFF  }
0xb5: {  	_ =	strace $0x9000004B  }
0xb6: {  	_ =	sfence  }
0xb7: {  	s30 =	sld [smem:$0x0];
	_ =	sdelay $0x2  }
0xb8: {  	s31 =	sshll.u32 s1, $0xD;
	s1 =	sshrl.u32 s1, $0x2  }
0xb9: {  	s3 =	sand.u32 $0x4000, s31;
	s1 =	sadd.s32 s1, s30  }
0xba: {  	s0 =	sor.u32 s3, s0;
	s1 =	sshll.u32 s1, $0x11  }
0xbb: {  	s0 =	sor.u32 s1, s0  }
0xbc: {  	s0 =	sadd.s32 $0x8F2B, s0  }
0xbd: {  	[sflag:s0] =	ssyncadd.remote.s32 $0x1  }
0xbe: {  	_ =	sfence.sel $0xFFFF  }
0xbf: {  	[dreg:$0x0] =	wrdreg $0xFFFFFFFF;
	(pc) =	sbr.abs _section_cstart, $3  }
0xc0: {  	[dreg:$0x1] =	wrdreg $0xFFFFFFFF  }
0xc1: {  	_ =	task.clear_ibuf [dreg:s7], $0x2FFFF;
	_ =	strace $0x9FFFFFFF  }
0xc2: {  	(tm) =	ssettm $0x7FFFFFFF  }
0xc3: {  	_ =	shalt  }
tec
execute0_lowered:
.L_overlay_start_1:
0x0: {  	(tag) =	ssettag $0x1  }
0x1: {  	s3 =	stileid.u32  }
0x2: {  	p0 =	sne.s32 s3, $0x0  }
.Ltmp0:
0x3: {  	_ = 	snop;
	(pc) =	sbr.rel @p0 .LBB2_5-.Ltmp0, $4  }
0x4: {  	s2 =	rddreg [dreg:$0x0]  }
0x5: {  	s7 =	rddreg [dreg:$0x1];
	s1 =	simm.s32 $0x0  }
0x6: {  	[smem:$0x7FF] =	sst s1  }
0x7: {  	s0 =	rddreg [dreg:$0x2];
	_ =	strace $0x8000004A  }
0x8: {  	s3 =	srdreg.scid  }
0x9: {  	s9 =	sadd.s32 $0x1E00, s2;
	s12 =	simm.s32 $0x1;
	s13 =	simm.s32 $0x800  }
0xa: {  	s14 =	simm.s32 $0x1000;
	s15 =	simm.s32 $0x1800;
	s3 =	sand.u32 $0x1, s3  }
0xb: {  	s16 =	simm.s32 $0x2000;
	s17 =	simm.s32 $0x2800;
	s8 =	sshll.u32 s3, $0x4  }
0xc: {  	s18 =	simm.s32 $0x3000;
	s10 =	ssub.s32 $0x2, s3;
	s6 =	sadd.s32 s8, s2  }
0xd: {  	s11 =	sshrl.u32 s10, $0x1;
	s7 =	sadd.s32 s7, s8;
	s8 =	sadd.s32 s9, s8  }
0xe: {  	s2 =	sadd.s32 $0x1C00, s6;
	s3 =	sadd.s32 $0x3C00, s6;
	s4 =	sadd.s32 $0x3E00, s6  }
0xf: {  	s5 =	sadd.s32 $0x4000, s6;
	s6 =	sadd.s32 $0x4200, s6;
	s10 =	ssub.s32 s10, s11  }
0x10: {  	s11 =	simm.s32 $0x100;
	s9 =	smax.u32 s10, $0x1;
	s10 =	simm.s32 $0x80  }
.LBB2_2:
0x11: {  	s19 =	simm.s32 $0x0  }
0x12: {  	[tilespmem:s19], [sflag:$0x1] =	stream.strided.gather [hbm4b:s8+s10], $0x800, s11, s10, $0x38;
	[tilespmem:$0x4400] =	vst v63  }
0x13: {  	_ =	swait.ge [sflag:s12], $0x800  }
0x14: {  	[sflag:s12] =	ssyncset.done $0x0  }
0x15: {  	[sflag:s12] =	ssyncadd.s32 $0xFFFFF800  }
0x16: {  	[tilespmem:s13], [sflag:$0x1] =	stream.strided.gather [hbm4b:s2+s10], $0x800, s11, s10, $0x38;
	[tilespmem:$0x4400] =	vst v63  }
0x17: {  	_ =	swait.ge [sflag:s12], $0x800  }
0x18: {  	[sflag:s12] =	ssyncset.done $0x0  }
0x19: {  	[sflag:s12] =	ssyncadd.s32 $0xFFFFF800  }
0x1a: {  	[tilespmem:s14], [sflag:$0x1] =	stream.strided.gather [hbm4b:s3+s10], $0x800, s11, s10, $0x38;
	[tilespmem:$0x4400] =	vst v63  }
0x1b: {  	_ =	swait.ge [sflag:s12], $0x800  }
0x1c: {  	[sflag:s12] =	ssyncset.done $0x0  }
0x1d: {  	[sflag:s12] =	ssyncadd.s32 $0xFFFFF800  }
0x1e: {  	[tilespmem:s15], [sflag:$0x1] =	stream.strided.gather [hbm4b:s4+s10], $0x800, s11, s10, $0x38;
	[tilespmem:$0x4400] =	vst v63  }
0x1f: {  	_ =	swait.ge [sflag:s12], $0x800  }
0x20: {  	[sflag:s12] =	ssyncset.done $0x0  }
0x21: {  	[sflag:s12] =	ssyncadd.s32 $0xFFFFF800  }
0x22: {  	[tilespmem:s16], [sflag:$0x1] =	stream.strided.gather [hbm4b:s5+s10], $0x800, s11, s10, $0x38;
	[tilespmem:$0x4400] =	vst v63  }
0x23: {  	_ =	swait.ge [sflag:s12], $0x800  }
0x24: {  	[sflag:s12] =	ssyncset.done $0x0  }
0x25: {  	[sflag:s12] =	ssyncadd.s32 $0xFFFFF800  }
0x26: {  	[tilespmem:s17], [sflag:$0x1] =	stream.strided.gather [hbm4b:s6+s10], $0x800, s11, s10, $0x38;
	[tilespmem:$0x4400] =	vst v63  }
0x27: {  	_ =	swait.ge [sflag:s12], $0x800  }
0x28: {  	[sflag:s12] =	ssyncset.done $0x0  }
0x29: {  	s20 =	simm.s32 $0x40;
	s19 =	simm.s32 $0x0;
	[sflag:s12] =	ssyncadd.s32 $0xFFFFF800  }
.LBB2_3:
0x2a: {  	p1 =	sne.s32 s20, $0x1FC0;
	v0 =	vld [tilespmem:s19+$0x0]  }
0x2b: {  	v1 =	vld [tilespmem:s19+$0x1000];
	_ =	sdelay $0x3  }
0x2c: {  	v2 =	vmul.u32 $0x5, v0  }
0x2d: {  	vm0 =	vlt.s32 v0, $0x3E8  }
0x2e: {  	v0 =	vnsel vm0, $0x0, v2;
	_ =	sdelay $0x4  }
0x2f: {  	[tilespmem:v0+s18+$0x0] =	vst.idx.msk vm0, v1  }
0x30: {  	v1 =	vadd.s32 $0x1, v0;
	v2 =	vld [tilespmem:s19+$0x1800];
	_ =	sdelay $0x4  }
0x31: {  	[tilespmem:v1+s18+$0x0] =	vst.idx.msk vm0, v2  }
0x32: {  	v1 =	vadd.s32 $0x2, v0;
	v2 =	vld [tilespmem:s19+$0x2000];
	_ =	sdelay $0x4  }
0x33: {  	[tilespmem:v1+s18+$0x0] =	vst.idx.msk vm0, v2  }
0x34: {  	v1 =	vadd.s32 $0x3, v0;
	v2 =	vld [tilespmem:s19+$0x2800];
	_ =	sdelay $0x4  }
0x35: {  	[tilespmem:v1+s18+$0x0] =	vst.idx.msk vm0, v2  }
0x36: {  	v0 =	vadd.s32 $0x4, v0;
	v1 =	vld [tilespmem:s19+$0x800]  }
.Ltmp1:
0x37: {  	(pc) =	sbr.rel @p1 .LBB2_3-.Ltmp1, $2  }
0x38: {  	_ =	sdelay $0x2  }
0x39: {  	s19 =	sshra.s32 s20, $0x2;
	s20 =	sadd.s32 $0x40, s20;
	[tilespmem:v0+s18+$0x0] =	vst.idx.msk vm0, v1  }
0x3a: {  	v0 =	vld [tilespmem:s19+$0x0];
	_ =	sdelay $0x4  }
0x3b: {  	v1 =	vmul.u32 $0x5, v0  }
0x3c: {  	vm0 =	vlt.s32 v0, $0x3E8  }
0x3d: {  	v58 =	vld [tilespmem:s19+$0x1000];
	v1 =	vnsel vm0, $0x0, v1;
	_ =	sdelay $0x4  }
0x3e: {  	[tilespmem:v1+s18+$0x0] =	vst.idx.msk vm0, v58  }
0x3f: {  	v59 =	vadd.s32 $0x1, v1;
	v2 =	vld [tilespmem:s19+$0x1800];
	_ =	sdelay $0x4  }
0x40: {  	[tilespmem:v59+s18+$0x0] =	vst.idx.msk vm0, v2  }
0x41: {  	v60 =	vadd.s32 $0x2, v1;
	v2 =	vld [tilespmem:s19+$0x2000];
	_ =	sdelay $0x4  }
0x42: {  	[tilespmem:v60+s18+$0x0] =	vst.idx.msk vm0, v2  }
0x43: {  	v61 =	vadd.s32 $0x3, v1;
	v2 =	vld [tilespmem:s19+$0x2800];
	_ =	sdelay $0x4  }
0x44: {  	[tilespmem:v61+s18+$0x0] =	vst.idx.msk vm0, v2  }
0x45: {  	v62 =	vadd.s32 $0x4, v1;
	v63 =	vld [tilespmem:s19+$0x800];
	_ =	sdelay $0x2  }
0x46: {  	s1 =	sadd.s32 $0x1, s1  }
0x47: {  	p1 =	sne.s32 s1, s9  }
.Ltmp2:
0x48: {  	[tilespmem:v62+s18+$0x0] =	vst.idx.msk vm0, v63;
	(pc) =	sbr.rel @p1 .LBB2_2-.Ltmp2, $4  }
0x49: {  	[hbm4b:s7+s10] =	stream.strided.scatter [tilespmem:s18], [sflag:$0x1], $0x1400, s11, s10, $0x38;
	[tilespmem:$0x4400] =	vst v63  }
0x4a: {  	_ =	swait.ge [sflag:s12], $0x1400  }
0x4b: {  	[sflag:s12] =	ssyncset.done $0x0  }
0x4c: {  	[sflag:s12] =	ssyncadd.s32 $0xFFFFEC00  }
.LBB2_5:
0x4d: {  	_ =	sfence.sel $0x180000  }
0x4e: {  	[bflag:$0x0] =	sbarrier.arrive $0xFFFF  }
0x4f: {  	_ =	strace $0x9000004A  }
0x50: {  	s0 =	sadd.s32 @!p0 $0x100000, s0;
	[bflag:$0x2] =	sbarrier.arrive $0xFFFF  }
0x51: {  	[sflag:s0] =	ssyncadd.tile.s32 @!p0 $0x1;
	_ =	shalt  }
.Lfunc_end2:
_tile_overlayer_lowered:
.L_overlay_start_2:
0x52: {  	(tag) =	ssettag $0x2  }
0x53: {  	s0 =	rddreg [dreg:$0x0];
	s2 =	stileid.u32  }
0x54: {  	s1 =	rddreg [dreg:$0x1];
	p0 =	sne.s32 s2, $0x0  }
0x55: {  	s3 =	rddreg [dreg:$0x2];
	[bflag:$0x3] =	sbarrier.arrive $0xFFFF;
	s2 =	simm.s32 @!p0 $0x1C01  }
0x56: {  	[timem:s3], [sflag:s2] =	dma.local @!p0 [hbm:s0], s1  }
0x57: {  	s0 =	simm.s32 @!p0 $0x1  }
0x58: {  	_ =	swait.ge @!p0 [sflag:s0], s1  }
0x59: {  	s1 =	ssub.s32 @!p0 $0x0, s1;
	[sflag:s0] =	ssyncset.done @!p0 $0x0  }
0x5a: {  	[sflag:s0] =	ssyncadd.s32 @!p0 s1  }
0x5b: {  	[bflag:$0x3] =	sbarrier.arrive $0xFFFF  }
0x5c: {  	_ =	shalt  }

</sc_bundles>
